<compile_context>
chip_gen: v7x
topology: tpu7x:2x2x1
jax: 0.10.2.dev20260603
libtpu: 0.0.44.dev20260713+nightly
codegen_flags: <defaults>
</compile_context>

<pallas_src>
import functools

import jax
import jax.numpy as jnp
from jax import lax
from jax.experimental import pallas as pl
from jax.experimental.pallas import tpu as pltpu
from jax.experimental.pallas import tpu_sc as plsc

N = 10000
E = 320000
D = 128
NC = 2
NS = 16
NW = NC * NS
EPT = E // NW
K = 80
NCHUNK = EPT // K
RPT = 632
RPT_LAST = N - (NS - 1) * RPT

f32 = jnp.float32

_RN = 2000
_RE = 4000



def _full(shape):
    return pl.BlockSpec(shape, lambda i: (0,) * len(shape))


def _rows(shape):
    return pl.BlockSpec(shape, lambda i: (i,) + (0,) * (len(shape) - 1))


def _encode_body(x_ref, wne, bne, wees, weed, bee, we1a, we1b, be1,
                 n_ref, a_ref, b_ref, as_ref, ad_ref):
    x = x_ref[...]
    n = jnp.dot(x, wne[...], preferred_element_type=f32) + bne[...]
    n_ref[...] = n
    a_ref[...] = jnp.dot(n, wees[...], preferred_element_type=f32) + bee[...]
    b_ref[...] = jnp.dot(n, weed[...], preferred_element_type=f32)
    as_ref[...] = jnp.dot(n, we1a[...], preferred_element_type=f32) + be1[...]
    ad_ref[...] = jnp.dot(n, we1b[...], preferred_element_type=f32)


def _encode_call(nodes, wne, bne, wees, weed, bee, we1a, we1b, be1):
    w = _full((D, D))
    b = _full((1, D))
    r = _rows((_RN, D))
    return pl.pallas_call(
        _encode_body,
        grid=(N // _RN,),
        in_specs=[r, w, b, w, w, b, w, w, b],
        out_specs=[r, r, r, r, r],
        out_shape=[jax.ShapeDtypeStruct((N, D), f32)] * 5,
    )(nodes, wne, bne, wees, weed, bee, we1a, we1b, be1)


def _node_body(n_ref, m0_ref, m1_ref, wn1a, wn1b, bn1, wn2, bn2,
               we1a, we1b, be1, wps, wpd, bp,
               nn_ref, as_ref, ad_ref, ps_ref, pd_ref):
    ncur = n_ref[...]
    msg = m0_ref[...] + m1_ref[...]
    h = jnp.maximum(
        jnp.dot(ncur, wn1a[...], preferred_element_type=f32)
        + jnp.dot(msg, wn1b[...], preferred_element_type=f32) + bn1[...], 0.0)
    nn = jnp.dot(h, wn2[...], preferred_element_type=f32) + bn2[...] + ncur
    nn_ref[...] = nn
    as_ref[...] = jnp.dot(nn, we1a[...], preferred_element_type=f32) + be1[...]
    ad_ref[...] = jnp.dot(nn, we1b[...], preferred_element_type=f32)
    ps_ref[...] = jnp.sum(nn * wps[...], axis=1, keepdims=True) + bp[...]
    pd_ref[...] = jnp.sum(nn * wpd[...], axis=1, keepdims=True)


def _node_call(n, m0, m1, wn1a, wn1b, bn1, wn2, bn2, we1a, we1b, be1,
               wps, wpd, bp):
    w = _full((D, D))
    b = _full((1, D))
    r = _rows((_RN, D))
    r1 = _rows((_RN, 1))
    return pl.pallas_call(
        _node_body,
        grid=(N // _RN,),
        in_specs=[r, r, r, w, w, b, w, b, w, w, b, b, b, _full((1, 1))],
        out_specs=[r, r, r, r1, r1],
        out_shape=[jax.ShapeDtypeStruct((N, D), f32)] * 3
        + [jax.ShapeDtypeStruct((N, 1), f32)] * 2,
    )(n, m0, m1, wn1a, wn1b, bn1, wn2, bn2, we1a, we1b, be1, wps, wpd, bp)


def _edge_body(e_ref, g_ref, we1c, we2, be2, wpe, en_ref, ped_ref):
    e = e_ref[...]
    h = jnp.maximum(g_ref[...] + jnp.dot(e, we1c[...],
                                         preferred_element_type=f32), 0.0)
    en = jnp.dot(h, we2[...], preferred_element_type=f32) + be2[...] + e
    en_ref[...] = en
    ped_ref[...] = jnp.sum(en * wpe[...], axis=1, keepdims=True)


def _edge_call(e, g, we1c, we2, be2, wpe):
    w = _full((D, D))
    b = _full((1, D))
    r = _rows((_RE, D))
    return pl.pallas_call(
        _edge_body,
        grid=(E // _RE,),
        in_specs=[r, r, w, w, b, b],
        out_specs=[r, _rows((_RE, 1))],
        out_shape=[jax.ShapeDtypeStruct((E, D), f32),
                   jax.ShapeDtypeStruct((E, 1), f32)],
    )(e, g, we1c, we2, be2, wpe)



_MESH = plsc.VectorSubcoreMesh(core_axis_name="c", subcore_axis_name="s")


def _tile_slice_copy(src_ref, dst_ref, s):
    start = pl.multiple_of(s * RPT, 8)

    @pl.when(s < NS - 1)
    def _():
        pltpu.sync_copy(src_ref.at[pl.ds(start, RPT)],
                        dst_ref.at[pl.ds(start, RPT)])

    @pl.when(s == NS - 1)
    def _():
        pltpu.sync_copy(src_ref.at[pl.ds((NS - 1) * RPT, RPT_LAST)],
                        dst_ref.at[pl.ds((NS - 1) * RPT, RPT_LAST)])


def _fused_common(init, refs):
    if init:
        (a_hbm, b_hbm, as_hbm, ad_hbm, src_hbm, dst_hbm, zeros_hbm,
         e_out, g_out, m0_out, m1_out,
         idxs, idxd, bufa, bufb, bufea, bufeb, msg_sp,
         sema, semb, semc, semd) = refs
    else:
        (e_hbm, as_hbm, ad_hbm, src_hbm, dst_hbm, zeros_hbm,
         g_out, m0_out, m1_out,
         idxs, idxd, bufa, bufb, bufe, msg_sp, sema, semb) = refs
    c = lax.axis_index("c")
    s = lax.axis_index("s")
    wid = c * NS + s
    _tile_slice_copy(zeros_hbm, msg_sp, s)
    plsc.subcore_barrier()

    def chunk(j, carry):
        base = wid * EPT + j * K
        pltpu.sync_copy(src_hbm.at[pl.ds(base, K)], idxs)
        pltpu.sync_copy(dst_hbm.at[pl.ds(base, K)], idxd)
        cpa = pltpu.async_copy(as_hbm.at[idxs], bufa, sema)
        cpb = pltpu.async_copy(ad_hbm.at[idxd], bufb, semb)
        if init:
            cpea = pltpu.async_copy(a_hbm.at[idxs], bufea, semc)
            cpeb = pltpu.async_copy(b_hbm.at[idxd], bufeb, semd)
        else:
            pltpu.sync_copy(e_hbm.at[pl.ds(base, K)], bufe)
        cpa.wait()
        cpb.wait()
        if init:
            cpea.wait()
            cpeb.wait()

        def row(r, carry2):
            for u in range(D // 16):
                sl = pl.ds(u * 16, 16)
                bufa[r, sl] = bufa[r, sl] + bufb[r, sl]
                if init:
                    bufea[r, sl] = bufea[r, sl] + bufeb[r, sl]
            return carry2

        lax.fori_loop(0, K, row, 0)
        ebuf = bufea if init else bufe
        pltpu.sync_copy(ebuf, msg_sp.at[idxd], add=True)
        pltpu.sync_copy(bufa, g_out.at[pl.ds(base, K)])
        if init:
            pltpu.sync_copy(ebuf, e_out.at[pl.ds(base, K)])
        return carry

    lax.fori_loop(0, NCHUNK, chunk, 0)
    plsc.subcore_barrier()

    @pl.when(c == 0)
    def _():
        _tile_slice_copy(msg_sp, m0_out, s)

    @pl.when(c == 1)
    def _():
        _tile_slice_copy(msg_sp, m1_out, s)


def _fused_init_body(*refs):
    _fused_common(True, refs)


def _fused_iter_body(*refs):
    _fused_common(False, refs)


_ND = jax.ShapeDtypeStruct((N, D), f32)
_ED = jax.ShapeDtypeStruct((E, D), f32)

_fused_init = pl.kernel(
    _fused_init_body,
    out_type=[_ED, _ED, _ND, _ND],
    mesh=_MESH,
    scratch_types=[
        pltpu.VMEM((K,), jnp.int32),
        pltpu.VMEM((K,), jnp.int32),
        pltpu.VMEM((K, D), f32),
        pltpu.VMEM((K, D), f32),
        pltpu.VMEM((K, D), f32),
        pltpu.VMEM((K, D), f32),
        pltpu.VMEM_SHARED((N, D), f32),
        pltpu.SemaphoreType.DMA,
        pltpu.SemaphoreType.DMA,
        pltpu.SemaphoreType.DMA,
        pltpu.SemaphoreType.DMA,
    ],
)

_fused_iter = pl.kernel(
    _fused_iter_body,
    out_type=[_ED, _ND, _ND],
    mesh=_MESH,
    scratch_types=[
        pltpu.VMEM((K,), jnp.int32),
        pltpu.VMEM((K,), jnp.int32),
        pltpu.VMEM((K, D), f32),
        pltpu.VMEM((K, D), f32),
        pltpu.VMEM((K, D), f32),
        pltpu.VMEM_SHARED((N, D), f32),
        pltpu.SemaphoreType.DMA,
        pltpu.SemaphoreType.DMA,
    ],
)


def _pred_body(ps_hbm, pd_hbm, ped_hbm, src_hbm, dst_hbm, out_hbm,
               psv, pdv, idxs, idxd, pedv, outv):
    c = lax.axis_index("c")
    s = lax.axis_index("s")
    wid = c * NS + s
    base = wid * EPT
    pltpu.sync_copy(ps_hbm, psv)
    pltpu.sync_copy(pd_hbm, pdv)
    pltpu.sync_copy(src_hbm.at[pl.ds(base, EPT)], idxs)
    pltpu.sync_copy(dst_hbm.at[pl.ds(base, EPT)], idxd)
    pltpu.sync_copy(ped_hbm.at[pl.ds(base, EPT)], pedv)

    def grp(g, carry):
        sl = pl.ds(g * 16, 16)
        a = plsc.load_gather(psv, [idxs[sl]])
        b = plsc.load_gather(pdv, [idxd[sl]])
        outv[sl] = a + b + pedv[sl]
        return carry

    lax.fori_loop(0, EPT // 16, grp, 0)
    pltpu.sync_copy(outv, out_hbm.at[pl.ds(base, EPT)])


_pred = pl.kernel(
    _pred_body,
    out_type=jax.ShapeDtypeStruct((E,), f32),
    mesh=_MESH,
    compiler_params=pltpu.CompilerParams(needs_layout_passes=False),
    scratch_types=[
        pltpu.VMEM((N,), f32),
        pltpu.VMEM((N,), f32),
        pltpu.VMEM((EPT,), jnp.int32),
        pltpu.VMEM((EPT,), jnp.int32),
        pltpu.VMEM((EPT,), f32),
        pltpu.VMEM((EPT,), f32),
    ],
)



def kernel(nodes, edge_index, W_ne, b_ne, W_ee, b_ee, Wn1, bn1, Wn2, bn2,
           We1, be1, We2, be2, Wp, bp):
    src = edge_index[0]
    dst = edge_index[1]
    bne = b_ne.reshape(1, D)
    bee = b_ee.reshape(1, D)
    bn1r = bn1.reshape(1, D)
    bn2r = bn2.reshape(1, D)
    be1r = be1.reshape(1, D)
    be2r = be2.reshape(1, D)
    wees, weed = W_ee[:D], W_ee[D:]
    wn1a, wn1b = Wn1[:D], Wn1[D:]
    we1a, we1b, we1c = We1[:D], We1[D:2 * D], We1[2 * D:]
    wps = Wp[:D, 0].reshape(1, D)
    wpd = Wp[D:2 * D, 0].reshape(1, D)
    wpe = Wp[2 * D:, 0].reshape(1, D)
    bpr = bp.reshape(1, 1)
    zeros = jnp.zeros((N, D), f32)

    n, A, B, As, Ad = _encode_call(nodes, W_ne, bne, wees, weed, bee,
                                   we1a, we1b, be1r)
    e, G, m0, m1 = _fused_init(A, B, As, Ad, src, dst, zeros)
    ps = pd = ped = None
    for t in range(3):
        if t > 0:
            G, m0, m1 = _fused_iter(e, As, Ad, src, dst, zeros)
        n, As, Ad, ps, pd = _node_call(n, m0, m1, wn1a, wn1b, bn1r, Wn2,
                                       bn2r, we1a, we1b, be1r, wps, wpd, bpr)
        e, ped = _edge_call(e, G, we1c, We2, be2r, wpe)
    out = _pred(ps.reshape(N), pd.reshape(N), ped.reshape(E), src, dst)
    return out

# --- scband reference (transcript-rebuilt; emitter-appended) ---
"""Pipeline reference for scband-interaction-gnn-48155173323295 (READ-ONLY COPY).

The authoritative reference and input builder live on the scoring server;
editing this copy changes nothing except your own understanding.
"""

import jax, jax.numpy as jnp
import numpy as np

N_NODES = 10000
N_EDGES = 320000
D_FEAT = 128
HID = 128
NUM_ITERS = 3


def _lin_init(key, fan_in, fan_out):
    return jax.random.normal(key, (fan_in, fan_out), dtype=jnp.float32) * (1.0 / np.sqrt(fan_in))


def setup_inputs(seed: int = 0) -> dict:
    key = jax.random.key(seed)
    ks = jax.random.split(key, 12)
    inp = {}
    inp['nodes'] = jax.random.normal(ks[0], (N_NODES, D_FEAT), dtype=jnp.float32)
    inp['edge_index'] = jax.random.randint(ks[1], (2, N_EDGES), 0, N_NODES, dtype=jnp.int32)
    # node_encoder: Linear(D_FEAT -> HID)
    inp['W_ne'] = _lin_init(ks[2], D_FEAT, HID)
    inp['b_ne'] = jnp.zeros((HID,), dtype=jnp.float32)
    # edge_encoder: Linear(2*HID -> HID)
    inp['W_ee'] = _lin_init(ks[3], 2 * HID, HID)
    inp['b_ee'] = jnp.zeros((HID,), dtype=jnp.float32)
    # node_network: MLP(2*HID -> HID -> HID)
    inp['Wn1'] = _lin_init(ks[4], 2 * HID, HID)
    inp['bn1'] = jnp.zeros((HID,), dtype=jnp.float32)
    inp['Wn2'] = _lin_init(ks[5], HID, HID)
    inp['bn2'] = jnp.zeros((HID,), dtype=jnp.float32)
    # edge_network: MLP(3*HID -> HID -> HID)
    inp['We1'] = _lin_init(ks[6], 3 * HID, HID)
    inp['be1'] = jnp.zeros((HID,), dtype=jnp.float32)
    inp['We2'] = _lin_init(ks[7], HID, HID)
    inp['be2'] = jnp.zeros((HID,), dtype=jnp.float32)
    # pred_network['edge']: Linear(3*HID -> 1)
    inp['Wp'] = _lin_init(ks[8], 3 * HID, 1)
    inp['bp'] = jnp.zeros((1,), dtype=jnp.float32)
    return inp


def reference(nodes, edge_index, W_ne, b_ne, W_ee, b_ee, Wn1, bn1, Wn2, bn2, We1, be1, We2, be2, Wp, bp):
    src = edge_index[0]
    dst = edge_index[1]
    # node_encoder
    n = nodes @ W_ne + b_ne
    # edge_encoder on hstack([n[src], n[dst]])
    e = jnp.concatenate([n[src], n[dst]], axis=1) @ W_ee + b_ee
    for _ in range(NUM_ITERS):
        # aggregation == 'add' -> scatter_add of edges into dst nodes
        msg = jax.ops.segment_sum(e, dst, num_segments=N_NODES)
        node_in = jnp.concatenate([n, msg], axis=1)
        n_new = jax.nn.relu(node_in @ Wn1 + bn1) @ Wn2 + bn2 + n
        # edge update uses PRE-update nodes (faithful to torch code)
        edge_in = jnp.concatenate([n[src], n[dst], e], axis=1)
        e = jax.nn.relu(edge_in @ We1 + be1) @ We2 + be2 + e
        n = n_new
    # pred_network['edge']
    pred_in = jnp.concatenate([n[src], n[dst], e], axis=1)
    out = pred_in @ Wp + bp
    out = jnp.squeeze(out, axis=1)
    return out

if __name__ == "__main__":
    import jax
    _d = setup_inputs()
    print(jax.jit(kernel)(*tuple(_d.values())))

</pallas_src>

<mosaic_0001>
#map = affine_map<(d0, d1) -> (0, 0)>
#map1 = affine_map<(d0, d1) -> (0)>
module attributes {stable_mosaic.version = 14 : i64} {
  func.func @_fused_init_body(%arg0: i32, %arg1: i32, %arg2: memref<10000x128xf32, #tpu.memory_space<hbm>>, %arg3: memref<10000x128xf32, #tpu.memory_space<hbm>>, %arg4: memref<10000x128xf32, #tpu.memory_space<hbm>>, %arg5: memref<10000x128xf32, #tpu.memory_space<hbm>>, %arg6: memref<320000xi32, #tpu.memory_space<hbm>>, %arg7: memref<320000xi32, #tpu.memory_space<hbm>>, %arg8: memref<10000x128xf32, #tpu.memory_space<hbm>>, %arg9: memref<320000x128xf32, #tpu.memory_space<hbm>>, %arg10: memref<320000x128xf32, #tpu.memory_space<hbm>>, %arg11: memref<10000x128xf32, #tpu.memory_space<hbm>>, %arg12: memref<10000x128xf32, #tpu.memory_space<hbm>>, %arg13: memref<80xi32, #tpu.memory_space<vmem>>, %arg14: memref<80xi32, #tpu.memory_space<vmem>>, %arg15: memref<80x128xf32, #tpu.memory_space<vmem>>, %arg16: memref<80x128xf32, #tpu.memory_space<vmem>>, %arg17: memref<80x128xf32, #tpu.memory_space<vmem>>, %arg18: memref<80x128xf32, #tpu.memory_space<vmem>>, %arg19: memref<10000x128xf32, #tpu.memory_space<vmem_shared>>, %arg20: memref<!tpu.dma_semaphore, #tpu.memory_space<semaphore_mem>>, %arg21: memref<!tpu.dma_semaphore, #tpu.memory_space<semaphore_mem>>, %arg22: memref<!tpu.dma_semaphore, #tpu.memory_space<semaphore_mem>>, %arg23: memref<!tpu.dma_semaphore, #tpu.memory_space<semaphore_mem>>) attributes {dimension_semantics = [#tpu.dimension_semantics<core_parallel>, #tpu.dimension_semantics<subcore_parallel>], iteration_bounds = array<i64: 2, 16>, scalar_prefetch = 0 : i64, scratch_operands = 11 : i64, tpu.core_type = #tpu.core_type<sc_vector_subcore>, window_params = [{transform_indices = #map}, {transform_indices = #map}, {transform_indices = #map}, {transform_indices = #map}, {transform_indices = #map1}, {transform_indices = #map1}, {transform_indices = #map}, {transform_indices = #map}, {transform_indices = #map}, {transform_indices = #map}, {transform_indices = #map}]} {
    %mul3A = arith.constant 16 : i32
    %mul3A_0 = arith.muli %arg0, %mul3A : i32
    %add3A = arith.addi %mul3A_0, %arg1 : i32
    %mul3A_1 = arith.constant 632 : i32
    %mul3A_2 = arith.muli %arg1, %mul3A_1 : i32
    %multiple_of3A = tpu.assume_multiple %mul3A_2, 8 : i32
    %lt3A = arith.constant 15 : i32
    %lt3A_3 = arith.cmpi slt, %arg1, %lt3A : i32
    %convert_element_type3A = arith.extui %lt3A_3 : i1 to i32
    %cond3A = arith.constant 0 : i32
    %cond3A_4 = arith.cmpi ne, %convert_element_type3A, %cond3A : i32
    scf.if %cond3A_4 {
      "tpu.region"() ({
        %run_scoped3A = tpu.sem_alloc : memref<!tpu.dma_semaphore, #tpu.memory_space<semaphore_mem>>
        %dma_start3A = arith.constant 0 : i32
        %dma_start3A_25 = tpu.memref_slice %arg19[%multiple_of3A, %dma_start3A] : memref<10000x128xf32, #tpu.memory_space<vmem_shared>> -> memref<632x128xf32, #tpu.memory_space<vmem_shared>>
        %dma_start3A_26 = arith.constant 0 : i32
        %dma_start3A_27 = tpu.memref_slice %arg8[%multiple_of3A, %dma_start3A_26] : memref<10000x128xf32, #tpu.memory_space<hbm>> -> memref<632x128xf32, #tpu.memory_space<hbm>>
        tpu.enqueue_dma source(%dma_start3A_27 : memref<632x128xf32, #tpu.memory_space<hbm>>) target(%dma_start3A_25 : memref<632x128xf32, #tpu.memory_space<vmem_shared>>) target_semaphore(%run_scoped3A : memref<!tpu.dma_semaphore, #tpu.memory_space<semaphore_mem>>)
        %dma_wait3A = arith.constant 0 : i32
        %dma_wait3A_28 = tpu.memref_slice %arg19[%multiple_of3A, %dma_wait3A] : memref<10000x128xf32, #tpu.memory_space<vmem_shared>> -> memref<632x128xf32, #tpu.memory_space<vmem_shared>>
        %dma_wait3A_29 = arith.constant 0 : i32
        %dma_wait3A_30 = tpu.memref_slice %arg8[%multiple_of3A, %dma_wait3A_29] : memref<10000x128xf32, #tpu.memory_space<hbm>> -> memref<632x128xf32, #tpu.memory_space<hbm>>
        tpu.wait_dma2 semaphore(%run_scoped3A : memref<!tpu.dma_semaphore, #tpu.memory_space<semaphore_mem>>) src(%dma_wait3A_30 : memref<632x128xf32, #tpu.memory_space<hbm>>) dst(%dma_wait3A_28 : memref<632x128xf32, #tpu.memory_space<vmem_shared>>)
        tpu.yield
      }) : () -> ()
    } else {
    }
    %eq3A = arith.constant 15 : i32
    %eq3A_5 = arith.cmpi eq, %arg1, %eq3A : i32
    %convert_element_type3A_6 = arith.extui %eq3A_5 : i1 to i32
    %cond3A_7 = arith.constant 0 : i32
    %cond3A_8 = arith.cmpi ne, %convert_element_type3A_6, %cond3A_7 : i32
    scf.if %cond3A_8 {
      "tpu.region"() ({
        %run_scoped3A = tpu.sem_alloc : memref<!tpu.dma_semaphore, #tpu.memory_space<semaphore_mem>>
        %dma_start3A = arith.constant 9480 : i32
        %dma_start3A_25 = arith.constant 0 : i32
        %dma_start3A_26 = tpu.memref_slice %arg19[%dma_start3A, %dma_start3A_25] : memref<10000x128xf32, #tpu.memory_space<vmem_shared>> -> memref<520x128xf32, #tpu.memory_space<vmem_shared>>
        %dma_start3A_27 = arith.constant 9480 : i32
        %dma_start3A_28 = arith.constant 0 : i32
        %dma_start3A_29 = tpu.memref_slice %arg8[%dma_start3A_27, %dma_start3A_28] : memref<10000x128xf32, #tpu.memory_space<hbm>> -> memref<520x128xf32, #tpu.memory_space<hbm>>
        tpu.enqueue_dma source(%dma_start3A_29 : memref<520x128xf32, #tpu.memory_space<hbm>>) target(%dma_start3A_26 : memref<520x128xf32, #tpu.memory_space<vmem_shared>>) target_semaphore(%run_scoped3A : memref<!tpu.dma_semaphore, #tpu.memory_space<semaphore_mem>>)
        %dma_wait3A = arith.constant 9480 : i32
        %dma_wait3A_30 = arith.constant 0 : i32
        %dma_wait3A_31 = tpu.memref_slice %arg19[%dma_wait3A, %dma_wait3A_30] : memref<10000x128xf32, #tpu.memory_space<vmem_shared>> -> memref<520x128xf32, #tpu.memory_space<vmem_shared>>
        %dma_wait3A_32 = arith.constant 9480 : i32
        %dma_wait3A_33 = arith.constant 0 : i32
        %dma_wait3A_34 = tpu.memref_slice %arg8[%dma_wait3A_32, %dma_wait3A_33] : memref<10000x128xf32, #tpu.memory_space<hbm>> -> memref<520x128xf32, #tpu.memory_space<hbm>>
        tpu.wait_dma2 semaphore(%run_scoped3A : memref<!tpu.dma_semaphore, #tpu.memory_space<semaphore_mem>>) src(%dma_wait3A_34 : memref<520x128xf32, #tpu.memory_space<hbm>>) dst(%dma_wait3A_31 : memref<520x128xf32, #tpu.memory_space<vmem_shared>>)
        tpu.yield
      }) : () -> ()
    } else {
    }
    %barrier3A = arith.constant 0 : index
    tpu.barrier barrier_id(%barrier3A)
    %scan3A = arith.constant 0 : i32
    %scan3A_9 = arith.constant 0 : i32
    %scan3A_10 = arith.constant 125 : i32
    %scan3A_11 = arith.addi %scan3A_9, %scan3A_10 : i32
    %scan3A_12 = arith.constant 1 : i32
    scf.for %scan3A_25 = %scan3A_9 to %scan3A_11 step %scan3A_12  : i32 {
      %mul3A_26 = arith.constant 10000 : i32
      %mul3A_27 = arith.muli %add3A, %mul3A_26 : i32
      %mul3A_28 = arith.constant 80 : i32
      %mul3A_29 = arith.muli %scan3A_25, %mul3A_28 : i32
      %add3A_30 = arith.addi %mul3A_27, %mul3A_29 : i32
      "tpu.region"() ({
        %run_scoped3A = tpu.sem_alloc : memref<!tpu.dma_semaphore, #tpu.memory_space<semaphore_mem>>
        %dma_start3A_59 = tpu.memref_slice %arg6[%add3A_30] : memref<320000xi32, #tpu.memory_space<hbm>> -> memref<80xi32, #tpu.memory_space<hbm>>
        %dma_start3A_60 = tpu.memref_slice %arg6[%add3A_30] : memref<320000xi32, #tpu.memory_space<hbm>> -> memref<80xi32, #tpu.memory_space<hbm>>
        tpu.enqueue_dma source(%dma_start3A_60 : memref<80xi32, #tpu.memory_space<hbm>>) target(%arg13 : memref<80xi32, #tpu.memory_space<vmem>>) target_semaphore(%run_scoped3A : memref<!tpu.dma_semaphore, #tpu.memory_space<semaphore_mem>>)
        %dma_wait3A_61 = tpu.memref_slice %arg6[%add3A_30] : memref<320000xi32, #tpu.memory_space<hbm>> -> memref<80xi32, #tpu.memory_space<hbm>>
        %dma_wait3A_62 = tpu.memref_slice %arg6[%add3A_30] : memref<320000xi32, #tpu.memory_space<hbm>> -> memref<80xi32, #tpu.memory_space<hbm>>
        tpu.wait_dma2 semaphore(%run_scoped3A : memref<!tpu.dma_semaphore, #tpu.memory_space<semaphore_mem>>) src(%dma_wait3A_62 : memref<80xi32, #tpu.memory_space<hbm>>) dst(%arg13 : memref<80xi32, #tpu.memory_space<vmem>>)
        tpu.yield
      }) : () -> ()
      "tpu.region"() ({
        %run_scoped3A = tpu.sem_alloc : memref<!tpu.dma_semaphore, #tpu.memory_space<semaphore_mem>>
        %dma_start3A_59 = tpu.memref_slice %arg7[%add3A_30] : memref<320000xi32, #tpu.memory_space<hbm>> -> memref<80xi32, #tpu.memory_space<hbm>>
        %dma_start3A_60 = tpu.memref_slice %arg7[%add3A_30] : memref<320000xi32, #tpu.memory_space<hbm>> -> memref<80xi32, #tpu.memory_space<hbm>>
        tpu.enqueue_dma source(%dma_start3A_60 : memref<80xi32, #tpu.memory_space<hbm>>) target(%arg14 : memref<80xi32, #tpu.memory_space<vmem>>) target_semaphore(%run_scoped3A : memref<!tpu.dma_semaphore, #tpu.memory_space<semaphore_mem>>)
        %dma_wait3A_61 = tpu.memref_slice %arg7[%add3A_30] : memref<320000xi32, #tpu.memory_space<hbm>> -> memref<80xi32, #tpu.memory_space<hbm>>
        %dma_wait3A_62 = tpu.memref_slice %arg7[%add3A_30] : memref<320000xi32, #tpu.memory_space<hbm>> -> memref<80xi32, #tpu.memory_space<hbm>>
        tpu.wait_dma2 semaphore(%run_scoped3A : memref<!tpu.dma_semaphore, #tpu.memory_space<semaphore_mem>>) src(%dma_wait3A_62 : memref<80xi32, #tpu.memory_space<hbm>>) dst(%arg14 : memref<80xi32, #tpu.memory_space<vmem>>)
        tpu.yield
      }) : () -> ()
      %dma_start3A = arith.constant 0 : i32
      %dma_start3A_31 = arith.constant 0 : i32
      %dma_start3A_32 = tpu.memref_slice %arg4[%dma_start3A, %dma_start3A_31] : memref<10000x128xf32, #tpu.memory_space<hbm>> -> memref<10000x128xf32, #tpu.memory_space<hbm>>
      tpu.enqueue_indirect_dma source(%dma_start3A_32 : memref<10000x128xf32, #tpu.memory_space<hbm>>) target(%arg15 : memref<80x128xf32, #tpu.memory_space<vmem>>) offsets(%arg13 : memref<80xi32, #tpu.memory_space<vmem>>) semaphore(%arg20 : memref<!tpu.dma_semaphore, #tpu.memory_space<semaphore_mem>>)
      %dma_start3A_33 = arith.constant 0 : i32
      %dma_start3A_34 = arith.constant 0 : i32
      %dma_start3A_35 = tpu.memref_slice %arg5[%dma_start3A_33, %dma_start3A_34] : memref<10000x128xf32, #tpu.memory_space<hbm>> -> memref<10000x128xf32, #tpu.memory_space<hbm>>
      tpu.enqueue_indirect_dma source(%dma_start3A_35 : memref<10000x128xf32, #tpu.memory_space<hbm>>) target(%arg16 : memref<80x128xf32, #tpu.memory_space<vmem>>) offsets(%arg14 : memref<80xi32, #tpu.memory_space<vmem>>) semaphore(%arg21 : memref<!tpu.dma_semaphore, #tpu.memory_space<semaphore_mem>>)
      %dma_start3A_36 = arith.constant 0 : i32
      %dma_start3A_37 = arith.constant 0 : i32
      %dma_start3A_38 = tpu.memref_slice %arg2[%dma_start3A_36, %dma_start3A_37] : memref<10000x128xf32, #tpu.memory_space<hbm>> -> memref<10000x128xf32, #tpu.memory_space<hbm>>
      tpu.enqueue_indirect_dma source(%dma_start3A_38 : memref<10000x128xf32, #tpu.memory_space<hbm>>) target(%arg17 : memref<80x128xf32, #tpu.memory_space<vmem>>) offsets(%arg13 : memref<80xi32, #tpu.memory_space<vmem>>) semaphore(%arg22 : memref<!tpu.dma_semaphore, #tpu.memory_space<semaphore_mem>>)
      %dma_start3A_39 = arith.constant 0 : i32
      %dma_start3A_40 = arith.constant 0 : i32
      %dma_start3A_41 = tpu.memref_slice %arg3[%dma_start3A_39, %dma_start3A_40] : memref<10000x128xf32, #tpu.memory_space<hbm>> -> memref<10000x128xf32, #tpu.memory_space<hbm>>
      tpu.enqueue_indirect_dma source(%dma_start3A_41 : memref<10000x128xf32, #tpu.memory_space<hbm>>) target(%arg18 : memref<80x128xf32, #tpu.memory_space<vmem>>) offsets(%arg14 : memref<80xi32, #tpu.memory_space<vmem>>) semaphore(%arg23 : memref<!tpu.dma_semaphore, #tpu.memory_space<semaphore_mem>>)
      %dma_wait3A = arith.constant 0 : i32
      %dma_wait3A_42 = arith.constant 0 : i32
      %dma_wait3A_43 = tpu.memref_slice %arg4[%dma_wait3A, %dma_wait3A_42] : memref<10000x128xf32, #tpu.memory_space<hbm>> -> memref<10000x128xf32, #tpu.memory_space<hbm>>
      tpu.wait_indirect_dma semaphore(%arg20 : memref<!tpu.dma_semaphore, #tpu.memory_space<semaphore_mem>>) src(%dma_wait3A_43 : memref<10000x128xf32, #tpu.memory_space<hbm>>) dst(%arg15 : memref<80x128xf32, #tpu.memory_space<vmem>>)
      %dma_wait3A_44 = arith.constant 0 : i32
      %dma_wait3A_45 = arith.constant 0 : i32
      %dma_wait3A_46 = tpu.memref_slice %arg5[%dma_wait3A_44, %dma_wait3A_45] : memref<10000x128xf32, #tpu.memory_space<hbm>> -> memref<10000x128xf32, #tpu.memory_space<hbm>>
      tpu.wait_indirect_dma semaphore(%arg21 : memref<!tpu.dma_semaphore, #tpu.memory_space<semaphore_mem>>) src(%dma_wait3A_46 : memref<10000x128xf32, #tpu.memory_space<hbm>>) dst(%arg16 : memref<80x128xf32, #tpu.memory_space<vmem>>)
      %dma_wait3A_47 = arith.constant 0 : i32
      %dma_wait3A_48 = arith.constant 0 : i32
      %dma_wait3A_49 = tpu.memref_slice %arg2[%dma_wait3A_47, %dma_wait3A_48] : memref<10000x128xf32, #tpu.memory_space<hbm>> -> memref<10000x128xf32, #tpu.memory_space<hbm>>
      tpu.wait_indirect_dma semaphore(%arg22 : memref<!tpu.dma_semaphore, #tpu.memory_space<semaphore_mem>>) src(%dma_wait3A_49 : memref<10000x128xf32, #tpu.memory_space<hbm>>) dst(%arg17 : memref<80x128xf32, #tpu.memory_space<vmem>>)
      %dma_wait3A_50 = arith.constant 0 : i32
      %dma_wait3A_51 = arith.constant 0 : i32
      %dma_wait3A_52 = tpu.memref_slice %arg3[%dma_wait3A_50, %dma_wait3A_51] : memref<10000x128xf32, #tpu.memory_space<hbm>> -> memref<10000x128xf32, #tpu.memory_space<hbm>>
      tpu.wait_indirect_dma semaphore(%arg23 : memref<!tpu.dma_semaphore, #tpu.memory_space<semaphore_mem>>) src(%dma_wait3A_52 : memref<10000x128xf32, #tpu.memory_space<hbm>>) dst(%arg18 : memref<80x128xf32, #tpu.memory_space<vmem>>)
      %scan3A_53 = arith.constant 0 : i32
      %scan3A_54 = arith.constant 0 : i32
      %scan3A_55 = arith.constant 80 : i32
      %scan3A_56 = arith.addi %scan3A_54, %scan3A_55 : i32
      %scan3A_57 = arith.constant 1 : i32
      scf.for %scan3A_59 = %scan3A_54 to %scan3A_56 step %scan3A_57  : i32 {
        %get3A = arith.index_cast %scan3A_59 : i32 to index
        %get3A_60 = arith.constant 0 : index
        %get3A_61 = tpu.vector_load %arg15[%get3A, %get3A_60] {strides = array<i32>} : memref<80x128xf32, #tpu.memory_space<vmem>>, vector<1x16xf32>,
        %get3A_62 = vector.shape_cast %get3A_61 : vector<1x16xf32> to vector<16xf32>
        %get3A_63 = arith.index_cast %scan3A_59 : i32 to index
        %get3A_64 = arith.constant 0 : index
        %get3A_65 = tpu.vector_load %arg16[%get3A_63, %get3A_64] {strides = array<i32>} : memref<80x128xf32, #tpu.memory_space<vmem>>, vector<1x16xf32>,
        %get3A_66 = vector.shape_cast %get3A_65 : vector<1x16xf32> to vector<16xf32>
        %add3A_67 = arith.addf %get3A_62, %get3A_66 : vector<16xf32>
        %swap3A = arith.index_cast %scan3A_59 : i32 to index
        %swap3A_68 = arith.constant 0 : index
        %swap3A_69 = tpu.vector_load %arg15[%swap3A, %swap3A_68] {strides = array<i32>} : memref<80x128xf32, #tpu.memory_space<vmem>>, vector<1x16xf32>,
        %swap3A_70 = vector.shape_cast %swap3A_69 : vector<1x16xf32> to vector<16xf32>
        %swap3A_71 = vector.shape_cast %add3A_67 : vector<16xf32> to vector<1x16xf32>
        tpu.vector_store %arg15[%swap3A, %swap3A_68], %swap3A_71 {strides = array<i32>} : memref<80x128xf32, #tpu.memory_space<vmem>>, vector<1x16xf32>,
        %get3A_72 = arith.index_cast %scan3A_59 : i32 to index
        %get3A_73 = arith.constant 0 : index
        %get3A_74 = tpu.vector_load %arg17[%get3A_72, %get3A_73] {strides = array<i32>} : memref<80x128xf32, #tpu.memory_space<vmem>>, vector<1x16xf32>,
        %get3A_75 = vector.shape_cast %get3A_74 : vector<1x16xf32> to vector<16xf32>
        %get3A_76 = arith.index_cast %scan3A_59 : i32 to index
        %get3A_77 = arith.constant 0 : index
        %get3A_78 = tpu.vector_load %arg18[%get3A_76, %get3A_77] {strides = array<i32>} : memref<80x128xf32, #tpu.memory_space<vmem>>, vector<1x16xf32>,
        %get3A_79 = vector.shape_cast %get3A_78 : vector<1x16xf32> to vector<16xf32>
        %add3A_80 = arith.addf %get3A_75, %get3A_79 : vector<16xf32>
        %swap3A_81 = arith.index_cast %scan3A_59 : i32 to index
        %swap3A_82 = arith.constant 0 : index
        %swap3A_83 = tpu.vector_load %arg17[%swap3A_81, %swap3A_82] {strides = array<i32>} : memref<80x128xf32, #tpu.memory_space<vmem>>, vector<1x16xf32>,
        %swap3A_84 = vector.shape_cast %swap3A_83 : vector<1x16xf32> to vector<16xf32>
        %swap3A_85 = vector.shape_cast %add3A_80 : vector<16xf32> to vector<1x16xf32>
        tpu.vector_store %arg17[%swap3A_81, %swap3A_82], %swap3A_85 {strides = array<i32>} : memref<80x128xf32, #tpu.memory_space<vmem>>, vector<1x16xf32>,
        %get3A_86 = arith.index_cast %scan3A_59 : i32 to index
        %get3A_87 = arith.constant 16 : index
        %get3A_88 = tpu.vector_load %arg15[%get3A_86, %get3A_87] {strides = array<i32>} : memref<80x128xf32, #tpu.memory_space<vmem>>, vector<1x16xf32>,
        %get3A_89 = vector.shape_cast %get3A_88 : vector<1x16xf32> to vector<16xf32>
        %get3A_90 = arith.index_cast %scan3A_59 : i32 to index
        %get3A_91 = arith.constant 16 : index
        %get3A_92 = tpu.vector_load %arg16[%get3A_90, %get3A_91] {strides = array<i32>} : memref<80x128xf32, #tpu.memory_space<vmem>>, vector<1x16xf32>,
        %get3A_93 = vector.shape_cast %get3A_92 : vector<1x16xf32> to vector<16xf32>
        %add3A_94 = arith.addf %get3A_89, %get3A_93 : vector<16xf32>
        %swap3A_95 = arith.index_cast %scan3A_59 : i32 to index
        %swap3A_96 = arith.constant 16 : index
        %swap3A_97 = tpu.vector_load %arg15[%swap3A_95, %swap3A_96] {strides = array<i32>} : memref<80x128xf32, #tpu.memory_space<vmem>>, vector<1x16xf32>,
        %swap3A_98 = vector.shape_cast %swap3A_97 : vector<1x16xf32> to vector<16xf32>
        %swap3A_99 = vector.shape_cast %add3A_94 : vector<16xf32> to vector<1x16xf32>
        tpu.vector_store %arg15[%swap3A_95, %swap3A_96], %swap3A_99 {strides = array<i32>} : memref<80x128xf32, #tpu.memory_space<vmem>>, vector<1x16xf32>,
        %get3A_100 = arith.index_cast %scan3A_59 : i32 to index
        %get3A_101 = arith.constant 16 : index
        %get3A_102 = tpu.vector_load %arg17[%get3A_100, %get3A_101] {strides = array<i32>} : memref<80x128xf32, #tpu.memory_space<vmem>>, vector<1x16xf32>,
        %get3A_103 = vector.shape_cast %get3A_102 : vector<1x16xf32> to vector<16xf32>
        %get3A_104 = arith.index_cast %scan3A_59 : i32 to index
        %get3A_105 = arith.constant 16 : index
        %get3A_106 = tpu.vector_load %arg18[%get3A_104, %get3A_105] {strides = array<i32>} : memref<80x128xf32, #tpu.memory_space<vmem>>, vector<1x16xf32>,
        %get3A_107 = vector.shape_cast %get3A_106 : vector<1x16xf32> to vector<16xf32>
        %add3A_108 = arith.addf %get3A_103, %get3A_107 : vector<16xf32>
        %swap3A_109 = arith.index_cast %scan3A_59 : i32 to index
        %swap3A_110 = arith.constant 16 : index
        %swap3A_111 = tpu.vector_load %arg17[%swap3A_109, %swap3A_110] {strides = array<i32>} : memref<80x128xf32, #tpu.memory_space<vmem>>, vector<1x16xf32>,
        %swap3A_112 = vector.shape_cast %swap3A_111 : vector<1x16xf32> to vector<16xf32>
        %swap3A_113 = vector.shape_cast %add3A_108 : vector<16xf32> to vector<1x16xf32>
        tpu.vector_store %arg17[%swap3A_109, %swap3A_110], %swap3A_113 {strides = array<i32>} : memref<80x128xf32, #tpu.memory_space<vmem>>, vector<1x16xf32>,
        %get3A_114 = arith.index_cast %scan3A_59 : i32 to index
        %get3A_115 = arith.constant 32 : index
        %get3A_116 = tpu.vector_load %arg15[%get3A_114, %get3A_115] {strides = array<i32>} : memref<80x128xf32, #tpu.memory_space<vmem>>, vector<1x16xf32>,
        %get3A_117 = vector.shape_cast %get3A_116 : vector<1x16xf32> to vector<16xf32>
        %get3A_118 = arith.index_cast %scan3A_59 : i32 to index
        %get3A_119 = arith.constant 32 : index
        %get3A_120 = tpu.vector_load %arg16[%get3A_118, %get3A_119] {strides = array<i32>} : memref<80x128xf32, #tpu.memory_space<vmem>>, vector<1x16xf32>,
        %get3A_121 = vector.shape_cast %get3A_120 : vector<1x16xf32> to vector<16xf32>
        %add3A_122 = arith.addf %get3A_117, %get3A_121 : vector<16xf32>
        %swap3A_123 = arith.index_cast %scan3A_59 : i32 to index
        %swap3A_124 = arith.constant 32 : index
        %swap3A_125 = tpu.vector_load %arg15[%swap3A_123, %swap3A_124] {strides = array<i32>} : memref<80x128xf32, #tpu.memory_space<vmem>>, vector<1x16xf32>,
        %swap3A_126 = vector.shape_cast %swap3A_125 : vector<1x16xf32> to vector<16xf32>
        %swap3A_127 = vector.shape_cast %add3A_122 : vector<16xf32> to vector<1x16xf32>
        tpu.vector_store %arg15[%swap3A_123, %swap3A_124], %swap3A_127 {strides = array<i32>} : memref<80x128xf32, #tpu.memory_space<vmem>>, vector<1x16xf32>,
        %get3A_128 = arith.index_cast %scan3A_59 : i32 to index
        %get3A_129 = arith.constant 32 : index
        %get3A_130 = tpu.vector_load %arg17[%get3A_128, %get3A_129] {strides = array<i32>} : memref<80x128xf32, #tpu.memory_space<vmem>>, vector<1x16xf32>,
        %get3A_131 = vector.shape_cast %get3A_130 : vector<1x16xf32> to vector<16xf32>
        %get3A_132 = arith.index_cast %scan3A_59 : i32 to index
        %get3A_133 = arith.constant 32 : index
        %get3A_134 = tpu.vector_load %arg18[%get3A_132, %get3A_133] {strides = array<i32>} : memref<80x128xf32, #tpu.memory_space<vmem>>, vector<1x16xf32>,
        %get3A_135 = vector.shape_cast %get3A_134 : vector<1x16xf32> to vector<16xf32>
        %add3A_136 = arith.addf %get3A_131, %get3A_135 : vector<16xf32>
        %swap3A_137 = arith.index_cast %scan3A_59 : i32 to index
        %swap3A_138 = arith.constant 32 : index
        %swap3A_139 = tpu.vector_load %arg17[%swap3A_137, %swap3A_138] {strides = array<i32>} : memref<80x128xf32, #tpu.memory_space<vmem>>, vector<1x16xf32>,
        %swap3A_140 = vector.shape_cast %swap3A_139 : vector<1x16xf32> to vector<16xf32>
        %swap3A_141 = vector.shape_cast %add3A_136 : vector<16xf32> to vector<1x16xf32>
        tpu.vector_store %arg17[%swap3A_137, %swap3A_138], %swap3A_141 {strides = array<i32>} : memref<80x128xf32, #tpu.memory_space<vmem>>, vector<1x16xf32>,
        %get3A_142 = arith.index_cast %scan3A_59 : i32 to index
        %get3A_143 = arith.constant 48 : index
        %get3A_144 = tpu.vector_load %arg15[%get3A_142, %get3A_143] {strides = array<i32>} : memref<80x128xf32, #tpu.memory_space<vmem>>, vector<1x16xf32>,
        %get3A_145 = vector.shape_cast %get3A_144 : vector<1x16xf32> to vector<16xf32>
        %get3A_146 = arith.index_cast %scan3A_59 : i32 to index
        %get3A_147 = arith.constant 48 : index
        %get3A_148 = tpu.vector_load %arg16[%get3A_146, %get3A_147] {strides = array<i32>} : memref<80x128xf32, #tpu.memory_space<vmem>>, vector<1x16xf32>,
        %get3A_149 = vector.shape_cast %get3A_148 : vector<1x16xf32> to vector<16xf32>
        %add3A_150 = arith.addf %get3A_145, %get3A_149 : vector<16xf32>
        %swap3A_151 = arith.index_cast %scan3A_59 : i32 to index
        %swap3A_152 = arith.constant 48 : index
        %swap3A_153 = tpu.vector_load %arg15[%swap3A_151, %swap3A_152] {strides = array<i32>} : memref<80x128xf32, #tpu.memory_space<vmem>>, vector<1x16xf32>,
        %swap3A_154 = vector.shape_cast %swap3A_153 : vector<1x16xf32> to vector<16xf32>
        %swap3A_155 = vector.shape_cast %add3A_150 : vector<16xf32> to vector<1x16xf32>
        tpu.vector_store %arg15[%swap3A_151, %swap3A_152], %swap3A_155 {strides = array<i32>} : memref<80x128xf32, #tpu.memory_space<vmem>>, vector<1x16xf32>,
        %get3A_156 = arith.index_cast %scan3A_59 : i32 to index
        %get3A_157 = arith.constant 48 : index
        %get3A_158 = tpu.vector_load %arg17[%get3A_156, %get3A_157] {strides = array<i32>} : memref<80x128xf32, #tpu.memory_space<vmem>>, vector<1x16xf32>,
        %get3A_159 = vector.shape_cast %get3A_158 : vector<1x16xf32> to vector<16xf32>
        %get3A_160 = arith.index_cast %scan3A_59 : i32 to index
        %get3A_161 = arith.constant 48 : index
        %get3A_162 = tpu.vector_load %arg18[%get3A_160, %get3A_161] {strides = array<i32>} : memref<80x128xf32, #tpu.memory_space<vmem>>, vector<1x16xf32>,
        %get3A_163 = vector.shape_cast %get3A_162 : vector<1x16xf32> to vector<16xf32>
        %add3A_164 = arith.addf %get3A_159, %get3A_163 : vector<16xf32>
        %swap3A_165 = arith.index_cast %scan3A_59 : i32 to index
        %swap3A_166 = arith.constant 48 : index
        %swap3A_167 = tpu.vector_load %arg17[%swap3A_165, %swap3A_166] {strides = array<i32>} : memref<80x128xf32, #tpu.memory_space<vmem>>, vector<1x16xf32>,
        %swap3A_168 = vector.shape_cast %swap3A_167 : vector<1x16xf32> to vector<16xf32>
        %swap3A_169 = vector.shape_cast %add3A_164 : vector<16xf32> to vector<1x16xf32>
        tpu.vector_store %arg17[%swap3A_165, %swap3A_166], %swap3A_169 {strides = array<i32>} : memref<80x128xf32, #tpu.memory_space<vmem>>, vector<1x16xf32>,
        %get3A_170 = arith.index_cast %scan3A_59 : i32 to index
        %get3A_171 = arith.constant 64 : index
        %get3A_172 = tpu.vector_load %arg15[%get3A_170, %get3A_171] {strides = array<i32>} : memref<80x128xf32, #tpu.memory_space<vmem>>, vector<1x16xf32>,
        %get3A_173 = vector.shape_cast %get3A_172 : vector<1x16xf32> to vector<16xf32>
        %get3A_174 = arith.index_cast %scan3A_59 : i32 to index
        %get3A_175 = arith.constant 64 : index
        %get3A_176 = tpu.vector_load %arg16[%get3A_174, %get3A_175] {strides = array<i32>} : memref<80x128xf32, #tpu.memory_space<vmem>>, vector<1x16xf32>,
        %get3A_177 = vector.shape_cast %get3A_176 : vector<1x16xf32> to vector<16xf32>
        %add3A_178 = arith.addf %get3A_173, %get3A_177 : vector<16xf32>
        %swap3A_179 = arith.index_cast %scan3A_59 : i32 to index
        %swap3A_180 = arith.constant 64 : index
        %swap3A_181 = tpu.vector_load %arg15[%swap3A_179, %swap3A_180] {strides = array<i32>} : memref<80x128xf32, #tpu.memory_space<vmem>>, vector<1x16xf32>,
        %swap3A_182 = vector.shape_cast %swap3A_181 : vector<1x16xf32> to vector<16xf32>
        %swap3A_183 = vector.shape_cast %add3A_178 : vector<16xf32> to vector<1x16xf32>
        tpu.vector_store %arg15[%swap3A_179, %swap3A_180], %swap3A_183 {strides = array<i32>} : memref<80x128xf32, #tpu.memory_space<vmem>>, vector<1x16xf32>,
        %get3A_184 = arith.index_cast %scan3A_59 : i32 to index
        %get3A_185 = arith.constant 64 : index
        %get3A_186 = tpu.vector_load %arg17[%get3A_184, %get3A_185] {strides = array<i32>} : memref<80x128xf32, #tpu.memory_space<vmem>>, vector<1x16xf32>,
        %get3A_187 = vector.shape_cast %get3A_186 : vector<1x16xf32> to vector<16xf32>
        %get3A_188 = arith.index_cast %scan3A_59 : i32 to index
        %get3A_189 = arith.constant 64 : index
        %get3A_190 = tpu.vector_load %arg18[%get3A_188, %get3A_189] {strides = array<i32>} : memref<80x128xf32, #tpu.memory_space<vmem>>, vector<1x16xf32>,
        %get3A_191 = vector.shape_cast %get3A_190 : vector<1x16xf32> to vector<16xf32>
        %add3A_192 = arith.addf %get3A_187, %get3A_191 : vector<16xf32>
        %swap3A_193 = arith.index_cast %scan3A_59 : i32 to index
        %swap3A_194 = arith.constant 64 : index
        %swap3A_195 = tpu.vector_load %arg17[%swap3A_193, %swap3A_194] {strides = array<i32>} : memref<80x128xf32, #tpu.memory_space<vmem>>, vector<1x16xf32>,
        %swap3A_196 = vector.shape_cast %swap3A_195 : vector<1x16xf32> to vector<16xf32>
        %swap3A_197 = vector.shape_cast %add3A_192 : vector<16xf32> to vector<1x16xf32>
        tpu.vector_store %arg17[%swap3A_193, %swap3A_194], %swap3A_197 {strides = array<i32>} : memref<80x128xf32, #tpu.memory_space<vmem>>, vector<1x16xf32>,
        %get3A_198 = arith.index_cast %scan3A_59 : i32 to index
        %get3A_199 = arith.constant 80 : index
        %get3A_200 = tpu.vector_load %arg15[%get3A_198, %get3A_199] {strides = array<i32>} : memref<80x128xf32, #tpu.memory_space<vmem>>, vector<1x16xf32>,
        %get3A_201 = vector.shape_cast %get3A_200 : vector<1x16xf32> to vector<16xf32>
        %get3A_202 = arith.index_cast %scan3A_59 : i32 to index
        %get3A_203 = arith.constant 80 : index
        %get3A_204 = tpu.vector_load %arg16[%get3A_202, %get3A_203] {strides = array<i32>} : memref<80x128xf32, #tpu.memory_space<vmem>>, vector<1x16xf32>,
        %get3A_205 = vector.shape_cast %get3A_204 : vector<1x16xf32> to vector<16xf32>
        %add3A_206 = arith.addf %get3A_201, %get3A_205 : vector<16xf32>
        %swap3A_207 = arith.index_cast %scan3A_59 : i32 to index
        %swap3A_208 = arith.constant 80 : index
        %swap3A_209 = tpu.vector_load %arg15[%swap3A_207, %swap3A_208] {strides = array<i32>} : memref<80x128xf32, #tpu.memory_space<vmem>>, vector<1x16xf32>,
        %swap3A_210 = vector.shape_cast %swap3A_209 : vector<1x16xf32> to vector<16xf32>
        %swap3A_211 = vector.shape_cast %add3A_206 : vector<16xf32> to vector<1x16xf32>
        tpu.vector_store %arg15[%swap3A_207, %swap3A_208], %swap3A_211 {strides = array<i32>} : memref<80x128xf32, #tpu.memory_space<vmem>>, vector<1x16xf32>,
        %get3A_212 = arith.index_cast %scan3A_59 : i32 to index
        %get3A_213 = arith.constant 80 : index
        %get3A_214 = tpu.vector_load %arg17[%get3A_212, %get3A_213] {strides = array<i32>} : memref<80x128xf32, #tpu.memory_space<vmem>>, vector<1x16xf32>,
        %get3A_215 = vector.shape_cast %get3A_214 : vector<1x16xf32> to vector<16xf32>
        %get3A_216 = arith.index_cast %scan3A_59 : i32 to index
        %get3A_217 = arith.constant 80 : index
        %get3A_218 = tpu.vector_load %arg18[%get3A_216, %get3A_217] {strides = array<i32>} : memref<80x128xf32, #tpu.memory_space<vmem>>, vector<1x16xf32>,
        %get3A_219 = vector.shape_cast %get3A_218 : vector<1x16xf32> to vector<16xf32>
        %add3A_220 = arith.addf %get3A_215, %get3A_219 : vector<16xf32>
        %swap3A_221 = arith.index_cast %scan3A_59 : i32 to index
        %swap3A_222 = arith.constant 80 : index
        %swap3A_223 = tpu.vector_load %arg17[%swap3A_221, %swap3A_222] {strides = array<i32>} : memref<80x128xf32, #tpu.memory_space<vmem>>, vector<1x16xf32>,
        %swap3A_224 = vector.shape_cast %swap3A_223 : vector<1x16xf32> to vector<16xf32>
        %swap3A_225 = vector.shape_cast %add3A_220 : vector<16xf32> to vector<1x16xf32>
        tpu.vector_store %arg17[%swap3A_221, %swap3A_222], %swap3A_225 {strides = array<i32>} : memref<80x128xf32, #tpu.memory_space<vmem>>, vector<1x16xf32>,
        %get3A_226 = arith.index_cast %scan3A_59 : i32 to index
        %get3A_227 = arith.constant 96 : index
        %get3A_228 = tpu.vector_load %arg15[%get3A_226, %get3A_227] {strides = array<i32>} : memref<80x128xf32, #tpu.memory_space<vmem>>, vector<1x16xf32>,
        %get3A_229 = vector.shape_cast %get3A_228 : vector<1x16xf32> to vector<16xf32>
        %get3A_230 = arith.index_cast %scan3A_59 : i32 to index
        %get3A_231 = arith.constant 96 : index
        %get3A_232 = tpu.vector_load %arg16[%get3A_230, %get3A_231] {strides = array<i32>} : memref<80x128xf32, #tpu.memory_space<vmem>>, vector<1x16xf32>,
        %get3A_233 = vector.shape_cast %get3A_232 : vector<1x16xf32> to vector<16xf32>
        %add3A_234 = arith.addf %get3A_229, %get3A_233 : vector<16xf32>
        %swap3A_235 = arith.index_cast %scan3A_59 : i32 to index
        %swap3A_236 = arith.constant 96 : index
        %swap3A_237 = tpu.vector_load %arg15[%swap3A_235, %swap3A_236] {strides = array<i32>} : memref<80x128xf32, #tpu.memory_space<vmem>>, vector<1x16xf32>,
        %swap3A_238 = vector.shape_cast %swap3A_237 : vector<1x16xf32> to vector<16xf32>
        %swap3A_239 = vector.shape_cast %add3A_234 : vector<16xf32> to vector<1x16xf32>
        tpu.vector_store %arg15[%swap3A_235, %swap3A_236], %swap3A_239 {strides = array<i32>} : memref<80x128xf32, #tpu.memory_space<vmem>>, vector<1x16xf32>,
        %get3A_240 = arith.index_cast %scan3A_59 : i32 to index
        %get3A_241 = arith.constant 96 : index
        %get3A_242 = tpu.vector_load %arg17[%get3A_240, %get3A_241] {strides = array<i32>} : memref<80x128xf32, #tpu.memory_space<vmem>>, vector<1x16xf32>,
        %get3A_243 = vector.shape_cast %get3A_242 : vector<1x16xf32> to vector<16xf32>
        %get3A_244 = arith.index_cast %scan3A_59 : i32 to index
        %get3A_245 = arith.constant 96 : index
        %get3A_246 = tpu.vector_load %arg18[%get3A_244, %get3A_245] {strides = array<i32>} : memref<80x128xf32, #tpu.memory_space<vmem>>, vector<1x16xf32>,
        %get3A_247 = vector.shape_cast %get3A_246 : vector<1x16xf32> to vector<16xf32>
        %add3A_248 = arith.addf %get3A_243, %get3A_247 : vector<16xf32>
        %swap3A_249 = arith.index_cast %scan3A_59 : i32 to index
        %swap3A_250 = arith.constant 96 : index
        %swap3A_251 = tpu.vector_load %arg17[%swap3A_249, %swap3A_250] {strides = array<i32>} : memref<80x128xf32, #tpu.memory_space<vmem>>, vector<1x16xf32>,
        %swap3A_252 = vector.shape_cast %swap3A_251 : vector<1x16xf32> to vector<16xf32>
        %swap3A_253 = vector.shape_cast %add3A_248 : vector<16xf32> to vector<1x16xf32>
        tpu.vector_store %arg17[%swap3A_249, %swap3A_250], %swap3A_253 {strides = array<i32>} : memref<80x128xf32, #tpu.memory_space<vmem>>, vector<1x16xf32>,
        %get3A_254 = arith.index_cast %scan3A_59 : i32 to index
        %get3A_255 = arith.constant 112 : index
        %get3A_256 = tpu.vector_load %arg15[%get3A_254, %get3A_255] {strides = array<i32>} : memref<80x128xf32, #tpu.memory_space<vmem>>, vector<1x16xf32>,
        %get3A_257 = vector.shape_cast %get3A_256 : vector<1x16xf32> to vector<16xf32>
        %get3A_258 = arith.index_cast %scan3A_59 : i32 to index
        %get3A_259 = arith.constant 112 : index
        %get3A_260 = tpu.vector_load %arg16[%get3A_258, %get3A_259] {strides = array<i32>} : memref<80x128xf32, #tpu.memory_space<vmem>>, vector<1x16xf32>,
        %get3A_261 = vector.shape_cast %get3A_260 : vector<1x16xf32> to vector<16xf32>
        %add3A_262 = arith.addf %get3A_257, %get3A_261 : vector<16xf32>
        %swap3A_263 = arith.index_cast %scan3A_59 : i32 to index
        %swap3A_264 = arith.constant 112 : index
        %swap3A_265 = tpu.vector_load %arg15[%swap3A_263, %swap3A_264] {strides = array<i32>} : memref<80x128xf32, #tpu.memory_space<vmem>>, vector<1x16xf32>,
        %swap3A_266 = vector.shape_cast %swap3A_265 : vector<1x16xf32> to vector<16xf32>
        %swap3A_267 = vector.shape_cast %add3A_262 : vector<16xf32> to vector<1x16xf32>
        tpu.vector_store %arg15[%swap3A_263, %swap3A_264], %swap3A_267 {strides = array<i32>} : memref<80x128xf32, #tpu.memory_space<vmem>>, vector<1x16xf32>,
        %get3A_268 = arith.index_cast %scan3A_59 : i32 to index
        %get3A_269 = arith.constant 112 : index
        %get3A_270 = tpu.vector_load %arg17[%get3A_268, %get3A_269] {strides = array<i32>} : memref<80x128xf32, #tpu.memory_space<vmem>>, vector<1x16xf32>,
        %get3A_271 = vector.shape_cast %get3A_270 : vector<1x16xf32> to vector<16xf32>
        %get3A_272 = arith.index_cast %scan3A_59 : i32 to index
        %get3A_273 = arith.constant 112 : index
        %get3A_274 = tpu.vector_load %arg18[%get3A_272, %get3A_273] {strides = array<i32>} : memref<80x128xf32, #tpu.memory_space<vmem>>, vector<1x16xf32>,
        %get3A_275 = vector.shape_cast %get3A_274 : vector<1x16xf32> to vector<16xf32>
        %add3A_276 = arith.addf %get3A_271, %get3A_275 : vector<16xf32>
        %swap3A_277 = arith.index_cast %scan3A_59 : i32 to index
        %swap3A_278 = arith.constant 112 : index
        %swap3A_279 = tpu.vector_load %arg17[%swap3A_277, %swap3A_278] {strides = array<i32>} : memref<80x128xf32, #tpu.memory_space<vmem>>, vector<1x16xf32>,
        %swap3A_280 = vector.shape_cast %swap3A_279 : vector<1x16xf32> to vector<16xf32>
        %swap3A_281 = vector.shape_cast %add3A_276 : vector<16xf32> to vector<1x16xf32>
        tpu.vector_store %arg17[%swap3A_277, %swap3A_278], %swap3A_281 {strides = array<i32>} : memref<80x128xf32, #tpu.memory_space<vmem>>, vector<1x16xf32>,
      }
      %scan3A_58 = arith.constant 80 : i32
      "tpu.region"() ({
        %run_scoped3A = tpu.sem_alloc : memref<!tpu.dma_semaphore, #tpu.memory_space<semaphore_mem>>
        %dma_start3A_59 = arith.constant 0 : i32
        %dma_start3A_60 = arith.constant 0 : i32
        %dma_start3A_61 = tpu.memref_slice %arg19[%dma_start3A_59, %dma_start3A_60] : memref<10000x128xf32, #tpu.memory_space<vmem_shared>> -> memref<10000x128xf32, #tpu.memory_space<vmem_shared>>
        tpu.enqueue_indirect_dma source(%arg17 : memref<80x128xf32, #tpu.memory_space<vmem>>) target(%dma_start3A_61 : memref<10000x128xf32, #tpu.memory_space<vmem_shared>>) offsets(%arg14 : memref<80xi32, #tpu.memory_space<vmem>>) semaphore(%run_scoped3A : memref<!tpu.dma_semaphore, #tpu.memory_space<semaphore_mem>>) {add = true}
        %dma_wait3A_62 = arith.constant 0 : i32
        %dma_wait3A_63 = arith.constant 0 : i32
        %dma_wait3A_64 = tpu.memref_slice %arg19[%dma_wait3A_62, %dma_wait3A_63] : memref<10000x128xf32, #tpu.memory_space<vmem_shared>> -> memref<10000x128xf32, #tpu.memory_space<vmem_shared>>
        tpu.wait_indirect_dma semaphore(%run_scoped3A : memref<!tpu.dma_semaphore, #tpu.memory_space<semaphore_mem>>) src(%arg17 : memref<80x128xf32, #tpu.memory_space<vmem>>) dst(%dma_wait3A_64 : memref<10000x128xf32, #tpu.memory_space<vmem_shared>>)
        tpu.yield
      }) : () -> ()
      "tpu.region"() ({
        %run_scoped3A = tpu.sem_alloc : memref<!tpu.dma_semaphore, #tpu.memory_space<semaphore_mem>>
        %dma_start3A_59 = arith.constant 0 : i32
        %dma_start3A_60 = tpu.memref_slice %arg10[%add3A_30, %dma_start3A_59] : memref<320000x128xf32, #tpu.memory_space<hbm>> -> memref<80x128xf32, #tpu.memory_space<hbm>>
        %dma_start3A_61 = arith.constant 0 : i32
        %dma_start3A_62 = tpu.memref_slice %arg10[%add3A_30, %dma_start3A_61] : memref<320000x128xf32, #tpu.memory_space<hbm>> -> memref<80x128xf32, #tpu.memory_space<hbm>>
        tpu.enqueue_dma source(%arg15 : memref<80x128xf32, #tpu.memory_space<vmem>>) target(%dma_start3A_62 : memref<80x128xf32, #tpu.memory_space<hbm>>) target_semaphore(%run_scoped3A : memref<!tpu.dma_semaphore, #tpu.memory_space<semaphore_mem>>)
        %dma_wait3A_63 = arith.constant 0 : i32
        %dma_wait3A_64 = tpu.memref_slice %arg10[%add3A_30, %dma_wait3A_63] : memref<320000x128xf32, #tpu.memory_space<hbm>> -> memref<80x128xf32, #tpu.memory_space<hbm>>
        %dma_wait3A_65 = arith.constant 0 : i32
        %dma_wait3A_66 = tpu.memref_slice %arg10[%add3A_30, %dma_wait3A_65] : memref<320000x128xf32, #tpu.memory_space<hbm>> -> memref<80x128xf32, #tpu.memory_space<hbm>>
        tpu.wait_dma2 semaphore(%run_scoped3A : memref<!tpu.dma_semaphore, #tpu.memory_space<semaphore_mem>>) src(%arg15 : memref<80x128xf32, #tpu.memory_space<vmem>>) dst(%dma_wait3A_66 : memref<80x128xf32, #tpu.memory_space<hbm>>)
        tpu.yield
      }) : () -> ()
      "tpu.region"() ({
        %run_scoped3A = tpu.sem_alloc : memref<!tpu.dma_semaphore, #tpu.memory_space<semaphore_mem>>
        %dma_start3A_59 = arith.constant 0 : i32
        %dma_start3A_60 = tpu.memref_slice %arg9[%add3A_30, %dma_start3A_59] : memref<320000x128xf32, #tpu.memory_space<hbm>> -> memref<80x128xf32, #tpu.memory_space<hbm>>
        %dma_start3A_61 = arith.constant 0 : i32
        %dma_start3A_62 = tpu.memref_slice %arg9[%add3A_30, %dma_start3A_61] : memref<320000x128xf32, #tpu.memory_space<hbm>> -> memref<80x128xf32, #tpu.memory_space<hbm>>
        tpu.enqueue_dma source(%arg17 : memref<80x128xf32, #tpu.memory_space<vmem>>) target(%dma_start3A_62 : memref<80x128xf32, #tpu.memory_space<hbm>>) target_semaphore(%run_scoped3A : memref<!tpu.dma_semaphore, #tpu.memory_space<semaphore_mem>>)
        %dma_wait3A_63 = arith.constant 0 : i32
        %dma_wait3A_64 = tpu.memref_slice %arg9[%add3A_30, %dma_wait3A_63] : memref<320000x128xf32, #tpu.memory_space<hbm>> -> memref<80x128xf32, #tpu.memory_space<hbm>>
        %dma_wait3A_65 = arith.constant 0 : i32
        %dma_wait3A_66 = tpu.memref_slice %arg9[%add3A_30, %dma_wait3A_65] : memref<320000x128xf32, #tpu.memory_space<hbm>> -> memref<80x128xf32, #tpu.memory_space<hbm>>
        tpu.wait_dma2 semaphore(%run_scoped3A : memref<!tpu.dma_semaphore, #tpu.memory_space<semaphore_mem>>) src(%arg17 : memref<80x128xf32, #tpu.memory_space<vmem>>) dst(%dma_wait3A_66 : memref<80x128xf32, #tpu.memory_space<hbm>>)
        tpu.yield
      }) : () -> ()
    }
    %scan3A_13 = arith.constant 125 : i32
    %barrier3A_14 = arith.constant 0 : index
    tpu.barrier barrier_id(%barrier3A_14)
    %eq3A_15 = arith.constant 0 : i32
    %eq3A_16 = arith.cmpi eq, %arg0, %eq3A_15 : i32
    %convert_element_type3A_17 = arith.extui %eq3A_16 : i1 to i32
    %cond3A_18 = arith.constant 0 : i32
    %cond3A_19 = arith.cmpi ne, %convert_element_type3A_17, %cond3A_18 : i32
    scf.if %cond3A_19 {
      %mul3A_25 = arith.constant 632 : i32
      %mul3A_26 = arith.muli %arg1, %mul3A_25 : i32
      %multiple_of3A_27 = tpu.assume_multiple %mul3A_26, 8 : i32
      %lt3A_28 = arith.constant 15 : i32
      %lt3A_29 = arith.cmpi slt, %arg1, %lt3A_28 : i32
      %convert_element_type3A_30 = arith.extui %lt3A_29 : i1 to i32
      %cond3A_31 = arith.constant 0 : i32
      %cond3A_32 = arith.cmpi ne, %convert_element_type3A_30, %cond3A_31 : i32
      scf.if %cond3A_32 {
        "tpu.region"() ({
          %run_scoped3A = tpu.sem_alloc : memref<!tpu.dma_semaphore, #tpu.memory_space<semaphore_mem>>
          %dma_start3A = arith.constant 0 : i32
          %dma_start3A_38 = tpu.memref_slice %arg11[%multiple_of3A_27, %dma_start3A] : memref<10000x128xf32, #tpu.memory_space<hbm>> -> memref<632x128xf32, #tpu.memory_space<hbm>>
          %dma_start3A_39 = arith.constant 0 : i32
          %dma_start3A_40 = tpu.memref_slice %arg19[%multiple_of3A_27, %dma_start3A_39] : memref<10000x128xf32, #tpu.memory_space<vmem_shared>> -> memref<632x128xf32, #tpu.memory_space<vmem_shared>>
          tpu.enqueue_dma source(%dma_start3A_40 : memref<632x128xf32, #tpu.memory_space<vmem_shared>>) target(%dma_start3A_38 : memref<632x128xf32, #tpu.memory_space<hbm>>) target_semaphore(%run_scoped3A : memref<!tpu.dma_semaphore, #tpu.memory_space<semaphore_mem>>)
          %dma_wait3A = arith.constant 0 : i32
          %dma_wait3A_41 = tpu.memref_slice %arg11[%multiple_of3A_27, %dma_wait3A] : memref<10000x128xf32, #tpu.memory_space<hbm>> -> memref<632x128xf32, #tpu.memory_space<hbm>>
          %dma_wait3A_42 = arith.constant 0 : i32
          %dma_wait3A_43 = tpu.memref_slice %arg19[%multiple_of3A_27, %dma_wait3A_42] : memref<10000x128xf32, #tpu.memory_space<vmem_shared>> -> memref<632x128xf32, #tpu.memory_space<vmem_shared>>
          tpu.wait_dma2 semaphore(%run_scoped3A : memref<!tpu.dma_semaphore, #tpu.memory_space<semaphore_mem>>) src(%dma_wait3A_43 : memref<632x128xf32, #tpu.memory_space<vmem_shared>>) dst(%dma_wait3A_41 : memref<632x128xf32, #tpu.memory_space<hbm>>)
          tpu.yield
        }) : () -> ()
      } else {
      }
      %eq3A_33 = arith.constant 15 : i32
      %eq3A_34 = arith.cmpi eq, %arg1, %eq3A_33 : i32
      %convert_element_type3A_35 = arith.extui %eq3A_34 : i1 to i32
      %cond3A_36 = arith.constant 0 : i32
      %cond3A_37 = arith.cmpi ne, %convert_element_type3A_35, %cond3A_36 : i32
      scf.if %cond3A_37 {
        "tpu.region"() ({
          %run_scoped3A = tpu.sem_alloc : memref<!tpu.dma_semaphore, #tpu.memory_space<semaphore_mem>>
          %dma_start3A = arith.constant 9480 : i32
          %dma_start3A_38 = arith.constant 0 : i32
          %dma_start3A_39 = tpu.memref_slice %arg11[%dma_start3A, %dma_start3A_38] : memref<10000x128xf32, #tpu.memory_space<hbm>> -> memref<520x128xf32, #tpu.memory_space<hbm>>
          %dma_start3A_40 = arith.constant 9480 : i32
          %dma_start3A_41 = arith.constant 0 : i32
          %dma_start3A_42 = tpu.memref_slice %arg19[%dma_start3A_40, %dma_start3A_41] : memref<10000x128xf32, #tpu.memory_space<vmem_shared>> -> memref<520x128xf32, #tpu.memory_space<vmem_shared>>
          tpu.enqueue_dma source(%dma_start3A_42 : memref<520x128xf32, #tpu.memory_space<vmem_shared>>) target(%dma_start3A_39 : memref<520x128xf32, #tpu.memory_space<hbm>>) target_semaphore(%run_scoped3A : memref<!tpu.dma_semaphore, #tpu.memory_space<semaphore_mem>>)
          %dma_wait3A = arith.constant 9480 : i32
          %dma_wait3A_43 = arith.constant 0 : i32
          %dma_wait3A_44 = tpu.memref_slice %arg11[%dma_wait3A, %dma_wait3A_43] : memref<10000x128xf32, #tpu.memory_space<hbm>> -> memref<520x128xf32, #tpu.memory_space<hbm>>
          %dma_wait3A_45 = arith.constant 9480 : i32
          %dma_wait3A_46 = arith.constant 0 : i32
          %dma_wait3A_47 = tpu.memref_slice %arg19[%dma_wait3A_45, %dma_wait3A_46] : memref<10000x128xf32, #tpu.memory_space<vmem_shared>> -> memref<520x128xf32, #tpu.memory_space<vmem_shared>>
          tpu.wait_dma2 semaphore(%run_scoped3A : memref<!tpu.dma_semaphore, #tpu.memory_space<semaphore_mem>>) src(%dma_wait3A_47 : memref<520x128xf32, #tpu.memory_space<vmem_shared>>) dst(%dma_wait3A_44 : memref<520x128xf32, #tpu.memory_space<hbm>>)
          tpu.yield
        }) : () -> ()
      } else {
      }
    } else {
    }
    %eq3A_20 = arith.constant 1 : i32
    %eq3A_21 = arith.cmpi eq, %arg0, %eq3A_20 : i32
    %convert_element_type3A_22 = arith.extui %eq3A_21 : i1 to i32
    %cond3A_23 = arith.constant 0 : i32
    %cond3A_24 = arith.cmpi ne, %convert_element_type3A_22, %cond3A_23 : i32
    scf.if %cond3A_24 {
      %mul3A_25 = arith.constant 632 : i32
      %mul3A_26 = arith.muli %arg1, %mul3A_25 : i32
      %multiple_of3A_27 = tpu.assume_multiple %mul3A_26, 8 : i32
      %lt3A_28 = arith.constant 15 : i32
      %lt3A_29 = arith.cmpi slt, %arg1, %lt3A_28 : i32
      %convert_element_type3A_30 = arith.extui %lt3A_29 : i1 to i32
      %cond3A_31 = arith.constant 0 : i32
      %cond3A_32 = arith.cmpi ne, %convert_element_type3A_30, %cond3A_31 : i32
      scf.if %cond3A_32 {
        "tpu.region"() ({
          %run_scoped3A = tpu.sem_alloc : memref<!tpu.dma_semaphore, #tpu.memory_space<semaphore_mem>>
          %dma_start3A = arith.constant 0 : i32
          %dma_start3A_38 = tpu.memref_slice %arg12[%multiple_of3A_27, %dma_start3A] : memref<10000x128xf32, #tpu.memory_space<hbm>> -> memref<632x128xf32, #tpu.memory_space<hbm>>
          %dma_start3A_39 = arith.constant 0 : i32
          %dma_start3A_40 = tpu.memref_slice %arg19[%multiple_of3A_27, %dma_start3A_39] : memref<10000x128xf32, #tpu.memory_space<vmem_shared>> -> memref<632x128xf32, #tpu.memory_space<vmem_shared>>
          tpu.enqueue_dma source(%dma_start3A_40 : memref<632x128xf32, #tpu.memory_space<vmem_shared>>) target(%dma_start3A_38 : memref<632x128xf32, #tpu.memory_space<hbm>>) target_semaphore(%run_scoped3A : memref<!tpu.dma_semaphore, #tpu.memory_space<semaphore_mem>>)
          %dma_wait3A = arith.constant 0 : i32
          %dma_wait3A_41 = tpu.memref_slice %arg12[%multiple_of3A_27, %dma_wait3A] : memref<10000x128xf32, #tpu.memory_space<hbm>> -> memref<632x128xf32, #tpu.memory_space<hbm>>
          %dma_wait3A_42 = arith.constant 0 : i32
          %dma_wait3A_43 = tpu.memref_slice %arg19[%multiple_of3A_27, %dma_wait3A_42] : memref<10000x128xf32, #tpu.memory_space<vmem_shared>> -> memref<632x128xf32, #tpu.memory_space<vmem_shared>>
          tpu.wait_dma2 semaphore(%run_scoped3A : memref<!tpu.dma_semaphore, #tpu.memory_space<semaphore_mem>>) src(%dma_wait3A_43 : memref<632x128xf32, #tpu.memory_space<vmem_shared>>) dst(%dma_wait3A_41 : memref<632x128xf32, #tpu.memory_space<hbm>>)
          tpu.yield
        }) : () -> ()
      } else {
      }
      %eq3A_33 = arith.constant 15 : i32
      %eq3A_34 = arith.cmpi eq, %arg1, %eq3A_33 : i32
      %convert_element_type3A_35 = arith.extui %eq3A_34 : i1 to i32
      %cond3A_36 = arith.constant 0 : i32
      %cond3A_37 = arith.cmpi ne, %convert_element_type3A_35, %cond3A_36 : i32
      scf.if %cond3A_37 {
        "tpu.region"() ({
          %run_scoped3A = tpu.sem_alloc : memref<!tpu.dma_semaphore, #tpu.memory_space<semaphore_mem>>
          %dma_start3A = arith.constant 9480 : i32
          %dma_start3A_38 = arith.constant 0 : i32
          %dma_start3A_39 = tpu.memref_slice %arg12[%dma_start3A, %dma_start3A_38] : memref<10000x128xf32, #tpu.memory_space<hbm>> -> memref<520x128xf32, #tpu.memory_space<hbm>>
          %dma_start3A_40 = arith.constant 9480 : i32
          %dma_start3A_41 = arith.constant 0 : i32
          %dma_start3A_42 = tpu.memref_slice %arg19[%dma_start3A_40, %dma_start3A_41] : memref<10000x128xf32, #tpu.memory_space<vmem_shared>> -> memref<520x128xf32, #tpu.memory_space<vmem_shared>>
          tpu.enqueue_dma source(%dma_start3A_42 : memref<520x128xf32, #tpu.memory_space<vmem_shared>>) target(%dma_start3A_39 : memref<520x128xf32, #tpu.memory_space<hbm>>) target_semaphore(%run_scoped3A : memref<!tpu.dma_semaphore, #tpu.memory_space<semaphore_mem>>)
          %dma_wait3A = arith.constant 9480 : i32
          %dma_wait3A_43 = arith.constant 0 : i32
          %dma_wait3A_44 = tpu.memref_slice %arg12[%dma_wait3A, %dma_wait3A_43] : memref<10000x128xf32, #tpu.memory_space<hbm>> -> memref<520x128xf32, #tpu.memory_space<hbm>>
          %dma_wait3A_45 = arith.constant 9480 : i32
          %dma_wait3A_46 = arith.constant 0 : i32
          %dma_wait3A_47 = tpu.memref_slice %arg19[%dma_wait3A_45, %dma_wait3A_46] : memref<10000x128xf32, #tpu.memory_space<vmem_shared>> -> memref<520x128xf32, #tpu.memory_space<vmem_shared>>
          tpu.wait_dma2 semaphore(%run_scoped3A : memref<!tpu.dma_semaphore, #tpu.memory_space<semaphore_mem>>) src(%dma_wait3A_47 : memref<520x128xf32, #tpu.memory_space<vmem_shared>>) dst(%dma_wait3A_44 : memref<520x128xf32, #tpu.memory_space<hbm>>)
          tpu.yield
        }) : () -> ()
      } else {
      }
    } else {
    }
    return
  }
}

#map = affine_map<(d0, d1) -> (0)>
module attributes {stable_mosaic.version = 14 : i64} {
  func.func @_pred_body(%arg0: i32, %arg1: i32, %arg2: memref<10000xf32, #tpu.memory_space<hbm>>, %arg3: memref<10000xf32, #tpu.memory_space<hbm>>, %arg4: memref<320000xf32, #tpu.memory_space<hbm>>, %arg5: memref<320000xi32, #tpu.memory_space<hbm>>, %arg6: memref<320000xi32, #tpu.memory_space<hbm>>, %arg7: memref<320000xf32, #tpu.memory_space<hbm>>, %arg8: memref<10000xf32, #tpu.memory_space<vmem>>, %arg9: memref<10000xf32, #tpu.memory_space<vmem>>, %arg10: memref<10000xi32, #tpu.memory_space<vmem>>, %arg11: memref<10000xi32, #tpu.memory_space<vmem>>, %arg12: memref<10000xf32, #tpu.memory_space<vmem>>, %arg13: memref<10000xf32, #tpu.memory_space<vmem>>) attributes {dimension_semantics = [#tpu.dimension_semantics<core_parallel>, #tpu.dimension_semantics<subcore_parallel>], iteration_bounds = array<i64: 2, 16>, scalar_prefetch = 0 : i64, scratch_operands = 6 : i64, tpu.core_type = #tpu.core_type<sc_vector_subcore>, window_params = [{transform_indices = #map}, {transform_indices = #map}, {transform_indices = #map}, {transform_indices = #map}, {transform_indices = #map}, {transform_indices = #map}]} {
    %mul3A = arith.constant 16 : i32
    %mul3A_0 = arith.muli %arg0, %mul3A : i32
    %add3A = arith.addi %mul3A_0, %arg1 : i32
    %mul3A_1 = arith.constant 10000 : i32
    %mul3A_2 = arith.muli %add3A, %mul3A_1 : i32
    "tpu.region"() ({
      %run_scoped3A = tpu.sem_alloc : memref<!tpu.dma_semaphore, #tpu.memory_space<semaphore_mem>>
      tpu.enqueue_dma source(%arg2 : memref<10000xf32, #tpu.memory_space<hbm>>) target(%arg8 : memref<10000xf32, #tpu.memory_space<vmem>>) target_semaphore(%run_scoped3A : memref<!tpu.dma_semaphore, #tpu.memory_space<semaphore_mem>>)
      tpu.wait_dma2 semaphore(%run_scoped3A : memref<!tpu.dma_semaphore, #tpu.memory_space<semaphore_mem>>) src(%arg2 : memref<10000xf32, #tpu.memory_space<hbm>>) dst(%arg8 : memref<10000xf32, #tpu.memory_space<vmem>>)
      tpu.yield
    }) : () -> ()
    "tpu.region"() ({
      %run_scoped3A = tpu.sem_alloc : memref<!tpu.dma_semaphore, #tpu.memory_space<semaphore_mem>>
      tpu.enqueue_dma source(%arg3 : memref<10000xf32, #tpu.memory_space<hbm>>) target(%arg9 : memref<10000xf32, #tpu.memory_space<vmem>>) target_semaphore(%run_scoped3A : memref<!tpu.dma_semaphore, #tpu.memory_space<semaphore_mem>>)
      tpu.wait_dma2 semaphore(%run_scoped3A : memref<!tpu.dma_semaphore, #tpu.memory_space<semaphore_mem>>) src(%arg3 : memref<10000xf32, #tpu.memory_space<hbm>>) dst(%arg9 : memref<10000xf32, #tpu.memory_space<vmem>>)
      tpu.yield
    }) : () -> ()
    "tpu.region"() ({
      %run_scoped3A = tpu.sem_alloc : memref<!tpu.dma_semaphore, #tpu.memory_space<semaphore_mem>>
      %dma_start3A = tpu.memref_slice %arg5[%mul3A_2] : memref<320000xi32, #tpu.memory_space<hbm>> -> memref<10000xi32, #tpu.memory_space<hbm>>
      %dma_start3A_8 = tpu.memref_slice %arg5[%mul3A_2] : memref<320000xi32, #tpu.memory_space<hbm>> -> memref<10000xi32, #tpu.memory_space<hbm>>
      tpu.enqueue_dma source(%dma_start3A_8 : memref<10000xi32, #tpu.memory_space<hbm>>) target(%arg10 : memref<10000xi32, #tpu.memory_space<vmem>>) target_semaphore(%run_scoped3A : memref<!tpu.dma_semaphore, #tpu.memory_space<semaphore_mem>>)
      %dma_wait3A = tpu.memref_slice %arg5[%mul3A_2] : memref<320000xi32, #tpu.memory_space<hbm>> -> memref<10000xi32, #tpu.memory_space<hbm>>
      %dma_wait3A_9 = tpu.memref_slice %arg5[%mul3A_2] : memref<320000xi32, #tpu.memory_space<hbm>> -> memref<10000xi32, #tpu.memory_space<hbm>>
      tpu.wait_dma2 semaphore(%run_scoped3A : memref<!tpu.dma_semaphore, #tpu.memory_space<semaphore_mem>>) src(%dma_wait3A_9 : memref<10000xi32, #tpu.memory_space<hbm>>) dst(%arg10 : memref<10000xi32, #tpu.memory_space<vmem>>)
      tpu.yield
    }) : () -> ()
    "tpu.region"() ({
      %run_scoped3A = tpu.sem_alloc : memref<!tpu.dma_semaphore, #tpu.memory_space<semaphore_mem>>
      %dma_start3A = tpu.memref_slice %arg6[%mul3A_2] : memref<320000xi32, #tpu.memory_space<hbm>> -> memref<10000xi32, #tpu.memory_space<hbm>>
      %dma_start3A_8 = tpu.memref_slice %arg6[%mul3A_2] : memref<320000xi32, #tpu.memory_space<hbm>> -> memref<10000xi32, #tpu.memory_space<hbm>>
      tpu.enqueue_dma source(%dma_start3A_8 : memref<10000xi32, #tpu.memory_space<hbm>>) target(%arg11 : memref<10000xi32, #tpu.memory_space<vmem>>) target_semaphore(%run_scoped3A : memref<!tpu.dma_semaphore, #tpu.memory_space<semaphore_mem>>)
      %dma_wait3A = tpu.memref_slice %arg6[%mul3A_2] : memref<320000xi32, #tpu.memory_space<hbm>> -> memref<10000xi32, #tpu.memory_space<hbm>>
      %dma_wait3A_9 = tpu.memref_slice %arg6[%mul3A_2] : memref<320000xi32, #tpu.memory_space<hbm>> -> memref<10000xi32, #tpu.memory_space<hbm>>
      tpu.wait_dma2 semaphore(%run_scoped3A : memref<!tpu.dma_semaphore, #tpu.memory_space<semaphore_mem>>) src(%dma_wait3A_9 : memref<10000xi32, #tpu.memory_space<hbm>>) dst(%arg11 : memref<10000xi32, #tpu.memory_space<vmem>>)
      tpu.yield
    }) : () -> ()
    "tpu.region"() ({
      %run_scoped3A = tpu.sem_alloc : memref<!tpu.dma_semaphore, #tpu.memory_space<semaphore_mem>>
      %dma_start3A = tpu.memref_slice %arg4[%mul3A_2] : memref<320000xf32, #tpu.memory_space<hbm>> -> memref<10000xf32, #tpu.memory_space<hbm>>
      %dma_start3A_8 = tpu.memref_slice %arg4[%mul3A_2] : memref<320000xf32, #tpu.memory_space<hbm>> -> memref<10000xf32, #tpu.memory_space<hbm>>
      tpu.enqueue_dma source(%dma_start3A_8 : memref<10000xf32, #tpu.memory_space<hbm>>) target(%arg12 : memref<10000xf32, #tpu.memory_space<vmem>>) target_semaphore(%run_scoped3A : memref<!tpu.dma_semaphore, #tpu.memory_space<semaphore_mem>>)
      %dma_wait3A = tpu.memref_slice %arg4[%mul3A_2] : memref<320000xf32, #tpu.memory_space<hbm>> -> memref<10000xf32, #tpu.memory_space<hbm>>
      %dma_wait3A_9 = tpu.memref_slice %arg4[%mul3A_2] : memref<320000xf32, #tpu.memory_space<hbm>> -> memref<10000xf32, #tpu.memory_space<hbm>>
      tpu.wait_dma2 semaphore(%run_scoped3A : memref<!tpu.dma_semaphore, #tpu.memory_space<semaphore_mem>>) src(%dma_wait3A_9 : memref<10000xf32, #tpu.memory_space<hbm>>) dst(%arg12 : memref<10000xf32, #tpu.memory_space<vmem>>)
      tpu.yield
    }) : () -> ()
    %scan3A = arith.constant 0 : i32
    %scan3A_3 = arith.constant 0 : i32
    %scan3A_4 = arith.constant 625 : i32
    %scan3A_5 = arith.addi %scan3A_3, %scan3A_4 : i32
    %scan3A_6 = arith.constant 1 : i32
    scf.for %scan3A_8 = %scan3A_3 to %scan3A_5 step %scan3A_6  : i32 {
      %mul3A_9 = arith.constant 16 : i32
      %mul3A_10 = arith.muli %scan3A_8, %mul3A_9 : i32
      %get3A = arith.index_cast %mul3A_10 : i32 to index
      %get3A_11 = tpu.vector_load %arg10[%get3A] {strides = array<i32>} : memref<10000xi32, #tpu.memory_space<vmem>>, vector<16xi32>,
      %gather3A = tpu.vector_load_idx %arg8[%get3A_11] : memref<10000xf32, #tpu.memory_space<vmem>>[vector<16xi32>], vector<16xf32>,
      %get3A_12 = arith.index_cast %mul3A_10 : i32 to index
      %get3A_13 = tpu.vector_load %arg11[%get3A_12] {strides = array<i32>} : memref<10000xi32, #tpu.memory_space<vmem>>, vector<16xi32>,
      %gather3A_14 = tpu.vector_load_idx %arg9[%get3A_13] : memref<10000xf32, #tpu.memory_space<vmem>>[vector<16xi32>], vector<16xf32>,
      %add3A_15 = arith.addf %gather3A, %gather3A_14 : vector<16xf32>
      %get3A_16 = arith.index_cast %mul3A_10 : i32 to index
      %get3A_17 = tpu.vector_load %arg12[%get3A_16] {strides = array<i32>} : memref<10000xf32, #tpu.memory_space<vmem>>, vector<16xf32>,
      %add3A_18 = arith.addf %add3A_15, %get3A_17 : vector<16xf32>
      %swap3A = arith.index_cast %mul3A_10 : i32 to index
      %swap3A_19 = tpu.vector_load %arg13[%swap3A] {strides = array<i32>} : memref<10000xf32, #tpu.memory_space<vmem>>, vector<16xf32>,
      tpu.vector_store %arg13[%swap3A], %add3A_18 {strides = array<i32>} : memref<10000xf32, #tpu.memory_space<vmem>>, vector<16xf32>,
    }
    %scan3A_7 = arith.constant 625 : i32
    "tpu.region"() ({
      %run_scoped3A = tpu.sem_alloc : memref<!tpu.dma_semaphore, #tpu.memory_space<semaphore_mem>>
      %dma_start3A = tpu.memref_slice %arg7[%mul3A_2] : memref<320000xf32, #tpu.memory_space<hbm>> -> memref<10000xf32, #tpu.memory_space<hbm>>
      %dma_start3A_8 = tpu.memref_slice %arg7[%mul3A_2] : memref<320000xf32, #tpu.memory_space<hbm>> -> memref<10000xf32, #tpu.memory_space<hbm>>
      tpu.enqueue_dma source(%arg13 : memref<10000xf32, #tpu.memory_space<vmem>>) target(%dma_start3A_8 : memref<10000xf32, #tpu.memory_space<hbm>>) target_semaphore(%run_scoped3A : memref<!tpu.dma_semaphore, #tpu.memory_space<semaphore_mem>>)
      %dma_wait3A = tpu.memref_slice %arg7[%mul3A_2] : memref<320000xf32, #tpu.memory_space<hbm>> -> memref<10000xf32, #tpu.memory_space<hbm>>
      %dma_wait3A_9 = tpu.memref_slice %arg7[%mul3A_2] : memref<320000xf32, #tpu.memory_space<hbm>> -> memref<10000xf32, #tpu.memory_space<hbm>>
      tpu.wait_dma2 semaphore(%run_scoped3A : memref<!tpu.dma_semaphore, #tpu.memory_space<semaphore_mem>>) src(%arg13 : memref<10000xf32, #tpu.memory_space<vmem>>) dst(%dma_wait3A_9 : memref<10000xf32, #tpu.memory_space<hbm>>)
      tpu.yield
    }) : () -> ()
    return
  }
}

#map = affine_map<(d0, d1) -> (0, 0)>
#map1 = affine_map<(d0, d1) -> (0)>
module attributes {stable_mosaic.version = 14 : i64} {
  func.func @_fused_iter_body(%arg0: i32, %arg1: i32, %arg2: memref<320000x128xf32, #tpu.memory_space<hbm>>, %arg3: memref<10000x128xf32, #tpu.memory_space<hbm>>, %arg4: memref<10000x128xf32, #tpu.memory_space<hbm>>, %arg5: memref<320000xi32, #tpu.memory_space<hbm>>, %arg6: memref<320000xi32, #tpu.memory_space<hbm>>, %arg7: memref<10000x128xf32, #tpu.memory_space<hbm>>, %arg8: memref<320000x128xf32, #tpu.memory_space<hbm>>, %arg9: memref<10000x128xf32, #tpu.memory_space<hbm>>, %arg10: memref<10000x128xf32, #tpu.memory_space<hbm>>, %arg11: memref<80xi32, #tpu.memory_space<vmem>>, %arg12: memref<80xi32, #tpu.memory_space<vmem>>, %arg13: memref<80x128xf32, #tpu.memory_space<vmem>>, %arg14: memref<80x128xf32, #tpu.memory_space<vmem>>, %arg15: memref<80x128xf32, #tpu.memory_space<vmem>>, %arg16: memref<10000x128xf32, #tpu.memory_space<vmem_shared>>, %arg17: memref<!tpu.dma_semaphore, #tpu.memory_space<semaphore_mem>>, %arg18: memref<!tpu.dma_semaphore, #tpu.memory_space<semaphore_mem>>) attributes {dimension_semantics = [#tpu.dimension_semantics<core_parallel>, #tpu.dimension_semantics<subcore_parallel>], iteration_bounds = array<i64: 2, 16>, scalar_prefetch = 0 : i64, scratch_operands = 8 : i64, tpu.core_type = #tpu.core_type<sc_vector_subcore>, window_params = [{transform_indices = #map}, {transform_indices = #map}, {transform_indices = #map}, {transform_indices = #map1}, {transform_indices = #map1}, {transform_indices = #map}, {transform_indices = #map}, {transform_indices = #map}, {transform_indices = #map}]} {
    %mul3A = arith.constant 16 : i32
    %mul3A_0 = arith.muli %arg0, %mul3A : i32
    %add3A = arith.addi %mul3A_0, %arg1 : i32
    %mul3A_1 = arith.constant 632 : i32
    %mul3A_2 = arith.muli %arg1, %mul3A_1 : i32
    %multiple_of3A = tpu.assume_multiple %mul3A_2, 8 : i32
    %lt3A = arith.constant 15 : i32
    %lt3A_3 = arith.cmpi slt, %arg1, %lt3A : i32
    %convert_element_type3A = arith.extui %lt3A_3 : i1 to i32
    %cond3A = arith.constant 0 : i32
    %cond3A_4 = arith.cmpi ne, %convert_element_type3A, %cond3A : i32
    scf.if %cond3A_4 {
      "tpu.region"() ({
        %run_scoped3A = tpu.sem_alloc : memref<!tpu.dma_semaphore, #tpu.memory_space<semaphore_mem>>
        %dma_start3A = arith.constant 0 : i32
        %dma_start3A_25 = tpu.memref_slice %arg16[%multiple_of3A, %dma_start3A] : memref<10000x128xf32, #tpu.memory_space<vmem_shared>> -> memref<632x128xf32, #tpu.memory_space<vmem_shared>>
        %dma_start3A_26 = arith.constant 0 : i32
        %dma_start3A_27 = tpu.memref_slice %arg7[%multiple_of3A, %dma_start3A_26] : memref<10000x128xf32, #tpu.memory_space<hbm>> -> memref<632x128xf32, #tpu.memory_space<hbm>>
        tpu.enqueue_dma source(%dma_start3A_27 : memref<632x128xf32, #tpu.memory_space<hbm>>) target(%dma_start3A_25 : memref<632x128xf32, #tpu.memory_space<vmem_shared>>) target_semaphore(%run_scoped3A : memref<!tpu.dma_semaphore, #tpu.memory_space<semaphore_mem>>)
        %dma_wait3A = arith.constant 0 : i32
        %dma_wait3A_28 = tpu.memref_slice %arg16[%multiple_of3A, %dma_wait3A] : memref<10000x128xf32, #tpu.memory_space<vmem_shared>> -> memref<632x128xf32, #tpu.memory_space<vmem_shared>>
        %dma_wait3A_29 = arith.constant 0 : i32
        %dma_wait3A_30 = tpu.memref_slice %arg7[%multiple_of3A, %dma_wait3A_29] : memref<10000x128xf32, #tpu.memory_space<hbm>> -> memref<632x128xf32, #tpu.memory_space<hbm>>
        tpu.wait_dma2 semaphore(%run_scoped3A : memref<!tpu.dma_semaphore, #tpu.memory_space<semaphore_mem>>) src(%dma_wait3A_30 : memref<632x128xf32, #tpu.memory_space<hbm>>) dst(%dma_wait3A_28 : memref<632x128xf32, #tpu.memory_space<vmem_shared>>)
        tpu.yield
      }) : () -> ()
    } else {
    }
    %eq3A = arith.constant 15 : i32
    %eq3A_5 = arith.cmpi eq, %arg1, %eq3A : i32
    %convert_element_type3A_6 = arith.extui %eq3A_5 : i1 to i32
    %cond3A_7 = arith.constant 0 : i32
    %cond3A_8 = arith.cmpi ne, %convert_element_type3A_6, %cond3A_7 : i32
    scf.if %cond3A_8 {
      "tpu.region"() ({
        %run_scoped3A = tpu.sem_alloc : memref<!tpu.dma_semaphore, #tpu.memory_space<semaphore_mem>>
        %dma_start3A = arith.constant 9480 : i32
        %dma_start3A_25 = arith.constant 0 : i32
        %dma_start3A_26 = tpu.memref_slice %arg16[%dma_start3A, %dma_start3A_25] : memref<10000x128xf32, #tpu.memory_space<vmem_shared>> -> memref<520x128xf32, #tpu.memory_space<vmem_shared>>
        %dma_start3A_27 = arith.constant 9480 : i32
        %dma_start3A_28 = arith.constant 0 : i32
        %dma_start3A_29 = tpu.memref_slice %arg7[%dma_start3A_27, %dma_start3A_28] : memref<10000x128xf32, #tpu.memory_space<hbm>> -> memref<520x128xf32, #tpu.memory_space<hbm>>
        tpu.enqueue_dma source(%dma_start3A_29 : memref<520x128xf32, #tpu.memory_space<hbm>>) target(%dma_start3A_26 : memref<520x128xf32, #tpu.memory_space<vmem_shared>>) target_semaphore(%run_scoped3A : memref<!tpu.dma_semaphore, #tpu.memory_space<semaphore_mem>>)
        %dma_wait3A = arith.constant 9480 : i32
        %dma_wait3A_30 = arith.constant 0 : i32
        %dma_wait3A_31 = tpu.memref_slice %arg16[%dma_wait3A, %dma_wait3A_30] : memref<10000x128xf32, #tpu.memory_space<vmem_shared>> -> memref<520x128xf32, #tpu.memory_space<vmem_shared>>
        %dma_wait3A_32 = arith.constant 9480 : i32
        %dma_wait3A_33 = arith.constant 0 : i32
        %dma_wait3A_34 = tpu.memref_slice %arg7[%dma_wait3A_32, %dma_wait3A_33] : memref<10000x128xf32, #tpu.memory_space<hbm>> -> memref<520x128xf32, #tpu.memory_space<hbm>>
        tpu.wait_dma2 semaphore(%run_scoped3A : memref<!tpu.dma_semaphore, #tpu.memory_space<semaphore_mem>>) src(%dma_wait3A_34 : memref<520x128xf32, #tpu.memory_space<hbm>>) dst(%dma_wait3A_31 : memref<520x128xf32, #tpu.memory_space<vmem_shared>>)
        tpu.yield
      }) : () -> ()
    } else {
    }
    %barrier3A = arith.constant 0 : index
    tpu.barrier barrier_id(%barrier3A)
    %scan3A = arith.constant 0 : i32
    %scan3A_9 = arith.constant 0 : i32
    %scan3A_10 = arith.constant 125 : i32
    %scan3A_11 = arith.addi %scan3A_9, %scan3A_10 : i32
    %scan3A_12 = arith.constant 1 : i32
    scf.for %scan3A_25 = %scan3A_9 to %scan3A_11 step %scan3A_12  : i32 {
      %mul3A_26 = arith.constant 10000 : i32
      %mul3A_27 = arith.muli %add3A, %mul3A_26 : i32
      %mul3A_28 = arith.constant 80 : i32
      %mul3A_29 = arith.muli %scan3A_25, %mul3A_28 : i32
      %add3A_30 = arith.addi %mul3A_27, %mul3A_29 : i32
      "tpu.region"() ({
        %run_scoped3A = tpu.sem_alloc : memref<!tpu.dma_semaphore, #tpu.memory_space<semaphore_mem>>
        %dma_start3A_47 = tpu.memref_slice %arg5[%add3A_30] : memref<320000xi32, #tpu.memory_space<hbm>> -> memref<80xi32, #tpu.memory_space<hbm>>
        %dma_start3A_48 = tpu.memref_slice %arg5[%add3A_30] : memref<320000xi32, #tpu.memory_space<hbm>> -> memref<80xi32, #tpu.memory_space<hbm>>
        tpu.enqueue_dma source(%dma_start3A_48 : memref<80xi32, #tpu.memory_space<hbm>>) target(%arg11 : memref<80xi32, #tpu.memory_space<vmem>>) target_semaphore(%run_scoped3A : memref<!tpu.dma_semaphore, #tpu.memory_space<semaphore_mem>>)
        %dma_wait3A_49 = tpu.memref_slice %arg5[%add3A_30] : memref<320000xi32, #tpu.memory_space<hbm>> -> memref<80xi32, #tpu.memory_space<hbm>>
        %dma_wait3A_50 = tpu.memref_slice %arg5[%add3A_30] : memref<320000xi32, #tpu.memory_space<hbm>> -> memref<80xi32, #tpu.memory_space<hbm>>
        tpu.wait_dma2 semaphore(%run_scoped3A : memref<!tpu.dma_semaphore, #tpu.memory_space<semaphore_mem>>) src(%dma_wait3A_50 : memref<80xi32, #tpu.memory_space<hbm>>) dst(%arg11 : memref<80xi32, #tpu.memory_space<vmem>>)
        tpu.yield
      }) : () -> ()
      "tpu.region"() ({
        %run_scoped3A = tpu.sem_alloc : memref<!tpu.dma_semaphore, #tpu.memory_space<semaphore_mem>>
        %dma_start3A_47 = tpu.memref_slice %arg6[%add3A_30] : memref<320000xi32, #tpu.memory_space<hbm>> -> memref<80xi32, #tpu.memory_space<hbm>>
        %dma_start3A_48 = tpu.memref_slice %arg6[%add3A_30] : memref<320000xi32, #tpu.memory_space<hbm>> -> memref<80xi32, #tpu.memory_space<hbm>>
        tpu.enqueue_dma source(%dma_start3A_48 : memref<80xi32, #tpu.memory_space<hbm>>) target(%arg12 : memref<80xi32, #tpu.memory_space<vmem>>) target_semaphore(%run_scoped3A : memref<!tpu.dma_semaphore, #tpu.memory_space<semaphore_mem>>)
        %dma_wait3A_49 = tpu.memref_slice %arg6[%add3A_30] : memref<320000xi32, #tpu.memory_space<hbm>> -> memref<80xi32, #tpu.memory_space<hbm>>
        %dma_wait3A_50 = tpu.memref_slice %arg6[%add3A_30] : memref<320000xi32, #tpu.memory_space<hbm>> -> memref<80xi32, #tpu.memory_space<hbm>>
        tpu.wait_dma2 semaphore(%run_scoped3A : memref<!tpu.dma_semaphore, #tpu.memory_space<semaphore_mem>>) src(%dma_wait3A_50 : memref<80xi32, #tpu.memory_space<hbm>>) dst(%arg12 : memref<80xi32, #tpu.memory_space<vmem>>)
        tpu.yield
      }) : () -> ()
      %dma_start3A = arith.constant 0 : i32
      %dma_start3A_31 = arith.constant 0 : i32
      %dma_start3A_32 = tpu.memref_slice %arg3[%dma_start3A, %dma_start3A_31] : memref<10000x128xf32, #tpu.memory_space<hbm>> -> memref<10000x128xf32, #tpu.memory_space<hbm>>
      tpu.enqueue_indirect_dma source(%dma_start3A_32 : memref<10000x128xf32, #tpu.memory_space<hbm>>) target(%arg13 : memref<80x128xf32, #tpu.memory_space<vmem>>) offsets(%arg11 : memref<80xi32, #tpu.memory_space<vmem>>) semaphore(%arg17 : memref<!tpu.dma_semaphore, #tpu.memory_space<semaphore_mem>>)
      %dma_start3A_33 = arith.constant 0 : i32
      %dma_start3A_34 = arith.constant 0 : i32
      %dma_start3A_35 = tpu.memref_slice %arg4[%dma_start3A_33, %dma_start3A_34] : memref<10000x128xf32, #tpu.memory_space<hbm>> -> memref<10000x128xf32, #tpu.memory_space<hbm>>
      tpu.enqueue_indirect_dma source(%dma_start3A_35 : memref<10000x128xf32, #tpu.memory_space<hbm>>) target(%arg14 : memref<80x128xf32, #tpu.memory_space<vmem>>) offsets(%arg12 : memref<80xi32, #tpu.memory_space<vmem>>) semaphore(%arg18 : memref<!tpu.dma_semaphore, #tpu.memory_space<semaphore_mem>>)
      "tpu.region"() ({
        %run_scoped3A = tpu.sem_alloc : memref<!tpu.dma_semaphore, #tpu.memory_space<semaphore_mem>>
        %dma_start3A_47 = arith.constant 0 : i32
        %dma_start3A_48 = tpu.memref_slice %arg2[%add3A_30, %dma_start3A_47] : memref<320000x128xf32, #tpu.memory_space<hbm>> -> memref<80x128xf32, #tpu.memory_space<hbm>>
        %dma_start3A_49 = arith.constant 0 : i32
        %dma_start3A_50 = tpu.memref_slice %arg2[%add3A_30, %dma_start3A_49] : memref<320000x128xf32, #tpu.memory_space<hbm>> -> memref<80x128xf32, #tpu.memory_space<hbm>>
        tpu.enqueue_dma source(%dma_start3A_50 : memref<80x128xf32, #tpu.memory_space<hbm>>) target(%arg15 : memref<80x128xf32, #tpu.memory_space<vmem>>) target_semaphore(%run_scoped3A : memref<!tpu.dma_semaphore, #tpu.memory_space<semaphore_mem>>)
        %dma_wait3A_51 = arith.constant 0 : i32
        %dma_wait3A_52 = tpu.memref_slice %arg2[%add3A_30, %dma_wait3A_51] : memref<320000x128xf32, #tpu.memory_space<hbm>> -> memref<80x128xf32, #tpu.memory_space<hbm>>
        %dma_wait3A_53 = arith.constant 0 : i32
        %dma_wait3A_54 = tpu.memref_slice %arg2[%add3A_30, %dma_wait3A_53] : memref<320000x128xf32, #tpu.memory_space<hbm>> -> memref<80x128xf32, #tpu.memory_space<hbm>>
        tpu.wait_dma2 semaphore(%run_scoped3A : memref<!tpu.dma_semaphore, #tpu.memory_space<semaphore_mem>>) src(%dma_wait3A_54 : memref<80x128xf32, #tpu.memory_space<hbm>>) dst(%arg15 : memref<80x128xf32, #tpu.memory_space<vmem>>)
        tpu.yield
      }) : () -> ()
      %dma_wait3A = arith.constant 0 : i32
      %dma_wait3A_36 = arith.constant 0 : i32
      %dma_wait3A_37 = tpu.memref_slice %arg3[%dma_wait3A, %dma_wait3A_36] : memref<10000x128xf32, #tpu.memory_space<hbm>> -> memref<10000x128xf32, #tpu.memory_space<hbm>>
      tpu.wait_indirect_dma semaphore(%arg17 : memref<!tpu.dma_semaphore, #tpu.memory_space<semaphore_mem>>) src(%dma_wait3A_37 : memref<10000x128xf32, #tpu.memory_space<hbm>>) dst(%arg13 : memref<80x128xf32, #tpu.memory_space<vmem>>)
      %dma_wait3A_38 = arith.constant 0 : i32
      %dma_wait3A_39 = arith.constant 0 : i32
      %dma_wait3A_40 = tpu.memref_slice %arg4[%dma_wait3A_38, %dma_wait3A_39] : memref<10000x128xf32, #tpu.memory_space<hbm>> -> memref<10000x128xf32, #tpu.memory_space<hbm>>
      tpu.wait_indirect_dma semaphore(%arg18 : memref<!tpu.dma_semaphore, #tpu.memory_space<semaphore_mem>>) src(%dma_wait3A_40 : memref<10000x128xf32, #tpu.memory_space<hbm>>) dst(%arg14 : memref<80x128xf32, #tpu.memory_space<vmem>>)
      %scan3A_41 = arith.constant 0 : i32
      %scan3A_42 = arith.constant 0 : i32
      %scan3A_43 = arith.constant 80 : i32
      %scan3A_44 = arith.addi %scan3A_42, %scan3A_43 : i32
      %scan3A_45 = arith.constant 1 : i32
      scf.for %scan3A_47 = %scan3A_42 to %scan3A_44 step %scan3A_45  : i32 {
        %get3A = arith.index_cast %scan3A_47 : i32 to index
        %get3A_48 = arith.constant 0 : index
        %get3A_49 = tpu.vector_load %arg13[%get3A, %get3A_48] {strides = array<i32>} : memref<80x128xf32, #tpu.memory_space<vmem>>, vector<1x16xf32>,
        %get3A_50 = vector.shape_cast %get3A_49 : vector<1x16xf32> to vector<16xf32>
        %get3A_51 = arith.index_cast %scan3A_47 : i32 to index
        %get3A_52 = arith.constant 0 : index
        %get3A_53 = tpu.vector_load %arg14[%get3A_51, %get3A_52] {strides = array<i32>} : memref<80x128xf32, #tpu.memory_space<vmem>>, vector<1x16xf32>,
        %get3A_54 = vector.shape_cast %get3A_53 : vector<1x16xf32> to vector<16xf32>
        %add3A_55 = arith.addf %get3A_50, %get3A_54 : vector<16xf32>
        %swap3A = arith.index_cast %scan3A_47 : i32 to index
        %swap3A_56 = arith.constant 0 : index
        %swap3A_57 = tpu.vector_load %arg13[%swap3A, %swap3A_56] {strides = array<i32>} : memref<80x128xf32, #tpu.memory_space<vmem>>, vector<1x16xf32>,
        %swap3A_58 = vector.shape_cast %swap3A_57 : vector<1x16xf32> to vector<16xf32>
        %swap3A_59 = vector.shape_cast %add3A_55 : vector<16xf32> to vector<1x16xf32>
        tpu.vector_store %arg13[%swap3A, %swap3A_56], %swap3A_59 {strides = array<i32>} : memref<80x128xf32, #tpu.memory_space<vmem>>, vector<1x16xf32>,
        %get3A_60 = arith.index_cast %scan3A_47 : i32 to index
        %get3A_61 = arith.constant 16 : index
        %get3A_62 = tpu.vector_load %arg13[%get3A_60, %get3A_61] {strides = array<i32>} : memref<80x128xf32, #tpu.memory_space<vmem>>, vector<1x16xf32>,
        %get3A_63 = vector.shape_cast %get3A_62 : vector<1x16xf32> to vector<16xf32>
        %get3A_64 = arith.index_cast %scan3A_47 : i32 to index
        %get3A_65 = arith.constant 16 : index
        %get3A_66 = tpu.vector_load %arg14[%get3A_64, %get3A_65] {strides = array<i32>} : memref<80x128xf32, #tpu.memory_space<vmem>>, vector<1x16xf32>,
        %get3A_67 = vector.shape_cast %get3A_66 : vector<1x16xf32> to vector<16xf32>
        %add3A_68 = arith.addf %get3A_63, %get3A_67 : vector<16xf32>
        %swap3A_69 = arith.index_cast %scan3A_47 : i32 to index
        %swap3A_70 = arith.constant 16 : index
        %swap3A_71 = tpu.vector_load %arg13[%swap3A_69, %swap3A_70] {strides = array<i32>} : memref<80x128xf32, #tpu.memory_space<vmem>>, vector<1x16xf32>,
        %swap3A_72 = vector.shape_cast %swap3A_71 : vector<1x16xf32> to vector<16xf32>
        %swap3A_73 = vector.shape_cast %add3A_68 : vector<16xf32> to vector<1x16xf32>
        tpu.vector_store %arg13[%swap3A_69, %swap3A_70], %swap3A_73 {strides = array<i32>} : memref<80x128xf32, #tpu.memory_space<vmem>>, vector<1x16xf32>,
        %get3A_74 = arith.index_cast %scan3A_47 : i32 to index
        %get3A_75 = arith.constant 32 : index
        %get3A_76 = tpu.vector_load %arg13[%get3A_74, %get3A_75] {strides = array<i32>} : memref<80x128xf32, #tpu.memory_space<vmem>>, vector<1x16xf32>,
        %get3A_77 = vector.shape_cast %get3A_76 : vector<1x16xf32> to vector<16xf32>
        %get3A_78 = arith.index_cast %scan3A_47 : i32 to index
        %get3A_79 = arith.constant 32 : index
        %get3A_80 = tpu.vector_load %arg14[%get3A_78, %get3A_79] {strides = array<i32>} : memref<80x128xf32, #tpu.memory_space<vmem>>, vector<1x16xf32>,
        %get3A_81 = vector.shape_cast %get3A_80 : vector<1x16xf32> to vector<16xf32>
        %add3A_82 = arith.addf %get3A_77, %get3A_81 : vector<16xf32>
        %swap3A_83 = arith.index_cast %scan3A_47 : i32 to index
        %swap3A_84 = arith.constant 32 : index
        %swap3A_85 = tpu.vector_load %arg13[%swap3A_83, %swap3A_84] {strides = array<i32>} : memref<80x128xf32, #tpu.memory_space<vmem>>, vector<1x16xf32>,
        %swap3A_86 = vector.shape_cast %swap3A_85 : vector<1x16xf32> to vector<16xf32>
        %swap3A_87 = vector.shape_cast %add3A_82 : vector<16xf32> to vector<1x16xf32>
        tpu.vector_store %arg13[%swap3A_83, %swap3A_84], %swap3A_87 {strides = array<i32>} : memref<80x128xf32, #tpu.memory_space<vmem>>, vector<1x16xf32>,
        %get3A_88 = arith.index_cast %scan3A_47 : i32 to index
        %get3A_89 = arith.constant 48 : index
        %get3A_90 = tpu.vector_load %arg13[%get3A_88, %get3A_89] {strides = array<i32>} : memref<80x128xf32, #tpu.memory_space<vmem>>, vector<1x16xf32>,
        %get3A_91 = vector.shape_cast %get3A_90 : vector<1x16xf32> to vector<16xf32>
        %get3A_92 = arith.index_cast %scan3A_47 : i32 to index
        %get3A_93 = arith.constant 48 : index
        %get3A_94 = tpu.vector_load %arg14[%get3A_92, %get3A_93] {strides = array<i32>} : memref<80x128xf32, #tpu.memory_space<vmem>>, vector<1x16xf32>,
        %get3A_95 = vector.shape_cast %get3A_94 : vector<1x16xf32> to vector<16xf32>
        %add3A_96 = arith.addf %get3A_91, %get3A_95 : vector<16xf32>
        %swap3A_97 = arith.index_cast %scan3A_47 : i32 to index
        %swap3A_98 = arith.constant 48 : index
        %swap3A_99 = tpu.vector_load %arg13[%swap3A_97, %swap3A_98] {strides = array<i32>} : memref<80x128xf32, #tpu.memory_space<vmem>>, vector<1x16xf32>,
        %swap3A_100 = vector.shape_cast %swap3A_99 : vector<1x16xf32> to vector<16xf32>
        %swap3A_101 = vector.shape_cast %add3A_96 : vector<16xf32> to vector<1x16xf32>
        tpu.vector_store %arg13[%swap3A_97, %swap3A_98], %swap3A_101 {strides = array<i32>} : memref<80x128xf32, #tpu.memory_space<vmem>>, vector<1x16xf32>,
        %get3A_102 = arith.index_cast %scan3A_47 : i32 to index
        %get3A_103 = arith.constant 64 : index
        %get3A_104 = tpu.vector_load %arg13[%get3A_102, %get3A_103] {strides = array<i32>} : memref<80x128xf32, #tpu.memory_space<vmem>>, vector<1x16xf32>,
        %get3A_105 = vector.shape_cast %get3A_104 : vector<1x16xf32> to vector<16xf32>
        %get3A_106 = arith.index_cast %scan3A_47 : i32 to index
        %get3A_107 = arith.constant 64 : index
        %get3A_108 = tpu.vector_load %arg14[%get3A_106, %get3A_107] {strides = array<i32>} : memref<80x128xf32, #tpu.memory_space<vmem>>, vector<1x16xf32>,
        %get3A_109 = vector.shape_cast %get3A_108 : vector<1x16xf32> to vector<16xf32>
        %add3A_110 = arith.addf %get3A_105, %get3A_109 : vector<16xf32>
        %swap3A_111 = arith.index_cast %scan3A_47 : i32 to index
        %swap3A_112 = arith.constant 64 : index
        %swap3A_113 = tpu.vector_load %arg13[%swap3A_111, %swap3A_112] {strides = array<i32>} : memref<80x128xf32, #tpu.memory_space<vmem>>, vector<1x16xf32>,
        %swap3A_114 = vector.shape_cast %swap3A_113 : vector<1x16xf32> to vector<16xf32>
        %swap3A_115 = vector.shape_cast %add3A_110 : vector<16xf32> to vector<1x16xf32>
        tpu.vector_store %arg13[%swap3A_111, %swap3A_112], %swap3A_115 {strides = array<i32>} : memref<80x128xf32, #tpu.memory_space<vmem>>, vector<1x16xf32>,
        %get3A_116 = arith.index_cast %scan3A_47 : i32 to index
        %get3A_117 = arith.constant 80 : index
        %get3A_118 = tpu.vector_load %arg13[%get3A_116, %get3A_117] {strides = array<i32>} : memref<80x128xf32, #tpu.memory_space<vmem>>, vector<1x16xf32>,
        %get3A_119 = vector.shape_cast %get3A_118 : vector<1x16xf32> to vector<16xf32>
        %get3A_120 = arith.index_cast %scan3A_47 : i32 to index
        %get3A_121 = arith.constant 80 : index
        %get3A_122 = tpu.vector_load %arg14[%get3A_120, %get3A_121] {strides = array<i32>} : memref<80x128xf32, #tpu.memory_space<vmem>>, vector<1x16xf32>,
        %get3A_123 = vector.shape_cast %get3A_122 : vector<1x16xf32> to vector<16xf32>
        %add3A_124 = arith.addf %get3A_119, %get3A_123 : vector<16xf32>
        %swap3A_125 = arith.index_cast %scan3A_47 : i32 to index
        %swap3A_126 = arith.constant 80 : index
        %swap3A_127 = tpu.vector_load %arg13[%swap3A_125, %swap3A_126] {strides = array<i32>} : memref<80x128xf32, #tpu.memory_space<vmem>>, vector<1x16xf32>,
        %swap3A_128 = vector.shape_cast %swap3A_127 : vector<1x16xf32> to vector<16xf32>
        %swap3A_129 = vector.shape_cast %add3A_124 : vector<16xf32> to vector<1x16xf32>
        tpu.vector_store %arg13[%swap3A_125, %swap3A_126], %swap3A_129 {strides = array<i32>} : memref<80x128xf32, #tpu.memory_space<vmem>>, vector<1x16xf32>,
        %get3A_130 = arith.index_cast %scan3A_47 : i32 to index
        %get3A_131 = arith.constant 96 : index
        %get3A_132 = tpu.vector_load %arg13[%get3A_130, %get3A_131] {strides = array<i32>} : memref<80x128xf32, #tpu.memory_space<vmem>>, vector<1x16xf32>,
        %get3A_133 = vector.shape_cast %get3A_132 : vector<1x16xf32> to vector<16xf32>
        %get3A_134 = arith.index_cast %scan3A_47 : i32 to index
        %get3A_135 = arith.constant 96 : index
        %get3A_136 = tpu.vector_load %arg14[%get3A_134, %get3A_135] {strides = array<i32>} : memref<80x128xf32, #tpu.memory_space<vmem>>, vector<1x16xf32>,
        %get3A_137 = vector.shape_cast %get3A_136 : vector<1x16xf32> to vector<16xf32>
        %add3A_138 = arith.addf %get3A_133, %get3A_137 : vector<16xf32>
        %swap3A_139 = arith.index_cast %scan3A_47 : i32 to index
        %swap3A_140 = arith.constant 96 : index
        %swap3A_141 = tpu.vector_load %arg13[%swap3A_139, %swap3A_140] {strides = array<i32>} : memref<80x128xf32, #tpu.memory_space<vmem>>, vector<1x16xf32>,
        %swap3A_142 = vector.shape_cast %swap3A_141 : vector<1x16xf32> to vector<16xf32>
        %swap3A_143 = vector.shape_cast %add3A_138 : vector<16xf32> to vector<1x16xf32>
        tpu.vector_store %arg13[%swap3A_139, %swap3A_140], %swap3A_143 {strides = array<i32>} : memref<80x128xf32, #tpu.memory_space<vmem>>, vector<1x16xf32>,
        %get3A_144 = arith.index_cast %scan3A_47 : i32 to index
        %get3A_145 = arith.constant 112 : index
        %get3A_146 = tpu.vector_load %arg13[%get3A_144, %get3A_145] {strides = array<i32>} : memref<80x128xf32, #tpu.memory_space<vmem>>, vector<1x16xf32>,
        %get3A_147 = vector.shape_cast %get3A_146 : vector<1x16xf32> to vector<16xf32>
        %get3A_148 = arith.index_cast %scan3A_47 : i32 to index
        %get3A_149 = arith.constant 112 : index
        %get3A_150 = tpu.vector_load %arg14[%get3A_148, %get3A_149] {strides = array<i32>} : memref<80x128xf32, #tpu.memory_space<vmem>>, vector<1x16xf32>,
        %get3A_151 = vector.shape_cast %get3A_150 : vector<1x16xf32> to vector<16xf32>
        %add3A_152 = arith.addf %get3A_147, %get3A_151 : vector<16xf32>
        %swap3A_153 = arith.index_cast %scan3A_47 : i32 to index
        %swap3A_154 = arith.constant 112 : index
        %swap3A_155 = tpu.vector_load %arg13[%swap3A_153, %swap3A_154] {strides = array<i32>} : memref<80x128xf32, #tpu.memory_space<vmem>>, vector<1x16xf32>,
        %swap3A_156 = vector.shape_cast %swap3A_155 : vector<1x16xf32> to vector<16xf32>
        %swap3A_157 = vector.shape_cast %add3A_152 : vector<16xf32> to vector<1x16xf32>
        tpu.vector_store %arg13[%swap3A_153, %swap3A_154], %swap3A_157 {strides = array<i32>} : memref<80x128xf32, #tpu.memory_space<vmem>>, vector<1x16xf32>,
      }
      %scan3A_46 = arith.constant 80 : i32
      "tpu.region"() ({
        %run_scoped3A = tpu.sem_alloc : memref<!tpu.dma_semaphore, #tpu.memory_space<semaphore_mem>>
        %dma_start3A_47 = arith.constant 0 : i32
        %dma_start3A_48 = arith.constant 0 : i32
        %dma_start3A_49 = tpu.memref_slice %arg16[%dma_start3A_47, %dma_start3A_48] : memref<10000x128xf32, #tpu.memory_space<vmem_shared>> -> memref<10000x128xf32, #tpu.memory_space<vmem_shared>>
        tpu.enqueue_indirect_dma source(%arg15 : memref<80x128xf32, #tpu.memory_space<vmem>>) target(%dma_start3A_49 : memref<10000x128xf32, #tpu.memory_space<vmem_shared>>) offsets(%arg12 : memref<80xi32, #tpu.memory_space<vmem>>) semaphore(%run_scoped3A : memref<!tpu.dma_semaphore, #tpu.memory_space<semaphore_mem>>) {add = true}
        %dma_wait3A_50 = arith.constant 0 : i32
        %dma_wait3A_51 = arith.constant 0 : i32
        %dma_wait3A_52 = tpu.memref_slice %arg16[%dma_wait3A_50, %dma_wait3A_51] : memref<10000x128xf32, #tpu.memory_space<vmem_shared>> -> memref<10000x128xf32, #tpu.memory_space<vmem_shared>>
        tpu.wait_indirect_dma semaphore(%run_scoped3A : memref<!tpu.dma_semaphore, #tpu.memory_space<semaphore_mem>>) src(%arg15 : memref<80x128xf32, #tpu.memory_space<vmem>>) dst(%dma_wait3A_52 : memref<10000x128xf32, #tpu.memory_space<vmem_shared>>)
        tpu.yield
      }) : () -> ()
      "tpu.region"() ({
        %run_scoped3A = tpu.sem_alloc : memref<!tpu.dma_semaphore, #tpu.memory_space<semaphore_mem>>
        %dma_start3A_47 = arith.constant 0 : i32
        %dma_start3A_48 = tpu.memref_slice %arg8[%add3A_30, %dma_start3A_47] : memref<320000x128xf32, #tpu.memory_space<hbm>> -> memref<80x128xf32, #tpu.memory_space<hbm>>
        %dma_start3A_49 = arith.constant 0 : i32
        %dma_start3A_50 = tpu.memref_slice %arg8[%add3A_30, %dma_start3A_49] : memref<320000x128xf32, #tpu.memory_space<hbm>> -> memref<80x128xf32, #tpu.memory_space<hbm>>
        tpu.enqueue_dma source(%arg13 : memref<80x128xf32, #tpu.memory_space<vmem>>) target(%dma_start3A_50 : memref<80x128xf32, #tpu.memory_space<hbm>>) target_semaphore(%run_scoped3A : memref<!tpu.dma_semaphore, #tpu.memory_space<semaphore_mem>>)
        %dma_wait3A_51 = arith.constant 0 : i32
        %dma_wait3A_52 = tpu.memref_slice %arg8[%add3A_30, %dma_wait3A_51] : memref<320000x128xf32, #tpu.memory_space<hbm>> -> memref<80x128xf32, #tpu.memory_space<hbm>>
        %dma_wait3A_53 = arith.constant 0 : i32
        %dma_wait3A_54 = tpu.memref_slice %arg8[%add3A_30, %dma_wait3A_53] : memref<320000x128xf32, #tpu.memory_space<hbm>> -> memref<80x128xf32, #tpu.memory_space<hbm>>
        tpu.wait_dma2 semaphore(%run_scoped3A : memref<!tpu.dma_semaphore, #tpu.memory_space<semaphore_mem>>) src(%arg13 : memref<80x128xf32, #tpu.memory_space<vmem>>) dst(%dma_wait3A_54 : memref<80x128xf32, #tpu.memory_space<hbm>>)
        tpu.yield
      }) : () -> ()
    }
    %scan3A_13 = arith.constant 125 : i32
    %barrier3A_14 = arith.constant 0 : index
    tpu.barrier barrier_id(%barrier3A_14)
    %eq3A_15 = arith.constant 0 : i32
    %eq3A_16 = arith.cmpi eq, %arg0, %eq3A_15 : i32
    %convert_element_type3A_17 = arith.extui %eq3A_16 : i1 to i32
    %cond3A_18 = arith.constant 0 : i32
    %cond3A_19 = arith.cmpi ne, %convert_element_type3A_17, %cond3A_18 : i32
    scf.if %cond3A_19 {
      %mul3A_25 = arith.constant 632 : i32
      %mul3A_26 = arith.muli %arg1, %mul3A_25 : i32
      %multiple_of3A_27 = tpu.assume_multiple %mul3A_26, 8 : i32
      %lt3A_28 = arith.constant 15 : i32
      %lt3A_29 = arith.cmpi slt, %arg1, %lt3A_28 : i32
      %convert_element_type3A_30 = arith.extui %lt3A_29 : i1 to i32
      %cond3A_31 = arith.constant 0 : i32
      %cond3A_32 = arith.cmpi ne, %convert_element_type3A_30, %cond3A_31 : i32
      scf.if %cond3A_32 {
        "tpu.region"() ({
          %run_scoped3A = tpu.sem_alloc : memref<!tpu.dma_semaphore, #tpu.memory_space<semaphore_mem>>
          %dma_start3A = arith.constant 0 : i32
          %dma_start3A_38 = tpu.memref_slice %arg9[%multiple_of3A_27, %dma_start3A] : memref<10000x128xf32, #tpu.memory_space<hbm>> -> memref<632x128xf32, #tpu.memory_space<hbm>>
          %dma_start3A_39 = arith.constant 0 : i32
          %dma_start3A_40 = tpu.memref_slice %arg16[%multiple_of3A_27, %dma_start3A_39] : memref<10000x128xf32, #tpu.memory_space<vmem_shared>> -> memref<632x128xf32, #tpu.memory_space<vmem_shared>>
          tpu.enqueue_dma source(%dma_start3A_40 : memref<632x128xf32, #tpu.memory_space<vmem_shared>>) target(%dma_start3A_38 : memref<632x128xf32, #tpu.memory_space<hbm>>) target_semaphore(%run_scoped3A : memref<!tpu.dma_semaphore, #tpu.memory_space<semaphore_mem>>)
          %dma_wait3A = arith.constant 0 : i32
          %dma_wait3A_41 = tpu.memref_slice %arg9[%multiple_of3A_27, %dma_wait3A] : memref<10000x128xf32, #tpu.memory_space<hbm>> -> memref<632x128xf32, #tpu.memory_space<hbm>>
          %dma_wait3A_42 = arith.constant 0 : i32
          %dma_wait3A_43 = tpu.memref_slice %arg16[%multiple_of3A_27, %dma_wait3A_42] : memref<10000x128xf32, #tpu.memory_space<vmem_shared>> -> memref<632x128xf32, #tpu.memory_space<vmem_shared>>
          tpu.wait_dma2 semaphore(%run_scoped3A : memref<!tpu.dma_semaphore, #tpu.memory_space<semaphore_mem>>) src(%dma_wait3A_43 : memref<632x128xf32, #tpu.memory_space<vmem_shared>>) dst(%dma_wait3A_41 : memref<632x128xf32, #tpu.memory_space<hbm>>)
          tpu.yield
        }) : () -> ()
      } else {
      }
      %eq3A_33 = arith.constant 15 : i32
      %eq3A_34 = arith.cmpi eq, %arg1, %eq3A_33 : i32
      %convert_element_type3A_35 = arith.extui %eq3A_34 : i1 to i32
      %cond3A_36 = arith.constant 0 : i32
      %cond3A_37 = arith.cmpi ne, %convert_element_type3A_35, %cond3A_36 : i32
      scf.if %cond3A_37 {
        "tpu.region"() ({
          %run_scoped3A = tpu.sem_alloc : memref<!tpu.dma_semaphore, #tpu.memory_space<semaphore_mem>>
          %dma_start3A = arith.constant 9480 : i32
          %dma_start3A_38 = arith.constant 0 : i32
          %dma_start3A_39 = tpu.memref_slice %arg9[%dma_start3A, %dma_start3A_38] : memref<10000x128xf32, #tpu.memory_space<hbm>> -> memref<520x128xf32, #tpu.memory_space<hbm>>
          %dma_start3A_40 = arith.constant 9480 : i32
          %dma_start3A_41 = arith.constant 0 : i32
          %dma_start3A_42 = tpu.memref_slice %arg16[%dma_start3A_40, %dma_start3A_41] : memref<10000x128xf32, #tpu.memory_space<vmem_shared>> -> memref<520x128xf32, #tpu.memory_space<vmem_shared>>
          tpu.enqueue_dma source(%dma_start3A_42 : memref<520x128xf32, #tpu.memory_space<vmem_shared>>) target(%dma_start3A_39 : memref<520x128xf32, #tpu.memory_space<hbm>>) target_semaphore(%run_scoped3A : memref<!tpu.dma_semaphore, #tpu.memory_space<semaphore_mem>>)
          %dma_wait3A = arith.constant 9480 : i32
          %dma_wait3A_43 = arith.constant 0 : i32
          %dma_wait3A_44 = tpu.memref_slice %arg9[%dma_wait3A, %dma_wait3A_43] : memref<10000x128xf32, #tpu.memory_space<hbm>> -> memref<520x128xf32, #tpu.memory_space<hbm>>
          %dma_wait3A_45 = arith.constant 9480 : i32
          %dma_wait3A_46 = arith.constant 0 : i32
          %dma_wait3A_47 = tpu.memref_slice %arg16[%dma_wait3A_45, %dma_wait3A_46] : memref<10000x128xf32, #tpu.memory_space<vmem_shared>> -> memref<520x128xf32, #tpu.memory_space<vmem_shared>>
          tpu.wait_dma2 semaphore(%run_scoped3A : memref<!tpu.dma_semaphore, #tpu.memory_space<semaphore_mem>>) src(%dma_wait3A_47 : memref<520x128xf32, #tpu.memory_space<vmem_shared>>) dst(%dma_wait3A_44 : memref<520x128xf32, #tpu.memory_space<hbm>>)
          tpu.yield
        }) : () -> ()
      } else {
      }
    } else {
    }
    %eq3A_20 = arith.constant 1 : i32
    %eq3A_21 = arith.cmpi eq, %arg0, %eq3A_20 : i32
    %convert_element_type3A_22 = arith.extui %eq3A_21 : i1 to i32
    %cond3A_23 = arith.constant 0 : i32
    %cond3A_24 = arith.cmpi ne, %convert_element_type3A_22, %cond3A_23 : i32
    scf.if %cond3A_24 {
      %mul3A_25 = arith.constant 632 : i32
      %mul3A_26 = arith.muli %arg1, %mul3A_25 : i32
      %multiple_of3A_27 = tpu.assume_multiple %mul3A_26, 8 : i32
      %lt3A_28 = arith.constant 15 : i32
      %lt3A_29 = arith.cmpi slt, %arg1, %lt3A_28 : i32
      %convert_element_type3A_30 = arith.extui %lt3A_29 : i1 to i32
      %cond3A_31 = arith.constant 0 : i32
      %cond3A_32 = arith.cmpi ne, %convert_element_type3A_30, %cond3A_31 : i32
      scf.if %cond3A_32 {
        "tpu.region"() ({
          %run_scoped3A = tpu.sem_alloc : memref<!tpu.dma_semaphore, #tpu.memory_space<semaphore_mem>>
          %dma_start3A = arith.constant 0 : i32
          %dma_start3A_38 = tpu.memref_slice %arg10[%multiple_of3A_27, %dma_start3A] : memref<10000x128xf32, #tpu.memory_space<hbm>> -> memref<632x128xf32, #tpu.memory_space<hbm>>
          %dma_start3A_39 = arith.constant 0 : i32
          %dma_start3A_40 = tpu.memref_slice %arg16[%multiple_of3A_27, %dma_start3A_39] : memref<10000x128xf32, #tpu.memory_space<vmem_shared>> -> memref<632x128xf32, #tpu.memory_space<vmem_shared>>
          tpu.enqueue_dma source(%dma_start3A_40 : memref<632x128xf32, #tpu.memory_space<vmem_shared>>) target(%dma_start3A_38 : memref<632x128xf32, #tpu.memory_space<hbm>>) target_semaphore(%run_scoped3A : memref<!tpu.dma_semaphore, #tpu.memory_space<semaphore_mem>>)
          %dma_wait3A = arith.constant 0 : i32
          %dma_wait3A_41 = tpu.memref_slice %arg10[%multiple_of3A_27, %dma_wait3A] : memref<10000x128xf32, #tpu.memory_space<hbm>> -> memref<632x128xf32, #tpu.memory_space<hbm>>
          %dma_wait3A_42 = arith.constant 0 : i32
          %dma_wait3A_43 = tpu.memref_slice %arg16[%multiple_of3A_27, %dma_wait3A_42] : memref<10000x128xf32, #tpu.memory_space<vmem_shared>> -> memref<632x128xf32, #tpu.memory_space<vmem_shared>>
          tpu.wait_dma2 semaphore(%run_scoped3A : memref<!tpu.dma_semaphore, #tpu.memory_space<semaphore_mem>>) src(%dma_wait3A_43 : memref<632x128xf32, #tpu.memory_space<vmem_shared>>) dst(%dma_wait3A_41 : memref<632x128xf32, #tpu.memory_space<hbm>>)
          tpu.yield
        }) : () -> ()
      } else {
      }
      %eq3A_33 = arith.constant 15 : i32
      %eq3A_34 = arith.cmpi eq, %arg1, %eq3A_33 : i32
      %convert_element_type3A_35 = arith.extui %eq3A_34 : i1 to i32
      %cond3A_36 = arith.constant 0 : i32
      %cond3A_37 = arith.cmpi ne, %convert_element_type3A_35, %cond3A_36 : i32
      scf.if %cond3A_37 {
        "tpu.region"() ({
          %run_scoped3A = tpu.sem_alloc : memref<!tpu.dma_semaphore, #tpu.memory_space<semaphore_mem>>
          %dma_start3A = arith.constant 9480 : i32
          %dma_start3A_38 = arith.constant 0 : i32
          %dma_start3A_39 = tpu.memref_slice %arg10[%dma_start3A, %dma_start3A_38] : memref<10000x128xf32, #tpu.memory_space<hbm>> -> memref<520x128xf32, #tpu.memory_space<hbm>>
          %dma_start3A_40 = arith.constant 9480 : i32
          %dma_start3A_41 = arith.constant 0 : i32
          %dma_start3A_42 = tpu.memref_slice %arg16[%dma_start3A_40, %dma_start3A_41] : memref<10000x128xf32, #tpu.memory_space<vmem_shared>> -> memref<520x128xf32, #tpu.memory_space<vmem_shared>>
          tpu.enqueue_dma source(%dma_start3A_42 : memref<520x128xf32, #tpu.memory_space<vmem_shared>>) target(%dma_start3A_39 : memref<520x128xf32, #tpu.memory_space<hbm>>) target_semaphore(%run_scoped3A : memref<!tpu.dma_semaphore, #tpu.memory_space<semaphore_mem>>)
          %dma_wait3A = arith.constant 9480 : i32
          %dma_wait3A_43 = arith.constant 0 : i32
          %dma_wait3A_44 = tpu.memref_slice %arg10[%dma_wait3A, %dma_wait3A_43] : memref<10000x128xf32, #tpu.memory_space<hbm>> -> memref<520x128xf32, #tpu.memory_space<hbm>>
          %dma_wait3A_45 = arith.constant 9480 : i32
          %dma_wait3A_46 = arith.constant 0 : i32
          %dma_wait3A_47 = tpu.memref_slice %arg16[%dma_wait3A_45, %dma_wait3A_46] : memref<10000x128xf32, #tpu.memory_space<vmem_shared>> -> memref<520x128xf32, #tpu.memory_space<vmem_shared>>
          tpu.wait_dma2 semaphore(%run_scoped3A : memref<!tpu.dma_semaphore, #tpu.memory_space<semaphore_mem>>) src(%dma_wait3A_47 : memref<520x128xf32, #tpu.memory_space<vmem_shared>>) dst(%dma_wait3A_44 : memref<520x128xf32, #tpu.memory_space<hbm>>)
          tpu.yield
        }) : () -> ()
      } else {
      }
    } else {
    }
    return
  }
}

#map = affine_map<(d0, d1) -> (0, 0)>
#map1 = affine_map<(d0, d1) -> (0)>
module attributes {stable_mosaic.version = 14 : i64} {
  func.func @_fused_iter_body(%arg0: i32, %arg1: i32, %arg2: memref<320000x128xf32, #tpu.memory_space<hbm>>, %arg3: memref<10000x128xf32, #tpu.memory_space<hbm>>, %arg4: memref<10000x128xf32, #tpu.memory_space<hbm>>, %arg5: memref<320000xi32, #tpu.memory_space<hbm>>, %arg6: memref<320000xi32, #tpu.memory_space<hbm>>, %arg7: memref<10000x128xf32, #tpu.memory_space<hbm>>, %arg8: memref<320000x128xf32, #tpu.memory_space<hbm>>, %arg9: memref<10000x128xf32, #tpu.memory_space<hbm>>, %arg10: memref<10000x128xf32, #tpu.memory_space<hbm>>, %arg11: memref<80xi32, #tpu.memory_space<vmem>>, %arg12: memref<80xi32, #tpu.memory_space<vmem>>, %arg13: memref<80x128xf32, #tpu.memory_space<vmem>>, %arg14: memref<80x128xf32, #tpu.memory_space<vmem>>, %arg15: memref<80x128xf32, #tpu.memory_space<vmem>>, %arg16: memref<10000x128xf32, #tpu.memory_space<vmem_shared>>, %arg17: memref<!tpu.dma_semaphore, #tpu.memory_space<semaphore_mem>>, %arg18: memref<!tpu.dma_semaphore, #tpu.memory_space<semaphore_mem>>) attributes {dimension_semantics = [#tpu.dimension_semantics<core_parallel>, #tpu.dimension_semantics<subcore_parallel>], iteration_bounds = array<i64: 2, 16>, scalar_prefetch = 0 : i64, scratch_operands = 8 : i64, tpu.core_type = #tpu.core_type<sc_vector_subcore>, window_params = [{transform_indices = #map}, {transform_indices = #map}, {transform_indices = #map}, {transform_indices = #map1}, {transform_indices = #map1}, {transform_indices = #map}, {transform_indices = #map}, {transform_indices = #map}, {transform_indices = #map}]} {
    %mul3A = arith.constant 16 : i32
    %mul3A_0 = arith.muli %arg0, %mul3A : i32
    %add3A = arith.addi %mul3A_0, %arg1 : i32
    %mul3A_1 = arith.constant 632 : i32
    %mul3A_2 = arith.muli %arg1, %mul3A_1 : i32
    %multiple_of3A = tpu.assume_multiple %mul3A_2, 8 : i32
    %lt3A = arith.constant 15 : i32
    %lt3A_3 = arith.cmpi slt, %arg1, %lt3A : i32
    %convert_element_type3A = arith.extui %lt3A_3 : i1 to i32
    %cond3A = arith.constant 0 : i32
    %cond3A_4 = arith.cmpi ne, %convert_element_type3A, %cond3A : i32
    scf.if %cond3A_4 {
      "tpu.region"() ({
        %run_scoped3A = tpu.sem_alloc : memref<!tpu.dma_semaphore, #tpu.memory_space<semaphore_mem>>
        %dma_start3A = arith.constant 0 : i32
        %dma_start3A_25 = tpu.memref_slice %arg16[%multiple_of3A, %dma_start3A] : memref<10000x128xf32, #tpu.memory_space<vmem_shared>> -> memref<632x128xf32, #tpu.memory_space<vmem_shared>>
        %dma_start3A_26 = arith.constant 0 : i32
        %dma_start3A_27 = tpu.memref_slice %arg7[%multiple_of3A, %dma_start3A_26] : memref<10000x128xf32, #tpu.memory_space<hbm>> -> memref<632x128xf32, #tpu.memory_space<hbm>>
        tpu.enqueue_dma source(%dma_start3A_27 : memref<632x128xf32, #tpu.memory_space<hbm>>) target(%dma_start3A_25 : memref<632x128xf32, #tpu.memory_space<vmem_shared>>) target_semaphore(%run_scoped3A : memref<!tpu.dma_semaphore, #tpu.memory_space<semaphore_mem>>)
        %dma_wait3A = arith.constant 0 : i32
        %dma_wait3A_28 = tpu.memref_slice %arg16[%multiple_of3A, %dma_wait3A] : memref<10000x128xf32, #tpu.memory_space<vmem_shared>> -> memref<632x128xf32, #tpu.memory_space<vmem_shared>>
        %dma_wait3A_29 = arith.constant 0 : i32
        %dma_wait3A_30 = tpu.memref_slice %arg7[%multiple_of3A, %dma_wait3A_29] : memref<10000x128xf32, #tpu.memory_space<hbm>> -> memref<632x128xf32, #tpu.memory_space<hbm>>
        tpu.wait_dma2 semaphore(%run_scoped3A : memref<!tpu.dma_semaphore, #tpu.memory_space<semaphore_mem>>) src(%dma_wait3A_30 : memref<632x128xf32, #tpu.memory_space<hbm>>) dst(%dma_wait3A_28 : memref<632x128xf32, #tpu.memory_space<vmem_shared>>)
        tpu.yield
      }) : () -> ()
    } else {
    }
    %eq3A = arith.constant 15 : i32
    %eq3A_5 = arith.cmpi eq, %arg1, %eq3A : i32
    %convert_element_type3A_6 = arith.extui %eq3A_5 : i1 to i32
    %cond3A_7 = arith.constant 0 : i32
    %cond3A_8 = arith.cmpi ne, %convert_element_type3A_6, %cond3A_7 : i32
    scf.if %cond3A_8 {
      "tpu.region"() ({
        %run_scoped3A = tpu.sem_alloc : memref<!tpu.dma_semaphore, #tpu.memory_space<semaphore_mem>>
        %dma_start3A = arith.constant 9480 : i32
        %dma_start3A_25 = arith.constant 0 : i32
        %dma_start3A_26 = tpu.memref_slice %arg16[%dma_start3A, %dma_start3A_25] : memref<10000x128xf32, #tpu.memory_space<vmem_shared>> -> memref<520x128xf32, #tpu.memory_space<vmem_shared>>
        %dma_start3A_27 = arith.constant 9480 : i32
        %dma_start3A_28 = arith.constant 0 : i32
        %dma_start3A_29 = tpu.memref_slice %arg7[%dma_start3A_27, %dma_start3A_28] : memref<10000x128xf32, #tpu.memory_space<hbm>> -> memref<520x128xf32, #tpu.memory_space<hbm>>
        tpu.enqueue_dma source(%dma_start3A_29 : memref<520x128xf32, #tpu.memory_space<hbm>>) target(%dma_start3A_26 : memref<520x128xf32, #tpu.memory_space<vmem_shared>>) target_semaphore(%run_scoped3A : memref<!tpu.dma_semaphore, #tpu.memory_space<semaphore_mem>>)
        %dma_wait3A = arith.constant 9480 : i32
        %dma_wait3A_30 = arith.constant 0 : i32
        %dma_wait3A_31 = tpu.memref_slice %arg16[%dma_wait3A, %dma_wait3A_30] : memref<10000x128xf32, #tpu.memory_space<vmem_shared>> -> memref<520x128xf32, #tpu.memory_space<vmem_shared>>
        %dma_wait3A_32 = arith.constant 9480 : i32
        %dma_wait3A_33 = arith.constant 0 : i32
        %dma_wait3A_34 = tpu.memref_slice %arg7[%dma_wait3A_32, %dma_wait3A_33] : memref<10000x128xf32, #tpu.memory_space<hbm>> -> memref<520x128xf32, #tpu.memory_space<hbm>>
        tpu.wait_dma2 semaphore(%run_scoped3A : memref<!tpu.dma_semaphore, #tpu.memory_space<semaphore_mem>>) src(%dma_wait3A_34 : memref<520x128xf32, #tpu.memory_space<hbm>>) dst(%dma_wait3A_31 : memref<520x128xf32, #tpu.memory_space<vmem_shared>>)
        tpu.yield
      }) : () -> ()
    } else {
    }
    %barrier3A = arith.constant 0 : index
    tpu.barrier barrier_id(%barrier3A)
    %scan3A = arith.constant 0 : i32
    %scan3A_9 = arith.constant 0 : i32
    %scan3A_10 = arith.constant 125 : i32
    %scan3A_11 = arith.addi %scan3A_9, %scan3A_10 : i32
    %scan3A_12 = arith.constant 1 : i32
    scf.for %scan3A_25 = %scan3A_9 to %scan3A_11 step %scan3A_12  : i32 {
      %mul3A_26 = arith.constant 10000 : i32
      %mul3A_27 = arith.muli %add3A, %mul3A_26 : i32
      %mul3A_28 = arith.constant 80 : i32
      %mul3A_29 = arith.muli %scan3A_25, %mul3A_28 : i32
      %add3A_30 = arith.addi %mul3A_27, %mul3A_29 : i32
      "tpu.region"() ({
        %run_scoped3A = tpu.sem_alloc : memref<!tpu.dma_semaphore, #tpu.memory_space<semaphore_mem>>
        %dma_start3A_47 = tpu.memref_slice %arg5[%add3A_30] : memref<320000xi32, #tpu.memory_space<hbm>> -> memref<80xi32, #tpu.memory_space<hbm>>
        %dma_start3A_48 = tpu.memref_slice %arg5[%add3A_30] : memref<320000xi32, #tpu.memory_space<hbm>> -> memref<80xi32, #tpu.memory_space<hbm>>
        tpu.enqueue_dma source(%dma_start3A_48 : memref<80xi32, #tpu.memory_space<hbm>>) target(%arg11 : memref<80xi32, #tpu.memory_space<vmem>>) target_semaphore(%run_scoped3A : memref<!tpu.dma_semaphore, #tpu.memory_space<semaphore_mem>>)
        %dma_wait3A_49 = tpu.memref_slice %arg5[%add3A_30] : memref<320000xi32, #tpu.memory_space<hbm>> -> memref<80xi32, #tpu.memory_space<hbm>>
        %dma_wait3A_50 = tpu.memref_slice %arg5[%add3A_30] : memref<320000xi32, #tpu.memory_space<hbm>> -> memref<80xi32, #tpu.memory_space<hbm>>
        tpu.wait_dma2 semaphore(%run_scoped3A : memref<!tpu.dma_semaphore, #tpu.memory_space<semaphore_mem>>) src(%dma_wait3A_50 : memref<80xi32, #tpu.memory_space<hbm>>) dst(%arg11 : memref<80xi32, #tpu.memory_space<vmem>>)
        tpu.yield
      }) : () -> ()
      "tpu.region"() ({
        %run_scoped3A = tpu.sem_alloc : memref<!tpu.dma_semaphore, #tpu.memory_space<semaphore_mem>>
        %dma_start3A_47 = tpu.memref_slice %arg6[%add3A_30] : memref<320000xi32, #tpu.memory_space<hbm>> -> memref<80xi32, #tpu.memory_space<hbm>>
        %dma_start3A_48 = tpu.memref_slice %arg6[%add3A_30] : memref<320000xi32, #tpu.memory_space<hbm>> -> memref<80xi32, #tpu.memory_space<hbm>>
        tpu.enqueue_dma source(%dma_start3A_48 : memref<80xi32, #tpu.memory_space<hbm>>) target(%arg12 : memref<80xi32, #tpu.memory_space<vmem>>) target_semaphore(%run_scoped3A : memref<!tpu.dma_semaphore, #tpu.memory_space<semaphore_mem>>)
        %dma_wait3A_49 = tpu.memref_slice %arg6[%add3A_30] : memref<320000xi32, #tpu.memory_space<hbm>> -> memref<80xi32, #tpu.memory_space<hbm>>
        %dma_wait3A_50 = tpu.memref_slice %arg6[%add3A_30] : memref<320000xi32, #tpu.memory_space<hbm>> -> memref<80xi32, #tpu.memory_space<hbm>>
        tpu.wait_dma2 semaphore(%run_scoped3A : memref<!tpu.dma_semaphore, #tpu.memory_space<semaphore_mem>>) src(%dma_wait3A_50 : memref<80xi32, #tpu.memory_space<hbm>>) dst(%arg12 : memref<80xi32, #tpu.memory_space<vmem>>)
        tpu.yield
      }) : () -> ()
      %dma_start3A = arith.constant 0 : i32
      %dma_start3A_31 = arith.constant 0 : i32
      %dma_start3A_32 = tpu.memref_slice %arg3[%dma_start3A, %dma_start3A_31] : memref<10000x128xf32, #tpu.memory_space<hbm>> -> memref<10000x128xf32, #tpu.memory_space<hbm>>
      tpu.enqueue_indirect_dma source(%dma_start3A_32 : memref<10000x128xf32, #tpu.memory_space<hbm>>) target(%arg13 : memref<80x128xf32, #tpu.memory_space<vmem>>) offsets(%arg11 : memref<80xi32, #tpu.memory_space<vmem>>) semaphore(%arg17 : memref<!tpu.dma_semaphore, #tpu.memory_space<semaphore_mem>>)
      %dma_start3A_33 = arith.constant 0 : i32
      %dma_start3A_34 = arith.constant 0 : i32
      %dma_start3A_35 = tpu.memref_slice %arg4[%dma_start3A_33, %dma_start3A_34] : memref<10000x128xf32, #tpu.memory_space<hbm>> -> memref<10000x128xf32, #tpu.memory_space<hbm>>
      tpu.enqueue_indirect_dma source(%dma_start3A_35 : memref<10000x128xf32, #tpu.memory_space<hbm>>) target(%arg14 : memref<80x128xf32, #tpu.memory_space<vmem>>) offsets(%arg12 : memref<80xi32, #tpu.memory_space<vmem>>) semaphore(%arg18 : memref<!tpu.dma_semaphore, #tpu.memory_space<semaphore_mem>>)
      "tpu.region"() ({
        %run_scoped3A = tpu.sem_alloc : memref<!tpu.dma_semaphore, #tpu.memory_space<semaphore_mem>>
        %dma_start3A_47 = arith.constant 0 : i32
        %dma_start3A_48 = tpu.memref_slice %arg2[%add3A_30, %dma_start3A_47] : memref<320000x128xf32, #tpu.memory_space<hbm>> -> memref<80x128xf32, #tpu.memory_space<hbm>>
        %dma_start3A_49 = arith.constant 0 : i32
        %dma_start3A_50 = tpu.memref_slice %arg2[%add3A_30, %dma_start3A_49] : memref<320000x128xf32, #tpu.memory_space<hbm>> -> memref<80x128xf32, #tpu.memory_space<hbm>>
        tpu.enqueue_dma source(%dma_start3A_50 : memref<80x128xf32, #tpu.memory_space<hbm>>) target(%arg15 : memref<80x128xf32, #tpu.memory_space<vmem>>) target_semaphore(%run_scoped3A : memref<!tpu.dma_semaphore, #tpu.memory_space<semaphore_mem>>)
        %dma_wait3A_51 = arith.constant 0 : i32
        %dma_wait3A_52 = tpu.memref_slice %arg2[%add3A_30, %dma_wait3A_51] : memref<320000x128xf32, #tpu.memory_space<hbm>> -> memref<80x128xf32, #tpu.memory_space<hbm>>
        %dma_wait3A_53 = arith.constant 0 : i32
        %dma_wait3A_54 = tpu.memref_slice %arg2[%add3A_30, %dma_wait3A_53] : memref<320000x128xf32, #tpu.memory_space<hbm>> -> memref<80x128xf32, #tpu.memory_space<hbm>>
        tpu.wait_dma2 semaphore(%run_scoped3A : memref<!tpu.dma_semaphore, #tpu.memory_space<semaphore_mem>>) src(%dma_wait3A_54 : memref<80x128xf32, #tpu.memory_space<hbm>>) dst(%arg15 : memref<80x128xf32, #tpu.memory_space<vmem>>)
        tpu.yield
      }) : () -> ()
      %dma_wait3A = arith.constant 0 : i32
      %dma_wait3A_36 = arith.constant 0 : i32
      %dma_wait3A_37 = tpu.memref_slice %arg3[%dma_wait3A, %dma_wait3A_36] : memref<10000x128xf32, #tpu.memory_space<hbm>> -> memref<10000x128xf32, #tpu.memory_space<hbm>>
      tpu.wait_indirect_dma semaphore(%arg17 : memref<!tpu.dma_semaphore, #tpu.memory_space<semaphore_mem>>) src(%dma_wait3A_37 : memref<10000x128xf32, #tpu.memory_space<hbm>>) dst(%arg13 : memref<80x128xf32, #tpu.memory_space<vmem>>)
      %dma_wait3A_38 = arith.constant 0 : i32
      %dma_wait3A_39 = arith.constant 0 : i32
      %dma_wait3A_40 = tpu.memref_slice %arg4[%dma_wait3A_38, %dma_wait3A_39] : memref<10000x128xf32, #tpu.memory_space<hbm>> -> memref<10000x128xf32, #tpu.memory_space<hbm>>
      tpu.wait_indirect_dma semaphore(%arg18 : memref<!tpu.dma_semaphore, #tpu.memory_space<semaphore_mem>>) src(%dma_wait3A_40 : memref<10000x128xf32, #tpu.memory_space<hbm>>) dst(%arg14 : memref<80x128xf32, #tpu.memory_space<vmem>>)
      %scan3A_41 = arith.constant 0 : i32
      %scan3A_42 = arith.constant 0 : i32
      %scan3A_43 = arith.constant 80 : i32
      %scan3A_44 = arith.addi %scan3A_42, %scan3A_43 : i32
      %scan3A_45 = arith.constant 1 : i32
      scf.for %scan3A_47 = %scan3A_42 to %scan3A_44 step %scan3A_45  : i32 {
        %get3A = arith.index_cast %scan3A_47 : i32 to index
        %get3A_48 = arith.constant 0 : index
        %get3A_49 = tpu.vector_load %arg13[%get3A, %get3A_48] {strides = array<i32>} : memref<80x128xf32, #tpu.memory_space<vmem>>, vector<1x16xf32>,
        %get3A_50 = vector.shape_cast %get3A_49 : vector<1x16xf32> to vector<16xf32>
        %get3A_51 = arith.index_cast %scan3A_47 : i32 to index
        %get3A_52 = arith.constant 0 : index
        %get3A_53 = tpu.vector_load %arg14[%get3A_51, %get3A_52] {strides = array<i32>} : memref<80x128xf32, #tpu.memory_space<vmem>>, vector<1x16xf32>,
        %get3A_54 = vector.shape_cast %get3A_53 : vector<1x16xf32> to vector<16xf32>
        %add3A_55 = arith.addf %get3A_50, %get3A_54 : vector<16xf32>
        %swap3A = arith.index_cast %scan3A_47 : i32 to index
        %swap3A_56 = arith.constant 0 : index
        %swap3A_57 = tpu.vector_load %arg13[%swap3A, %swap3A_56] {strides = array<i32>} : memref<80x128xf32, #tpu.memory_space<vmem>>, vector<1x16xf32>,
        %swap3A_58 = vector.shape_cast %swap3A_57 : vector<1x16xf32> to vector<16xf32>
        %swap3A_59 = vector.shape_cast %add3A_55 : vector<16xf32> to vector<1x16xf32>
        tpu.vector_store %arg13[%swap3A, %swap3A_56], %swap3A_59 {strides = array<i32>} : memref<80x128xf32, #tpu.memory_space<vmem>>, vector<1x16xf32>,
        %get3A_60 = arith.index_cast %scan3A_47 : i32 to index
        %get3A_61 = arith.constant 16 : index
        %get3A_62 = tpu.vector_load %arg13[%get3A_60, %get3A_61] {strides = array<i32>} : memref<80x128xf32, #tpu.memory_space<vmem>>, vector<1x16xf32>,
        %get3A_63 = vector.shape_cast %get3A_62 : vector<1x16xf32> to vector<16xf32>
        %get3A_64 = arith.index_cast %scan3A_47 : i32 to index
        %get3A_65 = arith.constant 16 : index
        %get3A_66 = tpu.vector_load %arg14[%get3A_64, %get3A_65] {strides = array<i32>} : memref<80x128xf32, #tpu.memory_space<vmem>>, vector<1x16xf32>,
        %get3A_67 = vector.shape_cast %get3A_66 : vector<1x16xf32> to vector<16xf32>
        %add3A_68 = arith.addf %get3A_63, %get3A_67 : vector<16xf32>
        %swap3A_69 = arith.index_cast %scan3A_47 : i32 to index
        %swap3A_70 = arith.constant 16 : index
        %swap3A_71 = tpu.vector_load %arg13[%swap3A_69, %swap3A_70] {strides = array<i32>} : memref<80x128xf32, #tpu.memory_space<vmem>>, vector<1x16xf32>,
        %swap3A_72 = vector.shape_cast %swap3A_71 : vector<1x16xf32> to vector<16xf32>
        %swap3A_73 = vector.shape_cast %add3A_68 : vector<16xf32> to vector<1x16xf32>
        tpu.vector_store %arg13[%swap3A_69, %swap3A_70], %swap3A_73 {strides = array<i32>} : memref<80x128xf32, #tpu.memory_space<vmem>>, vector<1x16xf32>,
        %get3A_74 = arith.index_cast %scan3A_47 : i32 to index
        %get3A_75 = arith.constant 32 : index
        %get3A_76 = tpu.vector_load %arg13[%get3A_74, %get3A_75] {strides = array<i32>} : memref<80x128xf32, #tpu.memory_space<vmem>>, vector<1x16xf32>,
        %get3A_77 = vector.shape_cast %get3A_76 : vector<1x16xf32> to vector<16xf32>
        %get3A_78 = arith.index_cast %scan3A_47 : i32 to index
        %get3A_79 = arith.constant 32 : index
        %get3A_80 = tpu.vector_load %arg14[%get3A_78, %get3A_79] {strides = array<i32>} : memref<80x128xf32, #tpu.memory_space<vmem>>, vector<1x16xf32>,
        %get3A_81 = vector.shape_cast %get3A_80 : vector<1x16xf32> to vector<16xf32>
        %add3A_82 = arith.addf %get3A_77, %get3A_81 : vector<16xf32>
        %swap3A_83 = arith.index_cast %scan3A_47 : i32 to index
        %swap3A_84 = arith.constant 32 : index
        %swap3A_85 = tpu.vector_load %arg13[%swap3A_83, %swap3A_84] {strides = array<i32>} : memref<80x128xf32, #tpu.memory_space<vmem>>, vector<1x16xf32>,
        %swap3A_86 = vector.shape_cast %swap3A_85 : vector<1x16xf32> to vector<16xf32>
        %swap3A_87 = vector.shape_cast %add3A_82 : vector<16xf32> to vector<1x16xf32>
        tpu.vector_store %arg13[%swap3A_83, %swap3A_84], %swap3A_87 {strides = array<i32>} : memref<80x128xf32, #tpu.memory_space<vmem>>, vector<1x16xf32>,
        %get3A_88 = arith.index_cast %scan3A_47 : i32 to index
        %get3A_89 = arith.constant 48 : index
        %get3A_90 = tpu.vector_load %arg13[%get3A_88, %get3A_89] {strides = array<i32>} : memref<80x128xf32, #tpu.memory_space<vmem>>, vector<1x16xf32>,
        %get3A_91 = vector.shape_cast %get3A_90 : vector<1x16xf32> to vector<16xf32>
        %get3A_92 = arith.index_cast %scan3A_47 : i32 to index
        %get3A_93 = arith.constant 48 : index
        %get3A_94 = tpu.vector_load %arg14[%get3A_92, %get3A_93] {strides = array<i32>} : memref<80x128xf32, #tpu.memory_space<vmem>>, vector<1x16xf32>,
        %get3A_95 = vector.shape_cast %get3A_94 : vector<1x16xf32> to vector<16xf32>
        %add3A_96 = arith.addf %get3A_91, %get3A_95 : vector<16xf32>
        %swap3A_97 = arith.index_cast %scan3A_47 : i32 to index
        %swap3A_98 = arith.constant 48 : index
        %swap3A_99 = tpu.vector_load %arg13[%swap3A_97, %swap3A_98] {strides = array<i32>} : memref<80x128xf32, #tpu.memory_space<vmem>>, vector<1x16xf32>,
        %swap3A_100 = vector.shape_cast %swap3A_99 : vector<1x16xf32> to vector<16xf32>
        %swap3A_101 = vector.shape_cast %add3A_96 : vector<16xf32> to vector<1x16xf32>
        tpu.vector_store %arg13[%swap3A_97, %swap3A_98], %swap3A_101 {strides = array<i32>} : memref<80x128xf32, #tpu.memory_space<vmem>>, vector<1x16xf32>,
        %get3A_102 = arith.index_cast %scan3A_47 : i32 to index
        %get3A_103 = arith.constant 64 : index
        %get3A_104 = tpu.vector_load %arg13[%get3A_102, %get3A_103] {strides = array<i32>} : memref<80x128xf32, #tpu.memory_space<vmem>>, vector<1x16xf32>,
        %get3A_105 = vector.shape_cast %get3A_104 : vector<1x16xf32> to vector<16xf32>
        %get3A_106 = arith.index_cast %scan3A_47 : i32 to index
        %get3A_107 = arith.constant 64 : index
        %get3A_108 = tpu.vector_load %arg14[%get3A_106, %get3A_107] {strides = array<i32>} : memref<80x128xf32, #tpu.memory_space<vmem>>, vector<1x16xf32>,
        %get3A_109 = vector.shape_cast %get3A_108 : vector<1x16xf32> to vector<16xf32>
        %add3A_110 = arith.addf %get3A_105, %get3A_109 : vector<16xf32>
        %swap3A_111 = arith.index_cast %scan3A_47 : i32 to index
        %swap3A_112 = arith.constant 64 : index
        %swap3A_113 = tpu.vector_load %arg13[%swap3A_111, %swap3A_112] {strides = array<i32>} : memref<80x128xf32, #tpu.memory_space<vmem>>, vector<1x16xf32>,
        %swap3A_114 = vector.shape_cast %swap3A_113 : vector<1x16xf32> to vector<16xf32>
        %swap3A_115 = vector.shape_cast %add3A_110 : vector<16xf32> to vector<1x16xf32>
        tpu.vector_store %arg13[%swap3A_111, %swap3A_112], %swap3A_115 {strides = array<i32>} : memref<80x128xf32, #tpu.memory_space<vmem>>, vector<1x16xf32>,
        %get3A_116 = arith.index_cast %scan3A_47 : i32 to index
        %get3A_117 = arith.constant 80 : index
        %get3A_118 = tpu.vector_load %arg13[%get3A_116, %get3A_117] {strides = array<i32>} : memref<80x128xf32, #tpu.memory_space<vmem>>, vector<1x16xf32>,
        %get3A_119 = vector.shape_cast %get3A_118 : vector<1x16xf32> to vector<16xf32>
        %get3A_120 = arith.index_cast %scan3A_47 : i32 to index
        %get3A_121 = arith.constant 80 : index
        %get3A_122 = tpu.vector_load %arg14[%get3A_120, %get3A_121] {strides = array<i32>} : memref<80x128xf32, #tpu.memory_space<vmem>>, vector<1x16xf32>,
        %get3A_123 = vector.shape_cast %get3A_122 : vector<1x16xf32> to vector<16xf32>
        %add3A_124 = arith.addf %get3A_119, %get3A_123 : vector<16xf32>
        %swap3A_125 = arith.index_cast %scan3A_47 : i32 to index
        %swap3A_126 = arith.constant 80 : index
        %swap3A_127 = tpu.vector_load %arg13[%swap3A_125, %swap3A_126] {strides = array<i32>} : memref<80x128xf32, #tpu.memory_space<vmem>>, vector<1x16xf32>,
        %swap3A_128 = vector.shape_cast %swap3A_127 : vector<1x16xf32> to vector<16xf32>
        %swap3A_129 = vector.shape_cast %add3A_124 : vector<16xf32> to vector<1x16xf32>
        tpu.vector_store %arg13[%swap3A_125, %swap3A_126], %swap3A_129 {strides = array<i32>} : memref<80x128xf32, #tpu.memory_space<vmem>>, vector<1x16xf32>,
        %get3A_130 = arith.index_cast %scan3A_47 : i32 to index
        %get3A_131 = arith.constant 96 : index
        %get3A_132 = tpu.vector_load %arg13[%get3A_130, %get3A_131] {strides = array<i32>} : memref<80x128xf32, #tpu.memory_space<vmem>>, vector<1x16xf32>,
        %get3A_133 = vector.shape_cast %get3A_132 : vector<1x16xf32> to vector<16xf32>
        %get3A_134 = arith.index_cast %scan3A_47 : i32 to index
        %get3A_135 = arith.constant 96 : index
        %get3A_136 = tpu.vector_load %arg14[%get3A_134, %get3A_135] {strides = array<i32>} : memref<80x128xf32, #tpu.memory_space<vmem>>, vector<1x16xf32>,
        %get3A_137 = vector.shape_cast %get3A_136 : vector<1x16xf32> to vector<16xf32>
        %add3A_138 = arith.addf %get3A_133, %get3A_137 : vector<16xf32>
        %swap3A_139 = arith.index_cast %scan3A_47 : i32 to index
        %swap3A_140 = arith.constant 96 : index
        %swap3A_141 = tpu.vector_load %arg13[%swap3A_139, %swap3A_140] {strides = array<i32>} : memref<80x128xf32, #tpu.memory_space<vmem>>, vector<1x16xf32>,
        %swap3A_142 = vector.shape_cast %swap3A_141 : vector<1x16xf32> to vector<16xf32>
        %swap3A_143 = vector.shape_cast %add3A_138 : vector<16xf32> to vector<1x16xf32>
        tpu.vector_store %arg13[%swap3A_139, %swap3A_140], %swap3A_143 {strides = array<i32>} : memref<80x128xf32, #tpu.memory_space<vmem>>, vector<1x16xf32>,
        %get3A_144 = arith.index_cast %scan3A_47 : i32 to index
        %get3A_145 = arith.constant 112 : index
        %get3A_146 = tpu.vector_load %arg13[%get3A_144, %get3A_145] {strides = array<i32>} : memref<80x128xf32, #tpu.memory_space<vmem>>, vector<1x16xf32>,
        %get3A_147 = vector.shape_cast %get3A_146 : vector<1x16xf32> to vector<16xf32>
        %get3A_148 = arith.index_cast %scan3A_47 : i32 to index
        %get3A_149 = arith.constant 112 : index
        %get3A_150 = tpu.vector_load %arg14[%get3A_148, %get3A_149] {strides = array<i32>} : memref<80x128xf32, #tpu.memory_space<vmem>>, vector<1x16xf32>,
        %get3A_151 = vector.shape_cast %get3A_150 : vector<1x16xf32> to vector<16xf32>
        %add3A_152 = arith.addf %get3A_147, %get3A_151 : vector<16xf32>
        %swap3A_153 = arith.index_cast %scan3A_47 : i32 to index
        %swap3A_154 = arith.constant 112 : index
        %swap3A_155 = tpu.vector_load %arg13[%swap3A_153, %swap3A_154] {strides = array<i32>} : memref<80x128xf32, #tpu.memory_space<vmem>>, vector<1x16xf32>,
        %swap3A_156 = vector.shape_cast %swap3A_155 : vector<1x16xf32> to vector<16xf32>
        %swap3A_157 = vector.shape_cast %add3A_152 : vector<16xf32> to vector<1x16xf32>
        tpu.vector_store %arg13[%swap3A_153, %swap3A_154], %swap3A_157 {strides = array<i32>} : memref<80x128xf32, #tpu.memory_space<vmem>>, vector<1x16xf32>,
      }
      %scan3A_46 = arith.constant 80 : i32
      "tpu.region"() ({
        %run_scoped3A = tpu.sem_alloc : memref<!tpu.dma_semaphore, #tpu.memory_space<semaphore_mem>>
        %dma_start3A_47 = arith.constant 0 : i32
        %dma_start3A_48 = arith.constant 0 : i32
        %dma_start3A_49 = tpu.memref_slice %arg16[%dma_start3A_47, %dma_start3A_48] : memref<10000x128xf32, #tpu.memory_space<vmem_shared>> -> memref<10000x128xf32, #tpu.memory_space<vmem_shared>>
        tpu.enqueue_indirect_dma source(%arg15 : memref<80x128xf32, #tpu.memory_space<vmem>>) target(%dma_start3A_49 : memref<10000x128xf32, #tpu.memory_space<vmem_shared>>) offsets(%arg12 : memref<80xi32, #tpu.memory_space<vmem>>) semaphore(%run_scoped3A : memref<!tpu.dma_semaphore, #tpu.memory_space<semaphore_mem>>) {add = true}
        %dma_wait3A_50 = arith.constant 0 : i32
        %dma_wait3A_51 = arith.constant 0 : i32
        %dma_wait3A_52 = tpu.memref_slice %arg16[%dma_wait3A_50, %dma_wait3A_51] : memref<10000x128xf32, #tpu.memory_space<vmem_shared>> -> memref<10000x128xf32, #tpu.memory_space<vmem_shared>>
        tpu.wait_indirect_dma semaphore(%run_scoped3A : memref<!tpu.dma_semaphore, #tpu.memory_space<semaphore_mem>>) src(%arg15 : memref<80x128xf32, #tpu.memory_space<vmem>>) dst(%dma_wait3A_52 : memref<10000x128xf32, #tpu.memory_space<vmem_shared>>)
        tpu.yield
      }) : () -> ()
      "tpu.region"() ({
        %run_scoped3A = tpu.sem_alloc : memref<!tpu.dma_semaphore, #tpu.memory_space<semaphore_mem>>
        %dma_start3A_47 = arith.constant 0 : i32
        %dma_start3A_48 = tpu.memref_slice %arg8[%add3A_30, %dma_start3A_47] : memref<320000x128xf32, #tpu.memory_space<hbm>> -> memref<80x128xf32, #tpu.memory_space<hbm>>
        %dma_start3A_49 = arith.constant 0 : i32
        %dma_start3A_50 = tpu.memref_slice %arg8[%add3A_30, %dma_start3A_49] : memref<320000x128xf32, #tpu.memory_space<hbm>> -> memref<80x128xf32, #tpu.memory_space<hbm>>
        tpu.enqueue_dma source(%arg13 : memref<80x128xf32, #tpu.memory_space<vmem>>) target(%dma_start3A_50 : memref<80x128xf32, #tpu.memory_space<hbm>>) target_semaphore(%run_scoped3A : memref<!tpu.dma_semaphore, #tpu.memory_space<semaphore_mem>>)
        %dma_wait3A_51 = arith.constant 0 : i32
        %dma_wait3A_52 = tpu.memref_slice %arg8[%add3A_30, %dma_wait3A_51] : memref<320000x128xf32, #tpu.memory_space<hbm>> -> memref<80x128xf32, #tpu.memory_space<hbm>>
        %dma_wait3A_53 = arith.constant 0 : i32
        %dma_wait3A_54 = tpu.memref_slice %arg8[%add3A_30, %dma_wait3A_53] : memref<320000x128xf32, #tpu.memory_space<hbm>> -> memref<80x128xf32, #tpu.memory_space<hbm>>
        tpu.wait_dma2 semaphore(%run_scoped3A : memref<!tpu.dma_semaphore, #tpu.memory_space<semaphore_mem>>) src(%arg13 : memref<80x128xf32, #tpu.memory_space<vmem>>) dst(%dma_wait3A_54 : memref<80x128xf32, #tpu.memory_space<hbm>>)
        tpu.yield
      }) : () -> ()
    }
    %scan3A_13 = arith.constant 125 : i32
    %barrier3A_14 = arith.constant 0 : index
    tpu.barrier barrier_id(%barrier3A_14)
    %eq3A_15 = arith.constant 0 : i32
    %eq3A_16 = arith.cmpi eq, %arg0, %eq3A_15 : i32
    %convert_element_type3A_17 = arith.extui %eq3A_16 : i1 to i32
    %cond3A_18 = arith.constant 0 : i32
    %cond3A_19 = arith.cmpi ne, %convert_element_type3A_17, %cond3A_18 : i32
    scf.if %cond3A_19 {
      %mul3A_25 = arith.constant 632 : i32
      %mul3A_26 = arith.muli %arg1, %mul3A_25 : i32
      %multiple_of3A_27 = tpu.assume_multiple %mul3A_26, 8 : i32
      %lt3A_28 = arith.constant 15 : i32
      %lt3A_29 = arith.cmpi slt, %arg1, %lt3A_28 : i32
      %convert_element_type3A_30 = arith.extui %lt3A_29 : i1 to i32
      %cond3A_31 = arith.constant 0 : i32
      %cond3A_32 = arith.cmpi ne, %convert_element_type3A_30, %cond3A_31 : i32
      scf.if %cond3A_32 {
        "tpu.region"() ({
          %run_scoped3A = tpu.sem_alloc : memref<!tpu.dma_semaphore, #tpu.memory_space<semaphore_mem>>
          %dma_start3A = arith.constant 0 : i32
          %dma_start3A_38 = tpu.memref_slice %arg9[%multiple_of3A_27, %dma_start3A] : memref<10000x128xf32, #tpu.memory_space<hbm>> -> memref<632x128xf32, #tpu.memory_space<hbm>>
          %dma_start3A_39 = arith.constant 0 : i32
          %dma_start3A_40 = tpu.memref_slice %arg16[%multiple_of3A_27, %dma_start3A_39] : memref<10000x128xf32, #tpu.memory_space<vmem_shared>> -> memref<632x128xf32, #tpu.memory_space<vmem_shared>>
          tpu.enqueue_dma source(%dma_start3A_40 : memref<632x128xf32, #tpu.memory_space<vmem_shared>>) target(%dma_start3A_38 : memref<632x128xf32, #tpu.memory_space<hbm>>) target_semaphore(%run_scoped3A : memref<!tpu.dma_semaphore, #tpu.memory_space<semaphore_mem>>)
          %dma_wait3A = arith.constant 0 : i32
          %dma_wait3A_41 = tpu.memref_slice %arg9[%multiple_of3A_27, %dma_wait3A] : memref<10000x128xf32, #tpu.memory_space<hbm>> -> memref<632x128xf32, #tpu.memory_space<hbm>>
          %dma_wait3A_42 = arith.constant 0 : i32
          %dma_wait3A_43 = tpu.memref_slice %arg16[%multiple_of3A_27, %dma_wait3A_42] : memref<10000x128xf32, #tpu.memory_space<vmem_shared>> -> memref<632x128xf32, #tpu.memory_space<vmem_shared>>
          tpu.wait_dma2 semaphore(%run_scoped3A : memref<!tpu.dma_semaphore, #tpu.memory_space<semaphore_mem>>) src(%dma_wait3A_43 : memref<632x128xf32, #tpu.memory_space<vmem_shared>>) dst(%dma_wait3A_41 : memref<632x128xf32, #tpu.memory_space<hbm>>)
          tpu.yield
        }) : () -> ()
      } else {
      }
      %eq3A_33 = arith.constant 15 : i32
      %eq3A_34 = arith.cmpi eq, %arg1, %eq3A_33 : i32
      %convert_element_type3A_35 = arith.extui %eq3A_34 : i1 to i32
      %cond3A_36 = arith.constant 0 : i32
      %cond3A_37 = arith.cmpi ne, %convert_element_type3A_35, %cond3A_36 : i32
      scf.if %cond3A_37 {
        "tpu.region"() ({
          %run_scoped3A = tpu.sem_alloc : memref<!tpu.dma_semaphore, #tpu.memory_space<semaphore_mem>>
          %dma_start3A = arith.constant 9480 : i32
          %dma_start3A_38 = arith.constant 0 : i32
          %dma_start3A_39 = tpu.memref_slice %arg9[%dma_start3A, %dma_start3A_38] : memref<10000x128xf32, #tpu.memory_space<hbm>> -> memref<520x128xf32, #tpu.memory_space<hbm>>
          %dma_start3A_40 = arith.constant 9480 : i32
          %dma_start3A_41 = arith.constant 0 : i32
          %dma_start3A_42 = tpu.memref_slice %arg16[%dma_start3A_40, %dma_start3A_41] : memref<10000x128xf32, #tpu.memory_space<vmem_shared>> -> memref<520x128xf32, #tpu.memory_space<vmem_shared>>
          tpu.enqueue_dma source(%dma_start3A_42 : memref<520x128xf32, #tpu.memory_space<vmem_shared>>) target(%dma_start3A_39 : memref<520x128xf32, #tpu.memory_space<hbm>>) target_semaphore(%run_scoped3A : memref<!tpu.dma_semaphore, #tpu.memory_space<semaphore_mem>>)
          %dma_wait3A = arith.constant 9480 : i32
          %dma_wait3A_43 = arith.constant 0 : i32
          %dma_wait3A_44 = tpu.memref_slice %arg9[%dma_wait3A, %dma_wait3A_43] : memref<10000x128xf32, #tpu.memory_space<hbm>> -> memref<520x128xf32, #tpu.memory_space<hbm>>
          %dma_wait3A_45 = arith.constant 9480 : i32
          %dma_wait3A_46 = arith.constant 0 : i32
          %dma_wait3A_47 = tpu.memref_slice %arg16[%dma_wait3A_45, %dma_wait3A_46] : memref<10000x128xf32, #tpu.memory_space<vmem_shared>> -> memref<520x128xf32, #tpu.memory_space<vmem_shared>>
          tpu.wait_dma2 semaphore(%run_scoped3A : memref<!tpu.dma_semaphore, #tpu.memory_space<semaphore_mem>>) src(%dma_wait3A_47 : memref<520x128xf32, #tpu.memory_space<vmem_shared>>) dst(%dma_wait3A_44 : memref<520x128xf32, #tpu.memory_space<hbm>>)
          tpu.yield
        }) : () -> ()
      } else {
      }
    } else {
    }
    %eq3A_20 = arith.constant 1 : i32
    %eq3A_21 = arith.cmpi eq, %arg0, %eq3A_20 : i32
    %convert_element_type3A_22 = arith.extui %eq3A_21 : i1 to i32
    %cond3A_23 = arith.constant 0 : i32
    %cond3A_24 = arith.cmpi ne, %convert_element_type3A_22, %cond3A_23 : i32
    scf.if %cond3A_24 {
      %mul3A_25 = arith.constant 632 : i32
      %mul3A_26 = arith.muli %arg1, %mul3A_25 : i32
      %multiple_of3A_27 = tpu.assume_multiple %mul3A_26, 8 : i32
      %lt3A_28 = arith.constant 15 : i32
      %lt3A_29 = arith.cmpi slt, %arg1, %lt3A_28 : i32
      %convert_element_type3A_30 = arith.extui %lt3A_29 : i1 to i32
      %cond3A_31 = arith.constant 0 : i32
      %cond3A_32 = arith.cmpi ne, %convert_element_type3A_30, %cond3A_31 : i32
      scf.if %cond3A_32 {
        "tpu.region"() ({
          %run_scoped3A = tpu.sem_alloc : memref<!tpu.dma_semaphore, #tpu.memory_space<semaphore_mem>>
          %dma_start3A = arith.constant 0 : i32
          %dma_start3A_38 = tpu.memref_slice %arg10[%multiple_of3A_27, %dma_start3A] : memref<10000x128xf32, #tpu.memory_space<hbm>> -> memref<632x128xf32, #tpu.memory_space<hbm>>
          %dma_start3A_39 = arith.constant 0 : i32
          %dma_start3A_40 = tpu.memref_slice %arg16[%multiple_of3A_27, %dma_start3A_39] : memref<10000x128xf32, #tpu.memory_space<vmem_shared>> -> memref<632x128xf32, #tpu.memory_space<vmem_shared>>
          tpu.enqueue_dma source(%dma_start3A_40 : memref<632x128xf32, #tpu.memory_space<vmem_shared>>) target(%dma_start3A_38 : memref<632x128xf32, #tpu.memory_space<hbm>>) target_semaphore(%run_scoped3A : memref<!tpu.dma_semaphore, #tpu.memory_space<semaphore_mem>>)
          %dma_wait3A = arith.constant 0 : i32
          %dma_wait3A_41 = tpu.memref_slice %arg10[%multiple_of3A_27, %dma_wait3A] : memref<10000x128xf32, #tpu.memory_space<hbm>> -> memref<632x128xf32, #tpu.memory_space<hbm>>
          %dma_wait3A_42 = arith.constant 0 : i32
          %dma_wait3A_43 = tpu.memref_slice %arg16[%multiple_of3A_27, %dma_wait3A_42] : memref<10000x128xf32, #tpu.memory_space<vmem_shared>> -> memref<632x128xf32, #tpu.memory_space<vmem_shared>>
          tpu.wait_dma2 semaphore(%run_scoped3A : memref<!tpu.dma_semaphore, #tpu.memory_space<semaphore_mem>>) src(%dma_wait3A_43 : memref<632x128xf32, #tpu.memory_space<vmem_shared>>) dst(%dma_wait3A_41 : memref<632x128xf32, #tpu.memory_space<hbm>>)
          tpu.yield
        }) : () -> ()
      } else {
      }
      %eq3A_33 = arith.constant 15 : i32
      %eq3A_34 = arith.cmpi eq, %arg1, %eq3A_33 : i32
      %convert_element_type3A_35 = arith.extui %eq3A_34 : i1 to i32
      %cond3A_36 = arith.constant 0 : i32
      %cond3A_37 = arith.cmpi ne, %convert_element_type3A_35, %cond3A_36 : i32
      scf.if %cond3A_37 {
        "tpu.region"() ({
          %run_scoped3A = tpu.sem_alloc : memref<!tpu.dma_semaphore, #tpu.memory_space<semaphore_mem>>
          %dma_start3A = arith.constant 9480 : i32
          %dma_start3A_38 = arith.constant 0 : i32
          %dma_start3A_39 = tpu.memref_slice %arg10[%dma_start3A, %dma_start3A_38] : memref<10000x128xf32, #tpu.memory_space<hbm>> -> memref<520x128xf32, #tpu.memory_space<hbm>>
          %dma_start3A_40 = arith.constant 9480 : i32
          %dma_start3A_41 = arith.constant 0 : i32
          %dma_start3A_42 = tpu.memref_slice %arg16[%dma_start3A_40, %dma_start3A_41] : memref<10000x128xf32, #tpu.memory_space<vmem_shared>> -> memref<520x128xf32, #tpu.memory_space<vmem_shared>>
          tpu.enqueue_dma source(%dma_start3A_42 : memref<520x128xf32, #tpu.memory_space<vmem_shared>>) target(%dma_start3A_39 : memref<520x128xf32, #tpu.memory_space<hbm>>) target_semaphore(%run_scoped3A : memref<!tpu.dma_semaphore, #tpu.memory_space<semaphore_mem>>)
          %dma_wait3A = arith.constant 9480 : i32
          %dma_wait3A_43 = arith.constant 0 : i32
          %dma_wait3A_44 = tpu.memref_slice %arg10[%dma_wait3A, %dma_wait3A_43] : memref<10000x128xf32, #tpu.memory_space<hbm>> -> memref<520x128xf32, #tpu.memory_space<hbm>>
          %dma_wait3A_45 = arith.constant 9480 : i32
          %dma_wait3A_46 = arith.constant 0 : i32
          %dma_wait3A_47 = tpu.memref_slice %arg16[%dma_wait3A_45, %dma_wait3A_46] : memref<10000x128xf32, #tpu.memory_space<vmem_shared>> -> memref<520x128xf32, #tpu.memory_space<vmem_shared>>
          tpu.wait_dma2 semaphore(%run_scoped3A : memref<!tpu.dma_semaphore, #tpu.memory_space<semaphore_mem>>) src(%dma_wait3A_47 : memref<520x128xf32, #tpu.memory_space<vmem_shared>>) dst(%dma_wait3A_44 : memref<520x128xf32, #tpu.memory_space<hbm>>)
          tpu.yield
        }) : () -> ()
      } else {
      }
    } else {
    }
    return
  }
}

module attributes {stable_mosaic.version = 14 : i64} {
  func.func @_encode_body(%arg0: i32, %arg1: memref<2000x128xf32, #tpu.memory_space<vmem>>, %arg2: memref<128x128xf32, #tpu.memory_space<vmem>>, %arg3: memref<1x128xf32, #tpu.memory_space<vmem>>, %arg4: memref<128x128xf32, #tpu.memory_space<vmem>>, %arg5: memref<128x128xf32, #tpu.memory_space<vmem>>, %arg6: memref<1x128xf32, #tpu.memory_space<vmem>>, %arg7: memref<128x128xf32, #tpu.memory_space<vmem>>, %arg8: memref<128x128xf32, #tpu.memory_space<vmem>>, %arg9: memref<1x128xf32, #tpu.memory_space<vmem>>, %arg10: memref<2000x128xf32, #tpu.memory_space<vmem>>, %arg11: memref<2000x128xf32, #tpu.memory_space<vmem>>, %arg12: memref<2000x128xf32, #tpu.memory_space<vmem>>, %arg13: memref<2000x128xf32, #tpu.memory_space<vmem>>, %arg14: memref<2000x128xf32, #tpu.memory_space<vmem>>) attributes {dimension_semantics = [#tpu.dimension_semantics<arbitrary>], iteration_bounds = array<i64: 5>, scalar_prefetch = 0 : i64, scratch_operands = 0 : i64, tpu.core_type = #tpu.core_type<tc>, window_params = [{transform_indices = @transform_0, window_bounds = array<i64: 2000, 128>}, {pipeline_mode = #tpu.pipeline_mode<synchronous>, transform_indices = @transform_1, window_bounds = array<i64: 128, 128>}, {pipeline_mode = #tpu.pipeline_mode<synchronous>, transform_indices = @transform_2, window_bounds = array<i64: 1, 128>}, {pipeline_mode = #tpu.pipeline_mode<synchronous>, transform_indices = @transform_3, window_bounds = array<i64: 128, 128>}, {pipeline_mode = #tpu.pipeline_mode<synchronous>, transform_indices = @transform_4, window_bounds = array<i64: 128, 128>}, {pipeline_mode = #tpu.pipeline_mode<synchronous>, transform_indices = @transform_5, window_bounds = array<i64: 1, 128>}, {pipeline_mode = #tpu.pipeline_mode<synchronous>, transform_indices = @transform_6, window_bounds = array<i64: 128, 128>}, {pipeline_mode = #tpu.pipeline_mode<synchronous>, transform_indices = @transform_7, window_bounds = array<i64: 128, 128>}, {pipeline_mode = #tpu.pipeline_mode<synchronous>, transform_indices = @transform_8, window_bounds = array<i64: 1, 128>}, {transform_indices = @transform_9, window_bounds = array<i64: 2000, 128>}, {transform_indices = @transform_10, window_bounds = array<i64: 2000, 128>}, {transform_indices = @transform_11, window_bounds = array<i64: 2000, 128>}, {transform_indices = @transform_12, window_bounds = array<i64: 2000, 128>}, {transform_indices = @transform_13, window_bounds = array<i64: 2000, 128>}]} {
    %get3A = arith.constant 0 : index
    %get3A_0 = arith.constant 0 : index
    %get3A_1 = vector.load %arg1[%get3A, %get3A_0] : memref<2000x128xf32, #tpu.memory_space<vmem>>, vector<2000x128xf32>
    %get3A_2 = arith.constant 0 : index
    %get3A_3 = arith.constant 0 : index
    %get3A_4 = vector.load %arg2[%get3A_2, %get3A_3] : memref<128x128xf32, #tpu.memory_space<vmem>>, vector<128x128xf32>
    %dot_general3A = arith.constant dense<0.000000e+00> : vector<2000x128xf32>
    %dot_general3A_5 = tpu.matmul %get3A_1, %get3A_4, %dot_general3A {dimension_numbers = #tpu.dot_dimension_numbers<[1], [0], [0], [1], [0, 0, 1, 1], [], []>, transpose_lhs_hint = false} : vector<2000x128xf32>, vector<128x128xf32>, vector<2000x128xf32> -> vector<2000x128xf32>
    %get3A_6 = arith.constant 0 : index
    %get3A_7 = arith.constant 0 : index
    %get3A_8 = vector.load %arg3[%get3A_6, %get3A_7] : memref<1x128xf32, #tpu.memory_space<vmem>>, vector<1x128xf32>
    %add3A = vector.broadcast %get3A_8 : vector<1x128xf32> to vector<2000x128xf32>
    %add3A_9 = arith.addf %dot_general3A_5, %add3A : vector<2000x128xf32>
    %swap3A = arith.constant 0 : index
    %swap3A_10 = arith.constant 0 : index
    %swap3A_11 = vector.load %arg10[%swap3A, %swap3A_10] : memref<2000x128xf32, #tpu.memory_space<vmem>>, vector<2000x128xf32>
    tpu.vector_store %arg10[%swap3A, %swap3A_10], %add3A_9 {strides = array<i32>} : memref<2000x128xf32, #tpu.memory_space<vmem>>, vector<2000x128xf32>,
    %get3A_12 = arith.constant 0 : index
    %get3A_13 = arith.constant 0 : index
    %get3A_14 = vector.load %arg4[%get3A_12, %get3A_13] : memref<128x128xf32, #tpu.memory_space<vmem>>, vector<128x128xf32>
    %dot_general3A_15 = arith.constant dense<0.000000e+00> : vector<2000x128xf32>
    %dot_general3A_16 = tpu.matmul %add3A_9, %get3A_14, %dot_general3A_15 {dimension_numbers = #tpu.dot_dimension_numbers<[1], [0], [0], [1], [0, 0, 1, 1], [], []>, transpose_lhs_hint = false} : vector<2000x128xf32>, vector<128x128xf32>, vector<2000x128xf32> -> vector<2000x128xf32>
    %get3A_17 = arith.constant 0 : index
    %get3A_18 = arith.constant 0 : index
    %get3A_19 = vector.load %arg6[%get3A_17, %get3A_18] : memref<1x128xf32, #tpu.memory_space<vmem>>, vector<1x128xf32>
    %add3A_20 = vector.broadcast %get3A_19 : vector<1x128xf32> to vector<2000x128xf32>
    %add3A_21 = arith.addf %dot_general3A_16, %add3A_20 : vector<2000x128xf32>
    %swap3A_22 = arith.constant 0 : index
    %swap3A_23 = arith.constant 0 : index
    %swap3A_24 = vector.load %arg11[%swap3A_22, %swap3A_23] : memref<2000x128xf32, #tpu.memory_space<vmem>>, vector<2000x128xf32>
    tpu.vector_store %arg11[%swap3A_22, %swap3A_23], %add3A_21 {strides = array<i32>} : memref<2000x128xf32, #tpu.memory_space<vmem>>, vector<2000x128xf32>,
    %get3A_25 = arith.constant 0 : index
    %get3A_26 = arith.constant 0 : index
    %get3A_27 = vector.load %arg5[%get3A_25, %get3A_26] : memref<128x128xf32, #tpu.memory_space<vmem>>, vector<128x128xf32>
    %dot_general3A_28 = arith.constant dense<0.000000e+00> : vector<2000x128xf32>
    %dot_general3A_29 = tpu.matmul %add3A_9, %get3A_27, %dot_general3A_28 {dimension_numbers = #tpu.dot_dimension_numbers<[1], [0], [0], [1], [0, 0, 1, 1], [], []>, transpose_lhs_hint = false} : vector<2000x128xf32>, vector<128x128xf32>, vector<2000x128xf32> -> vector<2000x128xf32>
    %swap3A_30 = arith.constant 0 : index
    %swap3A_31 = arith.constant 0 : index
    %swap3A_32 = vector.load %arg12[%swap3A_30, %swap3A_31] : memref<2000x128xf32, #tpu.memory_space<vmem>>, vector<2000x128xf32>
    tpu.vector_store %arg12[%swap3A_30, %swap3A_31], %dot_general3A_29 {strides = array<i32>} : memref<2000x128xf32, #tpu.memory_space<vmem>>, vector<2000x128xf32>,
    %get3A_33 = arith.constant 0 : index
    %get3A_34 = arith.constant 0 : index
    %get3A_35 = vector.load %arg7[%get3A_33, %get3A_34] : memref<128x128xf32, #tpu.memory_space<vmem>>, vector<128x128xf32>
    %dot_general3A_36 = arith.constant dense<0.000000e+00> : vector<2000x128xf32>
    %dot_general3A_37 = tpu.matmul %add3A_9, %get3A_35, %dot_general3A_36 {dimension_numbers = #tpu.dot_dimension_numbers<[1], [0], [0], [1], [0, 0, 1, 1], [], []>, transpose_lhs_hint = false} : vector<2000x128xf32>, vector<128x128xf32>, vector<2000x128xf32> -> vector<2000x128xf32>
    %get3A_38 = arith.constant 0 : index
    %get3A_39 = arith.constant 0 : index
    %get3A_40 = vector.load %arg9[%get3A_38, %get3A_39] : memref<1x128xf32, #tpu.memory_space<vmem>>, vector<1x128xf32>
    %add3A_41 = vector.broadcast %get3A_40 : vector<1x128xf32> to vector<2000x128xf32>
    %add3A_42 = arith.addf %dot_general3A_37, %add3A_41 : vector<2000x128xf32>
    %swap3A_43 = arith.constant 0 : index
    %swap3A_44 = arith.constant 0 : index
    %swap3A_45 = vector.load %arg13[%swap3A_43, %swap3A_44] : memref<2000x128xf32, #tpu.memory_space<vmem>>, vector<2000x128xf32>
    tpu.vector_store %arg13[%swap3A_43, %swap3A_44], %add3A_42 {strides = array<i32>} : memref<2000x128xf32, #tpu.memory_space<vmem>>, vector<2000x128xf32>,
    %get3A_46 = arith.constant 0 : index
    %get3A_47 = arith.constant 0 : index
    %get3A_48 = vector.load %arg8[%get3A_46, %get3A_47] : memref<128x128xf32, #tpu.memory_space<vmem>>, vector<128x128xf32>
    %dot_general3A_49 = arith.constant dense<0.000000e+00> : vector<2000x128xf32>
    %dot_general3A_50 = tpu.matmul %add3A_9, %get3A_48, %dot_general3A_49 {dimension_numbers = #tpu.dot_dimension_numbers<[1], [0], [0], [1], [0, 0, 1, 1], [], []>, transpose_lhs_hint = false} : vector<2000x128xf32>, vector<128x128xf32>, vector<2000x128xf32> -> vector<2000x128xf32>
    %swap3A_51 = arith.constant 0 : index
    %swap3A_52 = arith.constant 0 : index
    %swap3A_53 = vector.load %arg14[%swap3A_51, %swap3A_52] : memref<2000x128xf32, #tpu.memory_space<vmem>>, vector<2000x128xf32>
    tpu.vector_store %arg14[%swap3A_51, %swap3A_52], %dot_general3A_50 {strides = array<i32>} : memref<2000x128xf32, #tpu.memory_space<vmem>>, vector<2000x128xf32>,
    return
  }
  func.func @transform_0(%arg0: i32) -> (i32, i32) {
    %c0_i32 = arith.constant 0 : i32
    %c0_i32_0 = arith.constant 0 : i32
    return %arg0, %c0_i32 : i32, i32
  }
  func.func @transform_1(%arg0: i32) -> (i32, i32) {
    %c0_i32 = arith.constant 0 : i32
    %c0_i32_0 = arith.constant 0 : i32
    %c0_i32_1 = arith.constant 0 : i32
    return %c0_i32, %c0_i32_0 : i32, i32
  }
  func.func @transform_2(%arg0: i32) -> (i32, i32) {
    %c0_i32 = arith.constant 0 : i32
    %c0_i32_0 = arith.constant 0 : i32
    %c0_i32_1 = arith.constant 0 : i32
    return %c0_i32, %c0_i32_0 : i32, i32
  }
  func.func @transform_3(%arg0: i32) -> (i32, i32) {
    %c0_i32 = arith.constant 0 : i32
    %c0_i32_0 = arith.constant 0 : i32
    %c0_i32_1 = arith.constant 0 : i32
    return %c0_i32, %c0_i32_0 : i32, i32
  }
  func.func @transform_4(%arg0: i32) -> (i32, i32) {
    %c0_i32 = arith.constant 0 : i32
    %c0_i32_0 = arith.constant 0 : i32
    %c0_i32_1 = arith.constant 0 : i32
    return %c0_i32, %c0_i32_0 : i32, i32
  }
  func.func @transform_5(%arg0: i32) -> (i32, i32) {
    %c0_i32 = arith.constant 0 : i32
    %c0_i32_0 = arith.constant 0 : i32
    %c0_i32_1 = arith.constant 0 : i32
    return %c0_i32, %c0_i32_0 : i32, i32
  }
  func.func @transform_6(%arg0: i32) -> (i32, i32) {
    %c0_i32 = arith.constant 0 : i32
    %c0_i32_0 = arith.constant 0 : i32
    %c0_i32_1 = arith.constant 0 : i32
    return %c0_i32, %c0_i32_0 : i32, i32
  }
  func.func @transform_7(%arg0: i32) -> (i32, i32) {
    %c0_i32 = arith.constant 0 : i32
    %c0_i32_0 = arith.constant 0 : i32
    %c0_i32_1 = arith.constant 0 : i32
    return %c0_i32, %c0_i32_0 : i32, i32
  }
  func.func @transform_8(%arg0: i32) -> (i32, i32) {
    %c0_i32 = arith.constant 0 : i32
    %c0_i32_0 = arith.constant 0 : i32
    %c0_i32_1 = arith.constant 0 : i32
    return %c0_i32, %c0_i32_0 : i32, i32
  }
  func.func @transform_9(%arg0: i32) -> (i32, i32) {
    %c0_i32 = arith.constant 0 : i32
    %c0_i32_0 = arith.constant 0 : i32
    return %arg0, %c0_i32 : i32, i32
  }
  func.func @transform_10(%arg0: i32) -> (i32, i32) {
    %c0_i32 = arith.constant 0 : i32
    %c0_i32_0 = arith.constant 0 : i32
    return %arg0, %c0_i32 : i32, i32
  }
  func.func @transform_11(%arg0: i32) -> (i32, i32) {
    %c0_i32 = arith.constant 0 : i32
    %c0_i32_0 = arith.constant 0 : i32
    return %arg0, %c0_i32 : i32, i32
  }
  func.func @transform_12(%arg0: i32) -> (i32, i32) {
    %c0_i32 = arith.constant 0 : i32
    %c0_i32_0 = arith.constant 0 : i32
    return %arg0, %c0_i32 : i32, i32
  }
  func.func @transform_13(%arg0: i32) -> (i32, i32) {
    %c0_i32 = arith.constant 0 : i32
    %c0_i32_0 = arith.constant 0 : i32
    return %arg0, %c0_i32 : i32, i32
  }
}

module attributes {stable_mosaic.version = 14 : i64} {
  func.func @_edge_body(%arg0: i32, %arg1: memref<4000x128xf32, #tpu.memory_space<vmem>>, %arg2: memref<4000x128xf32, #tpu.memory_space<vmem>>, %arg3: memref<128x128xf32, #tpu.memory_space<vmem>>, %arg4: memref<128x128xf32, #tpu.memory_space<vmem>>, %arg5: memref<1x128xf32, #tpu.memory_space<vmem>>, %arg6: memref<1x128xf32, #tpu.memory_space<vmem>>, %arg7: memref<4000x128xf32, #tpu.memory_space<vmem>>, %arg8: memref<4000x1xf32, #tpu.memory_space<vmem>>) attributes {dimension_semantics = [#tpu.dimension_semantics<arbitrary>], iteration_bounds = array<i64: 80>, scalar_prefetch = 0 : i64, scratch_operands = 0 : i64, tpu.core_type = #tpu.core_type<tc>, window_params = [{transform_indices = @transform_0, window_bounds = array<i64: 4000, 128>}, {transform_indices = @transform_1, window_bounds = array<i64: 4000, 128>}, {pipeline_mode = #tpu.pipeline_mode<synchronous>, transform_indices = @transform_2, window_bounds = array<i64: 128, 128>}, {pipeline_mode = #tpu.pipeline_mode<synchronous>, transform_indices = @transform_3, window_bounds = array<i64: 128, 128>}, {pipeline_mode = #tpu.pipeline_mode<synchronous>, transform_indices = @transform_4, window_bounds = array<i64: 1, 128>}, {pipeline_mode = #tpu.pipeline_mode<synchronous>, transform_indices = @transform_5, window_bounds = array<i64: 1, 128>}, {transform_indices = @transform_6, window_bounds = array<i64: 4000, 128>}, {transform_indices = @transform_7, window_bounds = array<i64: 4000, 1>}]} {
    %get3A = arith.constant 0 : index
    %get3A_0 = arith.constant 0 : index
    %get3A_1 = vector.load %arg1[%get3A, %get3A_0] : memref<4000x128xf32, #tpu.memory_space<vmem>>, vector<4000x128xf32>
    %get3A_2 = arith.constant 0 : index
    %get3A_3 = arith.constant 0 : index
    %get3A_4 = vector.load %arg2[%get3A_2, %get3A_3] : memref<4000x128xf32, #tpu.memory_space<vmem>>, vector<4000x128xf32>
    %get3A_5 = arith.constant 0 : index
    %get3A_6 = arith.constant 0 : index
    %get3A_7 = vector.load %arg3[%get3A_5, %get3A_6] : memref<128x128xf32, #tpu.memory_space<vmem>>, vector<128x128xf32>
    %dot_general3A = arith.constant dense<0.000000e+00> : vector<4000x128xf32>
    %dot_general3A_8 = tpu.matmul %get3A_1, %get3A_7, %dot_general3A {dimension_numbers = #tpu.dot_dimension_numbers<[1], [0], [0], [1], [0, 0, 1, 1], [], []>, transpose_lhs_hint = false} : vector<4000x128xf32>, vector<128x128xf32>, vector<4000x128xf32> -> vector<4000x128xf32>
    %add3A = arith.addf %get3A_4, %dot_general3A_8 : vector<4000x128xf32>
    %max3A = arith.constant 0.000000e+00 : f32
    %max3A_9 = vector.broadcast %max3A : f32 to vector<4000x128xf32>
    %max3A_10 = arith.maximumf %add3A, %max3A_9 : vector<4000x128xf32>
    %get3A_11 = arith.constant 0 : index
    %get3A_12 = arith.constant 0 : index
    %get3A_13 = vector.load %arg4[%get3A_11, %get3A_12] : memref<128x128xf32, #tpu.memory_space<vmem>>, vector<128x128xf32>
    %dot_general3A_14 = arith.constant dense<0.000000e+00> : vector<4000x128xf32>
    %dot_general3A_15 = tpu.matmul %max3A_10, %get3A_13, %dot_general3A_14 {dimension_numbers = #tpu.dot_dimension_numbers<[1], [0], [0], [1], [0, 0, 1, 1], [], []>, transpose_lhs_hint = false} : vector<4000x128xf32>, vector<128x128xf32>, vector<4000x128xf32> -> vector<4000x128xf32>
    %get3A_16 = arith.constant 0 : index
    %get3A_17 = arith.constant 0 : index
    %get3A_18 = vector.load %arg5[%get3A_16, %get3A_17] : memref<1x128xf32, #tpu.memory_space<vmem>>, vector<1x128xf32>
    %add3A_19 = vector.broadcast %get3A_18 : vector<1x128xf32> to vector<4000x128xf32>
    %add3A_20 = arith.addf %dot_general3A_15, %add3A_19 : vector<4000x128xf32>
    %add3A_21 = arith.addf %add3A_20, %get3A_1 : vector<4000x128xf32>
    %swap3A = arith.constant 0 : index
    %swap3A_22 = arith.constant 0 : index
    %swap3A_23 = vector.load %arg7[%swap3A, %swap3A_22] : memref<4000x128xf32, #tpu.memory_space<vmem>>, vector<4000x128xf32>
    tpu.vector_store %arg7[%swap3A, %swap3A_22], %add3A_21 {strides = array<i32>} : memref<4000x128xf32, #tpu.memory_space<vmem>>, vector<4000x128xf32>,
    %get3A_24 = arith.constant 0 : index
    %get3A_25 = arith.constant 0 : index
    %get3A_26 = vector.load %arg6[%get3A_24, %get3A_25] : memref<1x128xf32, #tpu.memory_space<vmem>>, vector<1x128xf32>
    %mul3A = vector.broadcast %get3A_26 : vector<1x128xf32> to vector<4000x128xf32>
    %mul3A_27 = arith.mulf %add3A_21, %mul3A : vector<4000x128xf32>
    %reduce_sum3A = arith.constant dense<0.000000e+00> : vector<4000xf32>
    %reduce_sum3A_28 = vector.multi_reduction <add>, %mul3A_27, %reduce_sum3A [1] : vector<4000x128xf32> to vector<4000xf32>
    %broadcast_in_dim3A = vector.shape_cast %reduce_sum3A_28 : vector<4000xf32> to vector<4000x1xf32>
    %swap3A_29 = arith.constant 0 : index
    %swap3A_30 = arith.constant 0 : index
    %swap3A_31 = vector.load %arg8[%swap3A_29, %swap3A_30] : memref<4000x1xf32, #tpu.memory_space<vmem>>, vector<4000x1xf32>
    tpu.vector_store %arg8[%swap3A_29, %swap3A_30], %broadcast_in_dim3A {strides = array<i32>} : memref<4000x1xf32, #tpu.memory_space<vmem>>, vector<4000x1xf32>,
    return
  }
  func.func @transform_0(%arg0: i32) -> (i32, i32) {
    %c0_i32 = arith.constant 0 : i32
    %c0_i32_0 = arith.constant 0 : i32
    return %arg0, %c0_i32 : i32, i32
  }
  func.func @transform_1(%arg0: i32) -> (i32, i32) {
    %c0_i32 = arith.constant 0 : i32
    %c0_i32_0 = arith.constant 0 : i32
    return %arg0, %c0_i32 : i32, i32
  }
  func.func @transform_2(%arg0: i32) -> (i32, i32) {
    %c0_i32 = arith.constant 0 : i32
    %c0_i32_0 = arith.constant 0 : i32
    %c0_i32_1 = arith.constant 0 : i32
    return %c0_i32, %c0_i32_0 : i32, i32
  }
  func.func @transform_3(%arg0: i32) -> (i32, i32) {
    %c0_i32 = arith.constant 0 : i32
    %c0_i32_0 = arith.constant 0 : i32
    %c0_i32_1 = arith.constant 0 : i32
    return %c0_i32, %c0_i32_0 : i32, i32
  }
  func.func @transform_4(%arg0: i32) -> (i32, i32) {
    %c0_i32 = arith.constant 0 : i32
    %c0_i32_0 = arith.constant 0 : i32
    %c0_i32_1 = arith.constant 0 : i32
    return %c0_i32, %c0_i32_0 : i32, i32
  }
  func.func @transform_5(%arg0: i32) -> (i32, i32) {
    %c0_i32 = arith.constant 0 : i32
    %c0_i32_0 = arith.constant 0 : i32
    %c0_i32_1 = arith.constant 0 : i32
    return %c0_i32, %c0_i32_0 : i32, i32
  }
  func.func @transform_6(%arg0: i32) -> (i32, i32) {
    %c0_i32 = arith.constant 0 : i32
    %c0_i32_0 = arith.constant 0 : i32
    return %arg0, %c0_i32 : i32, i32
  }
  func.func @transform_7(%arg0: i32) -> (i32, i32) {
    %c0_i32 = arith.constant 0 : i32
    %c0_i32_0 = arith.constant 0 : i32
    return %arg0, %c0_i32 : i32, i32
  }
}

module attributes {stable_mosaic.version = 14 : i64} {
  func.func @_node_body(%arg0: i32, %arg1: memref<2000x128xf32, #tpu.memory_space<vmem>>, %arg2: memref<2000x128xf32, #tpu.memory_space<vmem>>, %arg3: memref<2000x128xf32, #tpu.memory_space<vmem>>, %arg4: memref<128x128xf32, #tpu.memory_space<vmem>>, %arg5: memref<128x128xf32, #tpu.memory_space<vmem>>, %arg6: memref<1x128xf32, #tpu.memory_space<vmem>>, %arg7: memref<128x128xf32, #tpu.memory_space<vmem>>, %arg8: memref<1x128xf32, #tpu.memory_space<vmem>>, %arg9: memref<128x128xf32, #tpu.memory_space<vmem>>, %arg10: memref<128x128xf32, #tpu.memory_space<vmem>>, %arg11: memref<1x128xf32, #tpu.memory_space<vmem>>, %arg12: memref<1x128xf32, #tpu.memory_space<vmem>>, %arg13: memref<1x128xf32, #tpu.memory_space<vmem>>, %arg14: memref<1x1xf32, #tpu.memory_space<vmem>>, %arg15: memref<2000x128xf32, #tpu.memory_space<vmem>>, %arg16: memref<2000x128xf32, #tpu.memory_space<vmem>>, %arg17: memref<2000x128xf32, #tpu.memory_space<vmem>>, %arg18: memref<2000x1xf32, #tpu.memory_space<vmem>>, %arg19: memref<2000x1xf32, #tpu.memory_space<vmem>>) attributes {dimension_semantics = [#tpu.dimension_semantics<arbitrary>], iteration_bounds = array<i64: 5>, scalar_prefetch = 0 : i64, scratch_operands = 0 : i64, tpu.core_type = #tpu.core_type<tc>, window_params = [{transform_indices = @transform_0, window_bounds = array<i64: 2000, 128>}, {transform_indices = @transform_1, window_bounds = array<i64: 2000, 128>}, {transform_indices = @transform_2, window_bounds = array<i64: 2000, 128>}, {pipeline_mode = #tpu.pipeline_mode<synchronous>, transform_indices = @transform_3, window_bounds = array<i64: 128, 128>}, {pipeline_mode = #tpu.pipeline_mode<synchronous>, transform_indices = @transform_4, window_bounds = array<i64: 128, 128>}, {pipeline_mode = #tpu.pipeline_mode<synchronous>, transform_indices = @transform_5, window_bounds = array<i64: 1, 128>}, {pipeline_mode = #tpu.pipeline_mode<synchronous>, transform_indices = @transform_6, window_bounds = array<i64: 128, 128>}, {pipeline_mode = #tpu.pipeline_mode<synchronous>, transform_indices = @transform_7, window_bounds = array<i64: 1, 128>}, {pipeline_mode = #tpu.pipeline_mode<synchronous>, transform_indices = @transform_8, window_bounds = array<i64: 128, 128>}, {pipeline_mode = #tpu.pipeline_mode<synchronous>, transform_indices = @transform_9, window_bounds = array<i64: 128, 128>}, {pipeline_mode = #tpu.pipeline_mode<synchronous>, transform_indices = @transform_10, window_bounds = array<i64: 1, 128>}, {pipeline_mode = #tpu.pipeline_mode<synchronous>, transform_indices = @transform_11, window_bounds = array<i64: 1, 128>}, {pipeline_mode = #tpu.pipeline_mode<synchronous>, transform_indices = @transform_12, window_bounds = array<i64: 1, 128>}, {pipeline_mode = #tpu.pipeline_mode<synchronous>, transform_indices = @transform_13, window_bounds = array<i64: 1, 1>}, {transform_indices = @transform_14, window_bounds = array<i64: 2000, 128>}, {transform_indices = @transform_15, window_bounds = array<i64: 2000, 128>}, {transform_indices = @transform_16, window_bounds = array<i64: 2000, 128>}, {transform_indices = @transform_17, window_bounds = array<i64: 2000, 1>}, {transform_indices = @transform_18, window_bounds = array<i64: 2000, 1>}]} {
    %get3A = arith.constant 0 : index
    %get3A_0 = arith.constant 0 : index
    %get3A_1 = vector.load %arg1[%get3A, %get3A_0] : memref<2000x128xf32, #tpu.memory_space<vmem>>, vector<2000x128xf32>
    %get3A_2 = arith.constant 0 : index
    %get3A_3 = arith.constant 0 : index
    %get3A_4 = vector.load %arg2[%get3A_2, %get3A_3] : memref<2000x128xf32, #tpu.memory_space<vmem>>, vector<2000x128xf32>
    %get3A_5 = arith.constant 0 : index
    %get3A_6 = arith.constant 0 : index
    %get3A_7 = vector.load %arg3[%get3A_5, %get3A_6] : memref<2000x128xf32, #tpu.memory_space<vmem>>, vector<2000x128xf32>
    %add3A = arith.addf %get3A_4, %get3A_7 : vector<2000x128xf32>
    %get3A_8 = arith.constant 0 : index
    %get3A_9 = arith.constant 0 : index
    %get3A_10 = vector.load %arg4[%get3A_8, %get3A_9] : memref<128x128xf32, #tpu.memory_space<vmem>>, vector<128x128xf32>
    %dot_general3A = arith.constant dense<0.000000e+00> : vector<2000x128xf32>
    %dot_general3A_11 = tpu.matmul %get3A_1, %get3A_10, %dot_general3A {dimension_numbers = #tpu.dot_dimension_numbers<[1], [0], [0], [1], [0, 0, 1, 1], [], []>, transpose_lhs_hint = false} : vector<2000x128xf32>, vector<128x128xf32>, vector<2000x128xf32> -> vector<2000x128xf32>
    %get3A_12 = arith.constant 0 : index
    %get3A_13 = arith.constant 0 : index
    %get3A_14 = vector.load %arg5[%get3A_12, %get3A_13] : memref<128x128xf32, #tpu.memory_space<vmem>>, vector<128x128xf32>
    %dot_general3A_15 = arith.constant dense<0.000000e+00> : vector<2000x128xf32>
    %dot_general3A_16 = tpu.matmul %add3A, %get3A_14, %dot_general3A_15 {dimension_numbers = #tpu.dot_dimension_numbers<[1], [0], [0], [1], [0, 0, 1, 1], [], []>, transpose_lhs_hint = false} : vector<2000x128xf32>, vector<128x128xf32>, vector<2000x128xf32> -> vector<2000x128xf32>
    %add3A_17 = arith.addf %dot_general3A_11, %dot_general3A_16 : vector<2000x128xf32>
    %get3A_18 = arith.constant 0 : index
    %get3A_19 = arith.constant 0 : index
    %get3A_20 = vector.load %arg6[%get3A_18, %get3A_19] : memref<1x128xf32, #tpu.memory_space<vmem>>, vector<1x128xf32>
    %add3A_21 = vector.broadcast %get3A_20 : vector<1x128xf32> to vector<2000x128xf32>
    %add3A_22 = arith.addf %add3A_17, %add3A_21 : vector<2000x128xf32>
    %max3A = arith.constant 0.000000e+00 : f32
    %max3A_23 = vector.broadcast %max3A : f32 to vector<2000x128xf32>
    %max3A_24 = arith.maximumf %add3A_22, %max3A_23 : vector<2000x128xf32>
    %get3A_25 = arith.constant 0 : index
    %get3A_26 = arith.constant 0 : index
    %get3A_27 = vector.load %arg7[%get3A_25, %get3A_26] : memref<128x128xf32, #tpu.memory_space<vmem>>, vector<128x128xf32>
    %dot_general3A_28 = arith.constant dense<0.000000e+00> : vector<2000x128xf32>
    %dot_general3A_29 = tpu.matmul %max3A_24, %get3A_27, %dot_general3A_28 {dimension_numbers = #tpu.dot_dimension_numbers<[1], [0], [0], [1], [0, 0, 1, 1], [], []>, transpose_lhs_hint = false} : vector<2000x128xf32>, vector<128x128xf32>, vector<2000x128xf32> -> vector<2000x128xf32>
    %get3A_30 = arith.constant 0 : index
    %get3A_31 = arith.constant 0 : index
    %get3A_32 = vector.load %arg8[%get3A_30, %get3A_31] : memref<1x128xf32, #tpu.memory_space<vmem>>, vector<1x128xf32>
    %add3A_33 = vector.broadcast %get3A_32 : vector<1x128xf32> to vector<2000x128xf32>
    %add3A_34 = arith.addf %dot_general3A_29, %add3A_33 : vector<2000x128xf32>
    %add3A_35 = arith.addf %add3A_34, %get3A_1 : vector<2000x128xf32>
    %swap3A = arith.constant 0 : index
    %swap3A_36 = arith.constant 0 : index
    %swap3A_37 = vector.load %arg15[%swap3A, %swap3A_36] : memref<2000x128xf32, #tpu.memory_space<vmem>>, vector<2000x128xf32>
    tpu.vector_store %arg15[%swap3A, %swap3A_36], %add3A_35 {strides = array<i32>} : memref<2000x128xf32, #tpu.memory_space<vmem>>, vector<2000x128xf32>,
    %get3A_38 = arith.constant 0 : index
    %get3A_39 = arith.constant 0 : index
    %get3A_40 = vector.load %arg9[%get3A_38, %get3A_39] : memref<128x128xf32, #tpu.memory_space<vmem>>, vector<128x128xf32>
    %dot_general3A_41 = arith.constant dense<0.000000e+00> : vector<2000x128xf32>
    %dot_general3A_42 = tpu.matmul %add3A_35, %get3A_40, %dot_general3A_41 {dimension_numbers = #tpu.dot_dimension_numbers<[1], [0], [0], [1], [0, 0, 1, 1], [], []>, transpose_lhs_hint = false} : vector<2000x128xf32>, vector<128x128xf32>, vector<2000x128xf32> -> vector<2000x128xf32>
    %get3A_43 = arith.constant 0 : index
    %get3A_44 = arith.constant 0 : index
    %get3A_45 = vector.load %arg11[%get3A_43, %get3A_44] : memref<1x128xf32, #tpu.memory_space<vmem>>, vector<1x128xf32>
    %add3A_46 = vector.broadcast %get3A_45 : vector<1x128xf32> to vector<2000x128xf32>
    %add3A_47 = arith.addf %dot_general3A_42, %add3A_46 : vector<2000x128xf32>
    %swap3A_48 = arith.constant 0 : index
    %swap3A_49 = arith.constant 0 : index
    %swap3A_50 = vector.load %arg16[%swap3A_48, %swap3A_49] : memref<2000x128xf32, #tpu.memory_space<vmem>>, vector<2000x128xf32>
    tpu.vector_store %arg16[%swap3A_48, %swap3A_49], %add3A_47 {strides = array<i32>} : memref<2000x128xf32, #tpu.memory_space<vmem>>, vector<2000x128xf32>,
    %get3A_51 = arith.constant 0 : index
    %get3A_52 = arith.constant 0 : index
    %get3A_53 = vector.load %arg10[%get3A_51, %get3A_52] : memref<128x128xf32, #tpu.memory_space<vmem>>, vector<128x128xf32>
    %dot_general3A_54 = arith.constant dense<0.000000e+00> : vector<2000x128xf32>
    %dot_general3A_55 = tpu.matmul %add3A_35, %get3A_53, %dot_general3A_54 {dimension_numbers = #tpu.dot_dimension_numbers<[1], [0], [0], [1], [0, 0, 1, 1], [], []>, transpose_lhs_hint = false} : vector<2000x128xf32>, vector<128x128xf32>, vector<2000x128xf32> -> vector<2000x128xf32>
    %swap3A_56 = arith.constant 0 : index
    %swap3A_57 = arith.constant 0 : index
    %swap3A_58 = vector.load %arg17[%swap3A_56, %swap3A_57] : memref<2000x128xf32, #tpu.memory_space<vmem>>, vector<2000x128xf32>
    tpu.vector_store %arg17[%swap3A_56, %swap3A_57], %dot_general3A_55 {strides = array<i32>} : memref<2000x128xf32, #tpu.memory_space<vmem>>, vector<2000x128xf32>,
    %get3A_59 = arith.constant 0 : index
    %get3A_60 = arith.constant 0 : index
    %get3A_61 = vector.load %arg12[%get3A_59, %get3A_60] : memref<1x128xf32, #tpu.memory_space<vmem>>, vector<1x128xf32>
    %mul3A = vector.broadcast %get3A_61 : vector<1x128xf32> to vector<2000x128xf32>
    %mul3A_62 = arith.mulf %add3A_35, %mul3A : vector<2000x128xf32>
    %reduce_sum3A = arith.constant dense<0.000000e+00> : vector<2000xf32>
    %reduce_sum3A_63 = vector.multi_reduction <add>, %mul3A_62, %reduce_sum3A [1] : vector<2000x128xf32> to vector<2000xf32>
    %broadcast_in_dim3A = vector.shape_cast %reduce_sum3A_63 : vector<2000xf32> to vector<2000x1xf32>
    %get3A_64 = arith.constant 0 : index
    %get3A_65 = arith.constant 0 : index
    %get3A_66 = vector.load %arg14[%get3A_64, %get3A_65] : memref<1x1xf32, #tpu.memory_space<vmem>>, vector<1x1xf32>
    %add3A_67 = vector.broadcast %get3A_66 : vector<1x1xf32> to vector<2000x1xf32>
    %add3A_68 = arith.addf %broadcast_in_dim3A, %add3A_67 : vector<2000x1xf32>
    %swap3A_69 = arith.constant 0 : index
    %swap3A_70 = arith.constant 0 : index
    %swap3A_71 = vector.load %arg18[%swap3A_69, %swap3A_70] : memref<2000x1xf32, #tpu.memory_space<vmem>>, vector<2000x1xf32>
    tpu.vector_store %arg18[%swap3A_69, %swap3A_70], %add3A_68 {strides = array<i32>} : memref<2000x1xf32, #tpu.memory_space<vmem>>, vector<2000x1xf32>,
    %get3A_72 = arith.constant 0 : index
    %get3A_73 = arith.constant 0 : index
    %get3A_74 = vector.load %arg13[%get3A_72, %get3A_73] : memref<1x128xf32, #tpu.memory_space<vmem>>, vector<1x128xf32>
    %mul3A_75 = vector.broadcast %get3A_74 : vector<1x128xf32> to vector<2000x128xf32>
    %mul3A_76 = arith.mulf %add3A_35, %mul3A_75 : vector<2000x128xf32>
    %reduce_sum3A_77 = arith.constant dense<0.000000e+00> : vector<2000xf32>
    %reduce_sum3A_78 = vector.multi_reduction <add>, %mul3A_76, %reduce_sum3A_77 [1] : vector<2000x128xf32> to vector<2000xf32>
    %broadcast_in_dim3A_79 = vector.shape_cast %reduce_sum3A_78 : vector<2000xf32> to vector<2000x1xf32>
    %swap3A_80 = arith.constant 0 : index
    %swap3A_81 = arith.constant 0 : index
    %swap3A_82 = vector.load %arg19[%swap3A_80, %swap3A_81] : memref<2000x1xf32, #tpu.memory_space<vmem>>, vector<2000x1xf32>
    tpu.vector_store %arg19[%swap3A_80, %swap3A_81], %broadcast_in_dim3A_79 {strides = array<i32>} : memref<2000x1xf32, #tpu.memory_space<vmem>>, vector<2000x1xf32>,
    return
  }
  func.func @transform_0(%arg0: i32) -> (i32, i32) {
    %c0_i32 = arith.constant 0 : i32
    %c0_i32_0 = arith.constant 0 : i32
    return %arg0, %c0_i32 : i32, i32
  }
  func.func @transform_1(%arg0: i32) -> (i32, i32) {
    %c0_i32 = arith.constant 0 : i32
    %c0_i32_0 = arith.constant 0 : i32
    return %arg0, %c0_i32 : i32, i32
  }
  func.func @transform_2(%arg0: i32) -> (i32, i32) {
    %c0_i32 = arith.constant 0 : i32
    %c0_i32_0 = arith.constant 0 : i32
    return %arg0, %c0_i32 : i32, i32
  }
  func.func @transform_3(%arg0: i32) -> (i32, i32) {
    %c0_i32 = arith.constant 0 : i32
    %c0_i32_0 = arith.constant 0 : i32
    %c0_i32_1 = arith.constant 0 : i32
    return %c0_i32, %c0_i32_0 : i32, i32
  }
  func.func @transform_4(%arg0: i32) -> (i32, i32) {
    %c0_i32 = arith.constant 0 : i32
    %c0_i32_0 = arith.constant 0 : i32
    %c0_i32_1 = arith.constant 0 : i32
    return %c0_i32, %c0_i32_0 : i32, i32
  }
  func.func @transform_5(%arg0: i32) -> (i32, i32) {
    %c0_i32 = arith.constant 0 : i32
    %c0_i32_0 = arith.constant 0 : i32
    %c0_i32_1 = arith.constant 0 : i32
    return %c0_i32, %c0_i32_0 : i32, i32
  }
  func.func @transform_6(%arg0: i32) -> (i32, i32) {
    %c0_i32 = arith.constant 0 : i32
    %c0_i32_0 = arith.constant 0 : i32
    %c0_i32_1 = arith.constant 0 : i32
    return %c0_i32, %c0_i32_0 : i32, i32
  }
  func.func @transform_7(%arg0: i32) -> (i32, i32) {
    %c0_i32 = arith.constant 0 : i32
    %c0_i32_0 = arith.constant 0 : i32
    %c0_i32_1 = arith.constant 0 : i32
    return %c0_i32, %c0_i32_0 : i32, i32
  }
  func.func @transform_8(%arg0: i32) -> (i32, i32) {
    %c0_i32 = arith.constant 0 : i32
    %c0_i32_0 = arith.constant 0 : i32
    %c0_i32_1 = arith.constant 0 : i32
    return %c0_i32, %c0_i32_0 : i32, i32
  }
  func.func @transform_9(%arg0: i32) -> (i32, i32) {
    %c0_i32 = arith.constant 0 : i32
    %c0_i32_0 = arith.constant 0 : i32
    %c0_i32_1 = arith.constant 0 : i32
    return %c0_i32, %c0_i32_0 : i32, i32
  }
  func.func @transform_10(%arg0: i32) -> (i32, i32) {
    %c0_i32 = arith.constant 0 : i32
    %c0_i32_0 = arith.constant 0 : i32
    %c0_i32_1 = arith.constant 0 : i32
    return %c0_i32, %c0_i32_0 : i32, i32
  }
  func.func @transform_11(%arg0: i32) -> (i32, i32) {
    %c0_i32 = arith.constant 0 : i32
    %c0_i32_0 = arith.constant 0 : i32
    %c0_i32_1 = arith.constant 0 : i32
    return %c0_i32, %c0_i32_0 : i32, i32
  }
  func.func @transform_12(%arg0: i32) -> (i32, i32) {
    %c0_i32 = arith.constant 0 : i32
    %c0_i32_0 = arith.constant 0 : i32
    %c0_i32_1 = arith.constant 0 : i32
    return %c0_i32, %c0_i32_0 : i32, i32
  }
  func.func @transform_13(%arg0: i32) -> (i32, i32) {
    %c0_i32 = arith.constant 0 : i32
    %c0_i32_0 = arith.constant 0 : i32
    %c0_i32_1 = arith.constant 0 : i32
    return %c0_i32, %c0_i32_0 : i32, i32
  }
  func.func @transform_14(%arg0: i32) -> (i32, i32) {
    %c0_i32 = arith.constant 0 : i32
    %c0_i32_0 = arith.constant 0 : i32
    return %arg0, %c0_i32 : i32, i32
  }
  func.func @transform_15(%arg0: i32) -> (i32, i32) {
    %c0_i32 = arith.constant 0 : i32
    %c0_i32_0 = arith.constant 0 : i32
    return %arg0, %c0_i32 : i32, i32
  }
  func.func @transform_16(%arg0: i32) -> (i32, i32) {
    %c0_i32 = arith.constant 0 : i32
    %c0_i32_0 = arith.constant 0 : i32
    return %arg0, %c0_i32 : i32, i32
  }
  func.func @transform_17(%arg0: i32) -> (i32, i32) {
    %c0_i32 = arith.constant 0 : i32
    %c0_i32_0 = arith.constant 0 : i32
    return %arg0, %c0_i32 : i32, i32
  }
  func.func @transform_18(%arg0: i32) -> (i32, i32) {
    %c0_i32 = arith.constant 0 : i32
    %c0_i32_0 = arith.constant 0 : i32
    return %arg0, %c0_i32 : i32, i32
  }
}

module attributes {stable_mosaic.version = 14 : i64} {
  func.func @_node_body(%arg0: i32, %arg1: memref<2000x128xf32, #tpu.memory_space<vmem>>, %arg2: memref<2000x128xf32, #tpu.memory_space<vmem>>, %arg3: memref<2000x128xf32, #tpu.memory_space<vmem>>, %arg4: memref<128x128xf32, #tpu.memory_space<vmem>>, %arg5: memref<128x128xf32, #tpu.memory_space<vmem>>, %arg6: memref<1x128xf32, #tpu.memory_space<vmem>>, %arg7: memref<128x128xf32, #tpu.memory_space<vmem>>, %arg8: memref<1x128xf32, #tpu.memory_space<vmem>>, %arg9: memref<128x128xf32, #tpu.memory_space<vmem>>, %arg10: memref<128x128xf32, #tpu.memory_space<vmem>>, %arg11: memref<1x128xf32, #tpu.memory_space<vmem>>, %arg12: memref<1x128xf32, #tpu.memory_space<vmem>>, %arg13: memref<1x128xf32, #tpu.memory_space<vmem>>, %arg14: memref<1x1xf32, #tpu.memory_space<vmem>>, %arg15: memref<2000x128xf32, #tpu.memory_space<vmem>>, %arg16: memref<2000x128xf32, #tpu.memory_space<vmem>>, %arg17: memref<2000x128xf32, #tpu.memory_space<vmem>>, %arg18: memref<2000x1xf32, #tpu.memory_space<vmem>>, %arg19: memref<2000x1xf32, #tpu.memory_space<vmem>>) attributes {dimension_semantics = [#tpu.dimension_semantics<arbitrary>], iteration_bounds = array<i64: 5>, scalar_prefetch = 0 : i64, scratch_operands = 0 : i64, tpu.core_type = #tpu.core_type<tc>, window_params = [{transform_indices = @transform_0, window_bounds = array<i64: 2000, 128>}, {transform_indices = @transform_1, window_bounds = array<i64: 2000, 128>}, {transform_indices = @transform_2, window_bounds = array<i64: 2000, 128>}, {pipeline_mode = #tpu.pipeline_mode<synchronous>, transform_indices = @transform_3, window_bounds = array<i64: 128, 128>}, {pipeline_mode = #tpu.pipeline_mode<synchronous>, transform_indices = @transform_4, window_bounds = array<i64: 128, 128>}, {pipeline_mode = #tpu.pipeline_mode<synchronous>, transform_indices = @transform_5, window_bounds = array<i64: 1, 128>}, {pipeline_mode = #tpu.pipeline_mode<synchronous>, transform_indices = @transform_6, window_bounds = array<i64: 128, 128>}, {pipeline_mode = #tpu.pipeline_mode<synchronous>, transform_indices = @transform_7, window_bounds = array<i64: 1, 128>}, {pipeline_mode = #tpu.pipeline_mode<synchronous>, transform_indices = @transform_8, window_bounds = array<i64: 128, 128>}, {pipeline_mode = #tpu.pipeline_mode<synchronous>, transform_indices = @transform_9, window_bounds = array<i64: 128, 128>}, {pipeline_mode = #tpu.pipeline_mode<synchronous>, transform_indices = @transform_10, window_bounds = array<i64: 1, 128>}, {pipeline_mode = #tpu.pipeline_mode<synchronous>, transform_indices = @transform_11, window_bounds = array<i64: 1, 128>}, {pipeline_mode = #tpu.pipeline_mode<synchronous>, transform_indices = @transform_12, window_bounds = array<i64: 1, 128>}, {pipeline_mode = #tpu.pipeline_mode<synchronous>, transform_indices = @transform_13, window_bounds = array<i64: 1, 1>}, {transform_indices = @transform_14, window_bounds = array<i64: 2000, 128>}, {transform_indices = @transform_15, window_bounds = array<i64: 2000, 128>}, {transform_indices = @transform_16, window_bounds = array<i64: 2000, 128>}, {transform_indices = @transform_17, window_bounds = array<i64: 2000, 1>}, {transform_indices = @transform_18, window_bounds = array<i64: 2000, 1>}]} {
    %get3A = arith.constant 0 : index
    %get3A_0 = arith.constant 0 : index
    %get3A_1 = vector.load %arg1[%get3A, %get3A_0] : memref<2000x128xf32, #tpu.memory_space<vmem>>, vector<2000x128xf32>
    %get3A_2 = arith.constant 0 : index
    %get3A_3 = arith.constant 0 : index
    %get3A_4 = vector.load %arg2[%get3A_2, %get3A_3] : memref<2000x128xf32, #tpu.memory_space<vmem>>, vector<2000x128xf32>
    %get3A_5 = arith.constant 0 : index
    %get3A_6 = arith.constant 0 : index
    %get3A_7 = vector.load %arg3[%get3A_5, %get3A_6] : memref<2000x128xf32, #tpu.memory_space<vmem>>, vector<2000x128xf32>
    %add3A = arith.addf %get3A_4, %get3A_7 : vector<2000x128xf32>
    %get3A_8 = arith.constant 0 : index
    %get3A_9 = arith.constant 0 : index
    %get3A_10 = vector.load %arg4[%get3A_8, %get3A_9] : memref<128x128xf32, #tpu.memory_space<vmem>>, vector<128x128xf32>
    %dot_general3A = arith.constant dense<0.000000e+00> : vector<2000x128xf32>
    %dot_general3A_11 = tpu.matmul %get3A_1, %get3A_10, %dot_general3A {dimension_numbers = #tpu.dot_dimension_numbers<[1], [0], [0], [1], [0, 0, 1, 1], [], []>, transpose_lhs_hint = false} : vector<2000x128xf32>, vector<128x128xf32>, vector<2000x128xf32> -> vector<2000x128xf32>
    %get3A_12 = arith.constant 0 : index
    %get3A_13 = arith.constant 0 : index
    %get3A_14 = vector.load %arg5[%get3A_12, %get3A_13] : memref<128x128xf32, #tpu.memory_space<vmem>>, vector<128x128xf32>
    %dot_general3A_15 = arith.constant dense<0.000000e+00> : vector<2000x128xf32>
    %dot_general3A_16 = tpu.matmul %add3A, %get3A_14, %dot_general3A_15 {dimension_numbers = #tpu.dot_dimension_numbers<[1], [0], [0], [1], [0, 0, 1, 1], [], []>, transpose_lhs_hint = false} : vector<2000x128xf32>, vector<128x128xf32>, vector<2000x128xf32> -> vector<2000x128xf32>
    %add3A_17 = arith.addf %dot_general3A_11, %dot_general3A_16 : vector<2000x128xf32>
    %get3A_18 = arith.constant 0 : index
    %get3A_19 = arith.constant 0 : index
    %get3A_20 = vector.load %arg6[%get3A_18, %get3A_19] : memref<1x128xf32, #tpu.memory_space<vmem>>, vector<1x128xf32>
    %add3A_21 = vector.broadcast %get3A_20 : vector<1x128xf32> to vector<2000x128xf32>
    %add3A_22 = arith.addf %add3A_17, %add3A_21 : vector<2000x128xf32>
    %max3A = arith.constant 0.000000e+00 : f32
    %max3A_23 = vector.broadcast %max3A : f32 to vector<2000x128xf32>
    %max3A_24 = arith.maximumf %add3A_22, %max3A_23 : vector<2000x128xf32>
    %get3A_25 = arith.constant 0 : index
    %get3A_26 = arith.constant 0 : index
    %get3A_27 = vector.load %arg7[%get3A_25, %get3A_26] : memref<128x128xf32, #tpu.memory_space<vmem>>, vector<128x128xf32>
    %dot_general3A_28 = arith.constant dense<0.000000e+00> : vector<2000x128xf32>
    %dot_general3A_29 = tpu.matmul %max3A_24, %get3A_27, %dot_general3A_28 {dimension_numbers = #tpu.dot_dimension_numbers<[1], [0], [0], [1], [0, 0, 1, 1], [], []>, transpose_lhs_hint = false} : vector<2000x128xf32>, vector<128x128xf32>, vector<2000x128xf32> -> vector<2000x128xf32>
    %get3A_30 = arith.constant 0 : index
    %get3A_31 = arith.constant 0 : index
    %get3A_32 = vector.load %arg8[%get3A_30, %get3A_31] : memref<1x128xf32, #tpu.memory_space<vmem>>, vector<1x128xf32>
    %add3A_33 = vector.broadcast %get3A_32 : vector<1x128xf32> to vector<2000x128xf32>
    %add3A_34 = arith.addf %dot_general3A_29, %add3A_33 : vector<2000x128xf32>
    %add3A_35 = arith.addf %add3A_34, %get3A_1 : vector<2000x128xf32>
    %swap3A = arith.constant 0 : index
    %swap3A_36 = arith.constant 0 : index
    %swap3A_37 = vector.load %arg15[%swap3A, %swap3A_36] : memref<2000x128xf32, #tpu.memory_space<vmem>>, vector<2000x128xf32>
    tpu.vector_store %arg15[%swap3A, %swap3A_36], %add3A_35 {strides = array<i32>} : memref<2000x128xf32, #tpu.memory_space<vmem>>, vector<2000x128xf32>,
    %get3A_38 = arith.constant 0 : index
    %get3A_39 = arith.constant 0 : index
    %get3A_40 = vector.load %arg9[%get3A_38, %get3A_39] : memref<128x128xf32, #tpu.memory_space<vmem>>, vector<128x128xf32>
    %dot_general3A_41 = arith.constant dense<0.000000e+00> : vector<2000x128xf32>
    %dot_general3A_42 = tpu.matmul %add3A_35, %get3A_40, %dot_general3A_41 {dimension_numbers = #tpu.dot_dimension_numbers<[1], [0], [0], [1], [0, 0, 1, 1], [], []>, transpose_lhs_hint = false} : vector<2000x128xf32>, vector<128x128xf32>, vector<2000x128xf32> -> vector<2000x128xf32>
    %get3A_43 = arith.constant 0 : index
    %get3A_44 = arith.constant 0 : index
    %get3A_45 = vector.load %arg11[%get3A_43, %get3A_44] : memref<1x128xf32, #tpu.memory_space<vmem>>, vector<1x128xf32>
    %add3A_46 = vector.broadcast %get3A_45 : vector<1x128xf32> to vector<2000x128xf32>
    %add3A_47 = arith.addf %dot_general3A_42, %add3A_46 : vector<2000x128xf32>
    %swap3A_48 = arith.constant 0 : index
    %swap3A_49 = arith.constant 0 : index
    %swap3A_50 = vector.load %arg16[%swap3A_48, %swap3A_49] : memref<2000x128xf32, #tpu.memory_space<vmem>>, vector<2000x128xf32>
    tpu.vector_store %arg16[%swap3A_48, %swap3A_49], %add3A_47 {strides = array<i32>} : memref<2000x128xf32, #tpu.memory_space<vmem>>, vector<2000x128xf32>,
    %get3A_51 = arith.constant 0 : index
    %get3A_52 = arith.constant 0 : index
    %get3A_53 = vector.load %arg10[%get3A_51, %get3A_52] : memref<128x128xf32, #tpu.memory_space<vmem>>, vector<128x128xf32>
    %dot_general3A_54 = arith.constant dense<0.000000e+00> : vector<2000x128xf32>
    %dot_general3A_55 = tpu.matmul %add3A_35, %get3A_53, %dot_general3A_54 {dimension_numbers = #tpu.dot_dimension_numbers<[1], [0], [0], [1], [0, 0, 1, 1], [], []>, transpose_lhs_hint = false} : vector<2000x128xf32>, vector<128x128xf32>, vector<2000x128xf32> -> vector<2000x128xf32>
    %swap3A_56 = arith.constant 0 : index
    %swap3A_57 = arith.constant 0 : index
    %swap3A_58 = vector.load %arg17[%swap3A_56, %swap3A_57] : memref<2000x128xf32, #tpu.memory_space<vmem>>, vector<2000x128xf32>
    tpu.vector_store %arg17[%swap3A_56, %swap3A_57], %dot_general3A_55 {strides = array<i32>} : memref<2000x128xf32, #tpu.memory_space<vmem>>, vector<2000x128xf32>,
    %get3A_59 = arith.constant 0 : index
    %get3A_60 = arith.constant 0 : index
    %get3A_61 = vector.load %arg12[%get3A_59, %get3A_60] : memref<1x128xf32, #tpu.memory_space<vmem>>, vector<1x128xf32>
    %mul3A = vector.broadcast %get3A_61 : vector<1x128xf32> to vector<2000x128xf32>
    %mul3A_62 = arith.mulf %add3A_35, %mul3A : vector<2000x128xf32>
    %reduce_sum3A = arith.constant dense<0.000000e+00> : vector<2000xf32>
    %reduce_sum3A_63 = vector.multi_reduction <add>, %mul3A_62, %reduce_sum3A [1] : vector<2000x128xf32> to vector<2000xf32>
    %broadcast_in_dim3A = vector.shape_cast %reduce_sum3A_63 : vector<2000xf32> to vector<2000x1xf32>
    %get3A_64 = arith.constant 0 : index
    %get3A_65 = arith.constant 0 : index
    %get3A_66 = vector.load %arg14[%get3A_64, %get3A_65] : memref<1x1xf32, #tpu.memory_space<vmem>>, vector<1x1xf32>
    %add3A_67 = vector.broadcast %get3A_66 : vector<1x1xf32> to vector<2000x1xf32>
    %add3A_68 = arith.addf %broadcast_in_dim3A, %add3A_67 : vector<2000x1xf32>
    %swap3A_69 = arith.constant 0 : index
    %swap3A_70 = arith.constant 0 : index
    %swap3A_71 = vector.load %arg18[%swap3A_69, %swap3A_70] : memref<2000x1xf32, #tpu.memory_space<vmem>>, vector<2000x1xf32>
    tpu.vector_store %arg18[%swap3A_69, %swap3A_70], %add3A_68 {strides = array<i32>} : memref<2000x1xf32, #tpu.memory_space<vmem>>, vector<2000x1xf32>,
    %get3A_72 = arith.constant 0 : index
    %get3A_73 = arith.constant 0 : index
    %get3A_74 = vector.load %arg13[%get3A_72, %get3A_73] : memref<1x128xf32, #tpu.memory_space<vmem>>, vector<1x128xf32>
    %mul3A_75 = vector.broadcast %get3A_74 : vector<1x128xf32> to vector<2000x128xf32>
    %mul3A_76 = arith.mulf %add3A_35, %mul3A_75 : vector<2000x128xf32>
    %reduce_sum3A_77 = arith.constant dense<0.000000e+00> : vector<2000xf32>
    %reduce_sum3A_78 = vector.multi_reduction <add>, %mul3A_76, %reduce_sum3A_77 [1] : vector<2000x128xf32> to vector<2000xf32>
    %broadcast_in_dim3A_79 = vector.shape_cast %reduce_sum3A_78 : vector<2000xf32> to vector<2000x1xf32>
    %swap3A_80 = arith.constant 0 : index
    %swap3A_81 = arith.constant 0 : index
    %swap3A_82 = vector.load %arg19[%swap3A_80, %swap3A_81] : memref<2000x1xf32, #tpu.memory_space<vmem>>, vector<2000x1xf32>
    tpu.vector_store %arg19[%swap3A_80, %swap3A_81], %broadcast_in_dim3A_79 {strides = array<i32>} : memref<2000x1xf32, #tpu.memory_space<vmem>>, vector<2000x1xf32>,
    return
  }
  func.func @transform_0(%arg0: i32) -> (i32, i32) {
    %c0_i32 = arith.constant 0 : i32
    %c0_i32_0 = arith.constant 0 : i32
    return %arg0, %c0_i32 : i32, i32
  }
  func.func @transform_1(%arg0: i32) -> (i32, i32) {
    %c0_i32 = arith.constant 0 : i32
    %c0_i32_0 = arith.constant 0 : i32
    return %arg0, %c0_i32 : i32, i32
  }
  func.func @transform_2(%arg0: i32) -> (i32, i32) {
    %c0_i32 = arith.constant 0 : i32
    %c0_i32_0 = arith.constant 0 : i32
    return %arg0, %c0_i32 : i32, i32
  }
  func.func @transform_3(%arg0: i32) -> (i32, i32) {
    %c0_i32 = arith.constant 0 : i32
    %c0_i32_0 = arith.constant 0 : i32
    %c0_i32_1 = arith.constant 0 : i32
    return %c0_i32, %c0_i32_0 : i32, i32
  }
  func.func @transform_4(%arg0: i32) -> (i32, i32) {
    %c0_i32 = arith.constant 0 : i32
    %c0_i32_0 = arith.constant 0 : i32
    %c0_i32_1 = arith.constant 0 : i32
    return %c0_i32, %c0_i32_0 : i32, i32
  }
  func.func @transform_5(%arg0: i32) -> (i32, i32) {
    %c0_i32 = arith.constant 0 : i32
    %c0_i32_0 = arith.constant 0 : i32
    %c0_i32_1 = arith.constant 0 : i32
    return %c0_i32, %c0_i32_0 : i32, i32
  }
  func.func @transform_6(%arg0: i32) -> (i32, i32) {
    %c0_i32 = arith.constant 0 : i32
    %c0_i32_0 = arith.constant 0 : i32
    %c0_i32_1 = arith.constant 0 : i32
    return %c0_i32, %c0_i32_0 : i32, i32
  }
  func.func @transform_7(%arg0: i32) -> (i32, i32) {
    %c0_i32 = arith.constant 0 : i32
    %c0_i32_0 = arith.constant 0 : i32
    %c0_i32_1 = arith.constant 0 : i32
    return %c0_i32, %c0_i32_0 : i32, i32
  }
  func.func @transform_8(%arg0: i32) -> (i32, i32) {
    %c0_i32 = arith.constant 0 : i32
    %c0_i32_0 = arith.constant 0 : i32
    %c0_i32_1 = arith.constant 0 : i32
    return %c0_i32, %c0_i32_0 : i32, i32
  }
  func.func @transform_9(%arg0: i32) -> (i32, i32) {
    %c0_i32 = arith.constant 0 : i32
    %c0_i32_0 = arith.constant 0 : i32
    %c0_i32_1 = arith.constant 0 : i32
    return %c0_i32, %c0_i32_0 : i32, i32
  }
  func.func @transform_10(%arg0: i32) -> (i32, i32) {
    %c0_i32 = arith.constant 0 : i32
    %c0_i32_0 = arith.constant 0 : i32
    %c0_i32_1 = arith.constant 0 : i32
    return %c0_i32, %c0_i32_0 : i32, i32
  }
  func.func @transform_11(%arg0: i32) -> (i32, i32) {
    %c0_i32 = arith.constant 0 : i32
    %c0_i32_0 = arith.constant 0 : i32
    %c0_i32_1 = arith.constant 0 : i32
    return %c0_i32, %c0_i32_0 : i32, i32
  }
  func.func @transform_12(%arg0: i32) -> (i32, i32) {
    %c0_i32 = arith.constant 0 : i32
    %c0_i32_0 = arith.constant 0 : i32
    %c0_i32_1 = arith.constant 0 : i32
    return %c0_i32, %c0_i32_0 : i32, i32
  }
  func.func @transform_13(%arg0: i32) -> (i32, i32) {
    %c0_i32 = arith.constant 0 : i32
    %c0_i32_0 = arith.constant 0 : i32
    %c0_i32_1 = arith.constant 0 : i32
    return %c0_i32, %c0_i32_0 : i32, i32
  }
  func.func @transform_14(%arg0: i32) -> (i32, i32) {
    %c0_i32 = arith.constant 0 : i32
    %c0_i32_0 = arith.constant 0 : i32
    return %arg0, %c0_i32 : i32, i32
  }
  func.func @transform_15(%arg0: i32) -> (i32, i32) {
    %c0_i32 = arith.constant 0 : i32
    %c0_i32_0 = arith.constant 0 : i32
    return %arg0, %c0_i32 : i32, i32
  }
  func.func @transform_16(%arg0: i32) -> (i32, i32) {
    %c0_i32 = arith.constant 0 : i32
    %c0_i32_0 = arith.constant 0 : i32
    return %arg0, %c0_i32 : i32, i32
  }
  func.func @transform_17(%arg0: i32) -> (i32, i32) {
    %c0_i32 = arith.constant 0 : i32
    %c0_i32_0 = arith.constant 0 : i32
    return %arg0, %c0_i32 : i32, i32
  }
  func.func @transform_18(%arg0: i32) -> (i32, i32) {
    %c0_i32 = arith.constant 0 : i32
    %c0_i32_0 = arith.constant 0 : i32
    return %arg0, %c0_i32 : i32, i32
  }
}

</mosaic_0001>

<sc_bundles>
// kernel: kernel.13.cloned.1.call-start
scs
__scs_entry_jumppad:
0x0: {  	(pc) =	sbr.rel $0x88, $3  }
0x1: {  	(tag) =	ssettag $0x0;
	lr =	simm.s32 $0x1  }
0x2: {  	[smem:$0x3F91] =	sst lr;
	_ =	strace $0xD0000000  }
0x3: {  	_ = 	snop  }
0x4: {  	_ = 	snop  }
0x5: {  	_ = 	snop  }
0x6: {  	_ = 	snop  }
0x7: {  	_ = 	snop  }
__scs_overlays_trampoline_lowered:
0x8: {  	[smem:$0x3FA0] =	sst s0  }
0x9: {  	[smem:$0x3FA1] =	sst s1  }
0xa: {  	[smem:$0x3FA2] =	sst s2  }
0xb: {  	[smem:$0x3FA3] =	sst s3  }
0xc: {  	[smem:$0x3FA4] =	sst s4  }
0xd: {  	[smem:$0x3FA5] =	sst s5  }
0xe: {  	[smem:$0x3FA6] =	sst s6  }
0xf: {  	[smem:$0x3FA7] =	sst s7  }
0x10: {  	[smem:$0x3FA8] =	sst s8  }
0x11: {  	[smem:$0x3FA9] =	sst s9;
	s0 =	simm.s32 @!p0 $0x0  }
0x12: {  	s1 =	sld [smem:$0x3F8F];
	s0 =	simm.s32 @p0 $0x1  }
0x13: {  	[smem:$0x3FAA] =	sst s0;
	s0 =	simm.s32 @!p1 $0x0  }
0x14: {  	s2 =	sld [smem:$0x3F8E];
	s0 =	simm.s32 @p1 $0x1  }
0x15: {  	[smem:$0x3FAB] =	sst s0;
	s0 =	simm.s32 @!p2 $0x0  }
0x16: {  	s3 =	sld [smem:$0x3FDB];
	s0 =	simm.s32 @p2 $0x1  }
0x17: {  	s4 =	simm.s32 $0x1BF5;
	[smem:$0x3FAD] =	sst s0  }
0x18: {  	s0 =	sld [smem:$0x3F90];
	_ =	swait.ge [sflag:s4], $0x0  }
0x19: {  	s7 =	sld [smem:$0x3F91]  }
0x1a: {  	s8 =	sadd.s32 $0xFFFFE003, lr  }
0x1b: {  	s9 =	sadd.s32 $0xFFFFFEF7, lr;
	s5 =	simm.s32 $0xFFFFFFFF;
	p2 =	slt.u32 s8, $0xFFFFF086  }
0x1c: {  	p1 =	slt.u32 s9, $0xF7A;
	s5 =	simm.s32 @!p2 $0x0  }
0x1d: {  	s5 =	simm.s32 @p1 $0x1;
	p0 =	seq.s32 s7, s2  }
0x1e: {  	s7 =	smul.u32 @!p0 $0xF7A, s2;
	p2 =	seq.s32 @!p0 s5, $0x0  }
0x1f: {  	s9 =	smul.u32 $0xF7A, s1;
	s8 =	simm.s32 @!p0 $0x1BF5;
	p2 =	por !p2, p0  }
0x20: {  	[sflag:s8] =	ssyncset.s32 @!p0 $0xFFFFF086;
	s6 =	sadd.s32 @!p0 s3, s7;
	s7 =	simm.s32 @!p0 $0x108  }
0x21: {  	s3 =	sadd.s32 s3, s9;
	s6 =	sadd.s32 @!p0 $0x88, s6;
	s7 =	simm.s32 @p2 $0x1082  }
0x22: {  	[simem:s7], [sflag:s8] =	dma.local @!p0 [hbm:s6], $0xF7A  }
0x23: {  	s9 =	sor.u32 $0xD0000000, s2;
	s6 =	simm.s32 $0x108;
	_ =	swait.ge @!p0 [sflag:s8], $0x0  }
0x24: {  	s3 =	sadd.s32 $0x88, s3;
	s6 =	simm.s32 @!p1 $0x1082;
	[sflag:s4] =	ssyncset.s32 $0xFFFFF086  }
0x25: {  	[simem:s6], [sflag:s4] =	dma.local [hbm:s3], $0xF7A  }
0x26: {  	[smem:$0x3F91] =	sst s1;
	(tag) =	ssettag s2;
	_ =	strace s9  }
0x27: {  	s1 =	sld [smem:$0x3FA1]  }
0x28: {  	s2 =	sld [smem:$0x3FA2]  }
0x29: {  	s4 =	sld [smem:$0x3FA4]  }
0x2a: {  	p0 =	seq.s32 s5, $0x0;
	s5 =	sld [smem:$0x3FA5]  }
0x2b: {  	s6 =	sld [smem:$0x3FA6]  }
0x2c: {  	s7 =	sld [smem:$0x3FA7]  }
0x2d: {  	s3 =	simm.s32 $0x108;
	s8 =	sld [smem:$0x3FA8]  }
0x2e: {  	s3 =	simm.s32 @!p0 $0x1082;
	s9 =	sld [smem:$0x3FA9]  }
0x2f: {  	lr =	sadd.s32 s0, s3;
	s0 =	sld [smem:$0x3FA0]  }
0x30: {  	s3 =	sld [smem:$0x3FA3]  }
0x31: {  	[smem:$0x3FAC] =	sst s10  }
0x32: {  	s10 =	sld [smem:$0x3FAA];
	_ =	sdelay $0x3  }
0x33: {  	p0 =	seq.s32 s10, $0x1;
	s10 =	sld [smem:$0x3FAC];
	_ =	sdelay $0x3  }
0x34: {  	[smem:$0x3FAC] =	sst s10  }
0x35: {  	s10 =	sld [smem:$0x3FAB];
	_ =	sdelay $0x3  }
0x36: {  	p1 =	seq.s32 s10, $0x1;
	s10 =	sld [smem:$0x3FAC];
	_ =	sdelay $0x3  }
0x37: {  	[smem:$0x3FAC] =	sst s10  }
0x38: {  	s10 =	sld [smem:$0x3FAD]  }
0x39: {  	_ = 	snop;
	(pc) =	sbr.ind lr, $3  }
0x3a: {  	_ = 	snop  }
0x3b: {  	_ = 	snop  }
0x3c: {  	p2 =	seq.s32 s10, $0x1;
	s10 =	sld [smem:$0x3FAC]  }
0x3d: {  	_ =	shalt  }
0x3e: {  	_ =	shalt  }
0x3f: {  	_ =	shalt  }
0x40: {  	_ =	shalt  }
0x41: {  	_ =	shalt  }
0x42: {  	_ =	shalt  }
0x43: {  	_ =	shalt  }
0x44: {  	_ =	shalt  }
0x45: {  	_ =	shalt  }
0x46: {  	_ =	shalt  }
0x47: {  	_ =	shalt  }
0x48: {  	_ =	shalt  }
0x49: {  	_ =	shalt  }
0x4a: {  	_ =	shalt  }
0x4b: {  	_ =	shalt  }
0x4c: {  	_ =	shalt  }
0x4d: {  	_ =	shalt  }
0x4e: {  	_ =	shalt  }
0x4f: {  	_ =	shalt  }
0x50: {  	_ =	shalt  }
0x51: {  	_ =	shalt  }
0x52: {  	_ =	shalt  }
0x53: {  	_ =	shalt  }
0x54: {  	_ =	shalt  }
0x55: {  	_ =	shalt  }
0x56: {  	_ =	shalt  }
0x57: {  	_ =	shalt  }
0x58: {  	_ =	shalt  }
0x59: {  	_ =	shalt  }
0x5a: {  	_ =	shalt  }
0x5b: {  	_ =	shalt  }
0x5c: {  	_ =	shalt  }
0x5d: {  	_ =	shalt  }
0x5e: {  	_ =	shalt  }
0x5f: {  	_ =	shalt  }
0x60: {  	_ =	shalt  }
0x61: {  	_ =	shalt  }
0x62: {  	_ =	shalt  }
0x63: {  	_ =	shalt  }
0x64: {  	_ =	shalt  }
0x65: {  	_ =	shalt  }
0x66: {  	_ =	shalt  }
0x67: {  	_ =	shalt  }
0x68: {  	_ =	shalt  }
0x69: {  	_ =	shalt  }
0x6a: {  	_ =	shalt  }
0x6b: {  	_ =	shalt  }
0x6c: {  	_ =	shalt  }
0x6d: {  	_ =	shalt  }
0x6e: {  	_ =	shalt  }
0x6f: {  	_ =	shalt  }
0x70: {  	_ =	shalt  }
0x71: {  	_ =	shalt  }
0x72: {  	_ =	shalt  }
0x73: {  	_ =	shalt  }
0x74: {  	_ =	shalt  }
0x75: {  	_ =	shalt  }
0x76: {  	_ =	shalt  }
0x77: {  	_ =	shalt  }
0x78: {  	_ =	shalt  }
0x79: {  	_ =	shalt  }
0x7a: {  	_ =	shalt  }
0x7b: {  	_ =	shalt  }
0x7c: {  	_ =	shalt  }
0x7d: {  	_ =	shalt  }
0x7e: {  	_ =	shalt  }
0x7f: {  	_ =	shalt  }
0x80: {  	_ =	shalt  }
0x81: {  	_ =	shalt  }
0x82: {  	_ =	shalt  }
0x83: {  	_ =	shalt  }
0x84: {  	_ =	shalt  }
0x85: {  	_ =	shalt  }
0x86: {  	_ =	shalt  }
0x87: {  	_ =	shalt  }
.Lfunc_end0:
.L_simem_size_0:
called_computation_lowered:
.L_overlay_start_0:
0x88: {  	s2 =	sld [smem:$0x3FD9]  }
0x89: {  	s3 =	sld [smem:$0x3FFE];
	_ =	sdelay $0x1  }
0x8a: {  	s1 =	srdreg.scid  }
0x8b: {  	s0 =	sand.u32 $0x1, s1  }
0x8c: {  	s16 =	sshll.u32 s0, $0xA;
	s2 =	sadd.s32 s3, s2  }
0x8d: {  	s2 =	sadd.s32 s2, s16  }
0x8e: {  	[smem:$0x3FB8] =	sst s2  }
0x8f: {  	_ = 	snop  }
0x90: {  	(tm) =	ssettm $0x1  }
0x91: {  	s17 =	sld [smem:$0x3FFB];
	_ =	sdelay $0x3  }
0x92: {  	_ =	strace s17  }
0x93: {  	s2 =	sld [smem:$0x3FFC];
	_ =	sdelay $0x3  }
0x94: {  	_ =	strace s2  }
0x95: {  	s2 =	sld [smem:$0x3FFD];
	_ =	sdelay $0x3  }
0x96: {  	_ =	strace s2  }
0x97: {  	_ =	strace $0x8FFFFFFF  }
0x98: {  	s18 =	sld [smem:$0x3FDB];
	_ =	sdelay $0x1  }
0x99: {  	s19 =	simm.s32 $_scs_section_size  }
0x9a: {  	s4 =	simm.s32 $_size__tile_overlayer_lowered;
	s5 =	simm.s32 $_tile_overlayer_lowered  }
0x9b: {  	s22 =	simm.s32 $0x1BFF;
	s21 =	sshll.u32 s5, $0x1;
	s2 =	sadd.s32 s19, s18  }
0x9c: {  	s6 =	simm.s32 $0x0;
	s20 =	sshll.u32 s4, $0x1;
	s4 =	sadd.s32 s21, s2  }
0x9d: {  	[timem:s6], [sflag:s22] =	dma.local [hbm:s4], s20  }
0x9e: {  	_ =	swait.ge [sflag:s22], s20  }
0x9f: {  	s3 =	ssub.s32 $0x0, s20;
	[sflag:s22] =	ssyncset.done $0x0  }
0xa0: {  	[sflag:s22] =	ssyncadd.s32 s3;
	_ =	sdelay $0x1  }
0xa1: {  	s23 =	simm.s32 $0x1B8B  }
0xa2: {  	_ =	swait.ge [sflag:s23], $0x1  }
0xa3: {  	[sflag:s23] =	ssyncset.done $0x0  }
0xa4: {  	s25 =	simm.s32 $0x1B8E;
	s24 =	sld [smem:$0x3FFE];
	[sflag:s23] =	ssyncadd.s32 $0xFFFFFFFF  }
0xa5: {  	s26 =	simm.s32 $execute0_lowered;
	[smem:$0x3FD2] =	sst s25  }
0xa6: {  	s4 =	sshll.u32 s26, $0x1;
	_ =	strace $0x80000046;
	[dreg:$0x1] =	wrdreg $0xFFFFFFFF  }
0xa7: {  	s28 =	simm.s32 $_size_execute0_lowered;
	s2 =	sadd.s32 s2, s4;
	[dreg:$0x0] =	wrdreg $0x0  }
0xa8: {  	s4 =	sshll.u32 s28, $0x1;
	[dreg:$0x2] =	wrdreg s2  }
0xa9: {  	[dreg:$0x3] =	wrdreg s4  }
0xaa: {  	[dreg:$0x4] =	wrdreg $0xC0  }
0xab: {  	_ =	task [dreg:s6], $0x5FFFF  }
0xac: {  	[dreg:$0x1] =	wrdreg $0xFFFFFFFF  }
0xad: {  	[dreg:$0x0] =	wrdreg $0x60  }
0xae: {  	[dreg:$0x2] =	wrdreg s24  }
0xaf: {  	[dreg:$0x3] =	wrdreg $0xA1000  }
0xb0: {  	[dreg:$0x4] =	wrdreg $0x9  }
0xb1: {  	_ =	task.clear_ibuf [dreg:s6], $0x5FFFF;
	_ =	strace $0x90000046  }
0xb2: {  	s29 =	simm.s32 $0x9;
	_ =	strace $0x80000048  }
0xb3: {  	_ =	swait.ge [sflag:s29], $0x1  }
0xb4: {  	[sflag:s29] =	ssyncadd.s32 $0xFFFFFFFF  }
0xb5: {  	_ =	strace $0x90000048  }
0xb6: {  	_ =	sfence  }
0xb7: {  	s30 =	sld [smem:$0x0];
	_ =	sdelay $0x2  }
0xb8: {  	s31 =	sshll.u32 s1, $0xD;
	s1 =	sshrl.u32 s1, $0x2  }
0xb9: {  	s3 =	sand.u32 $0x4000, s31;
	s1 =	sadd.s32 s1, s30  }
0xba: {  	s0 =	sor.u32 s3, s0;
	s1 =	sshll.u32 s1, $0x11  }
0xbb: {  	s0 =	sor.u32 s1, s0  }
0xbc: {  	s0 =	sadd.s32 $0x8F2B, s0  }
0xbd: {  	[sflag:s0] =	ssyncadd.remote.s32 $0x1  }
0xbe: {  	_ =	sfence.sel $0xFFFF  }
0xbf: {  	[dreg:$0x0] =	wrdreg $0xFFFFFFFF;
	(pc) =	sbr.abs _section_cstart, $3  }
0xc0: {  	[dreg:$0x1] =	wrdreg $0xFFFFFFFF  }
0xc1: {  	_ =	task.clear_ibuf [dreg:s6], $0x2FFFF;
	_ =	strace $0x9FFFFFFF  }
0xc2: {  	(tm) =	ssettm $0x7FFFFFFF  }
0xc3: {  	_ =	shalt  }
tec
execute0_lowered:
.L_overlay_start_1:
0x0: {  	(tag) =	ssettag $0x1  }
0x1: {  	s0 =	rddreg [dreg:$0x0]  }
0x2: {  	s1 =	rddreg [dreg:$0x1];
	s2 =	simm.s32 $0x0  }
0x3: {  	s10 =	srdreg.scid;
	s6 =	stileid.u32;
	s28 =	simm.s32 $0x50  }
0x4: {  	s29 =	simm.s32 $0x100;
	s30 =	simm.s32 $0x2900;
	s31 =	simm.s32 $0x5100  }
0x5: {  	[smem:$0x7FF] =	sst s2;
	s3 =	sadd.s32 $0x93600, s0;
	s4 =	sadd.s32 $0x45200, s0  }
0x6: {  	s5 =	sadd.s32 $0x6C400, s0;
	s7 =	sadd.s32 $0x1E000, s0;
	s8 =	sadd.s32 $0x12A00, s0  }
0x7: {  	s13 =	sand.u32 $0x1, s10;
	s10 =	sadd.s32 $0x108C00, s0;
	s12 =	smul.u32 $0x2780, s6  }
0x8: {  	s9 =	sadd.s32 $0x8C00, s0;
	s11 =	sadd.s32 $0x5EAC00, s0;
	s16 =	smul.u32 $0x4F000, s6  }
0x9: {  	s19 =	simm.s32 $0x0;
	s22 =	sadd.s32 $0x106A80, s0;
	s24 =	sadd.s32 $0xAF1C80, s0  }
0xa: {  	p0 =	seq.s32 s6, $0xF;
	_ =	strace $0x80000047;
	[dreg:$0x4] =	wrdreg s22  }
0xb: {  	s14 =	ssub.s32 $0x2, s13;
	s20 =	sshll.u32 s13, $0x4;
	[dreg:$0x6] =	wrdreg s24  }
0xc: {  	p4 =	seq.s32 s13, $0x1;
	s15 =	sshrl.u32 s14, $0x1;
	s17 =	sadd.s32 s12, s0  }
0xd: {  	s21 =	sor.u32 s6, s20;
	s16 =	sshrl.u32 s16, $0x2;
	s12 =	sadd.s32 $0x128400, s1  }
0xe: {  	s0 =	sadd.s32 $0xB18E80, s0;
	p2 =	seq.s32 @p4 s6, $0xF;
	p5 =	seq.s32 @!p4 s6, $0xF  }
0xf: {  	s14 =	ssub.s32 s14, s15;
	s18 =	sadd.s32 $0xE1A00, s17;
	s15 =	smul.u32 $0x2710, s21  }
0x10: {  	s16 =	sadd.s32 s16, s1;
	s23 =	sadd.s32 $0xACCC00, s17;
	s25 =	sadd.s32 $0xAF3E00, s17  }
0x11: {  	[dreg:$0x8] =	wrdreg s0;
	s0 =	sshll.u32 @!p0 s6, $0x6;
	s13 =	sshrl.u32 @p0 s12, $0x3  }
0x12: {  	p1 =	por !p2, !p4;
	p2 =	por p2, !p4;
	[dreg:$0x3] =	wrdreg s18  }
0x13: {  	p3 =	por !p5, p4;
	p4 =	por p5, p4;
	[dreg:$0x5] =	wrdreg s23  }
0x14: {  	s17 =	simm.s32 $0x3;
	[dreg:$0x7] =	wrdreg s25;
	s26 =	smax.u32 s14, $0x1  }
0x15: {  	[dreg:$0xa] =	wrdreg s13;
	s0 =	sor.u32 @!p0 $0x1C05, s0;
	s25 =	simm.s32 $0x5  }
0x16: {  	s13 =	simm.s32 $0x1;
	s14 =	simm.s32 $0x2;
	[dreg:$0x9] =	wrdreg s26  }
0x17: {  	s18 =	simm.s32 $0x4;
	[dreg:$0xb] =	wrdreg s0;
	s0 =	sshrl.u32 @!p0 s16, $0x3  }
0x18: {  	s26 =	simm.s32 $0x80;
	[dreg:$0xc] =	wrdreg s0;
	s0 =	simm.s32 $0x7900  }
.LBB2_1:
0x19: {  	s21 =	rddreg [dreg:$0x4]  }
0x1a: {  	s20 =	simm.s32 @p0 $0x1FC5;
	s22 =	rddreg [dreg:$0xa]  }
0x1b: {  	[spmem:s22], [sflag:s20] =	dma.local @p0 [hbm:s21], $0x2080  }
0x1c: {  	s20 =	simm.s32 @p0 $0x5  }
0x1d: {  	_ =	swait.ge @p0 [sflag:s20], $0x2080  }
0x1e: {  	s21 =	rddreg [dreg:$0xb]  }
0x1f: {  	[sflag:s20] =	ssyncset.done @p0 $0x0;
	s22 =	rddreg [dreg:$0xc]  }
0x20: {  	[sflag:s20] =	ssyncadd.s32 @p0 $0xFFFFDF80;
	s20 =	rddreg [dreg:$0x3]  }
0x21: {  	[spmem:s22], [sflag:s21] =	dma.local @!p0 [hbm:s20], $0x2780  }
0x22: {  	s20 =	simm.s32 @!p0 $0x5  }
0x23: {  	_ =	swait.ge @!p0 [sflag:s20], $0x2780  }
0x24: {  	[sflag:s20] =	ssyncset.done @!p0 $0x0  }
0x25: {  	[sflag:s20] =	ssyncadd.s32 @!p0 $0xFFFFD880  }
0x26: {  	s20 =	simm.s32 $0x0;
	[bflag:$0x0] =	sbarrier.arrive $0xFFFF  }
.LBB2_2:
0x27: {  	s21 =	smul.u32 $0x50, s20;
	_ =	sdelay $0x1  }
0x28: {  	s21 =	sadd.s32 s15, s21  }
0x29: {  	s22 =	sshrl.u32 s21, $0x3  }
0x2a: {  	s24 =	simm.s32 $0x0;
	s23 =	sadd.s32 s8, s22  }
0x2b: {  	[tilespmem:s24], [sflag:$0x5] =	stream.linear.gather [hbm4b:s23+s24], $0x50, $0x38;
	[tilespmem:$0x1D980] =	vst v63  }
0x2c: {  	_ =	swait.ge [sflag:s25], $0x50  }
0x2d: {  	[sflag:s25] =	ssyncset.done $0x0  }
0x2e: {  	s22 =	sadd.s32 s9, s22;
	[sflag:s25] =	ssyncadd.s32 $0xFFFFFFB0  }
0x2f: {  	[tilespmem:s26], [sflag:$0x5] =	stream.linear.gather [hbm4b:s22+s24], $0x50, $0x38;
	[tilespmem:$0x1D980] =	vst v63  }
0x30: {  	_ =	swait.ge [sflag:s25], $0x50  }
0x31: {  	[sflag:s25] =	ssyncset.done $0x0  }
0x32: {  	[sflag:s25] =	ssyncadd.s32 $0xFFFFFFB0  }
0x33: {  	[tilespmem:s29], [sflag:$0x1] =	stream.indirect.gather [hbm4b:s5+s28], $0x80, s24, s28, $0xb8;
	[tilespmem:$0x1D980] =	vst v63  }
0x34: {  	_ = 	snop  }
0x35: {  	[tilespmem:s30], [sflag:$0x2] =	stream.indirect.gather [hbm4b:s7+s28], $0x80, s26, s28, $0xb8;
	[tilespmem:$0x1D980] =	vst v63  }
0x36: {  	_ = 	snop  }
0x37: {  	[tilespmem:s31], [sflag:$0x3] =	stream.indirect.gather [hbm4b:s3+s28], $0x80, s24, s28, $0xb8;
	[tilespmem:$0x1D980] =	vst v63  }
0x38: {  	_ = 	snop  }
0x39: {  	[tilespmem:s0], [sflag:$0x4] =	stream.indirect.gather [hbm4b:s4+s28], $0x80, s26, s28, $0xb8;
	[tilespmem:$0x1D980] =	vst v63  }
0x3a: {  	_ =	swait.ge [sflag:s13], $0x2800  }
0x3b: {  	[sflag:s13] =	ssyncset.done $0x0  }
0x3c: {  	[sflag:s13] =	ssyncadd.s32 $0xFFFFD800  }
0x3d: {  	_ =	swait.ge [sflag:s14], $0x2800  }
0x3e: {  	[sflag:s14] =	ssyncset.done $0x0  }
0x3f: {  	[sflag:s14] =	ssyncadd.s32 $0xFFFFD800  }
0x40: {  	_ =	swait.ge [sflag:s17], $0x2800  }
0x41: {  	[sflag:s17] =	ssyncset.done $0x0  }
0x42: {  	[sflag:s17] =	ssyncadd.s32 $0xFFFFD800  }
0x43: {  	_ =	swait.ge [sflag:s18], $0x2800  }
0x44: {  	[sflag:s18] =	ssyncset.done $0x0  }
0x45: {  	s22 =	simm.s32 $0x0;
	[sflag:s18] =	ssyncadd.s32 $0xFFFFD800  }
0x46: {  	v6 =	vld [tilespmem:s22+$0x2900]  }
0x47: {  	v7 =	vld [tilespmem:s22+$0x7900]  }
0x48: {  	v8 =	vld [tilespmem:s22+$0x2910]  }
0x49: {  	v9 =	vld [tilespmem:s22+$0x7910]  }
0x4a: {  	v10 =	vld [tilespmem:s22+$0x2920]  }
0x4b: {  	v11 =	vld [tilespmem:s22+$0x7920]  }
0x4c: {  	v12 =	vld [tilespmem:s22+$0x2930]  }
0x4d: {  	v13 =	vld [tilespmem:s22+$0x7930]  }
0x4e: {  	v14 =	vld [tilespmem:s22+$0x2940]  }
0x4f: {  	v15 =	vld [tilespmem:s22+$0x7940]  }
0x50: {  	v5 =	vld [tilespmem:s22+$0x2950]  }
0x51: {  	v4 =	vld [tilespmem:s22+$0x7950]  }
0x52: {  	v3 =	vld [tilespmem:s22+$0x2960]  }
0x53: {  	v2 =	vld [tilespmem:s22+$0x7960]  }
0x54: {  	v1 =	vld [tilespmem:s22+$0x2970]  }
0x55: {  	v0 =	vld [tilespmem:s22+$0x7970]  }
0x56: {  	v16 =	vld [tilespmem:s22+$0x100]  }
0x57: {  	v17 =	vld [tilespmem:s22+$0x5100]  }
0x58: {  	v18 =	vld [tilespmem:s22+$0x110]  }
0x59: {  	v19 =	vld [tilespmem:s22+$0x5110]  }
0x5a: {  	v20 =	vld [tilespmem:s22+$0x120]  }
0x5b: {  	v60 =	vld [tilespmem:s22+$0x5120];
	v6 =	vadd.f32 v6, v16  }
0x5c: {  	v21 =	vld [tilespmem:s22+$0x130];
	v7 =	vadd.f32 v7, v17  }
0x5d: {  	v61 =	vld [tilespmem:s22+$0x5130];
	[tilespmem:s22+$0x100] =	vst v6;
	v6 =	vadd.f32 v8, v18  }
0x5e: {  	v62 =	vld [tilespmem:s22+$0x140];
	[tilespmem:s22+$0x5100] =	vst v7;
	v7 =	vadd.f32 v9, v19  }
0x5f: {  	v63 =	vld [tilespmem:s22+$0x5140];
	[tilespmem:s22+$0x110] =	vst v6;
	v6 =	vadd.f32 v10, v20  }
0x60: {  	v8 =	vadd.f32 v11, v60;
	[tilespmem:s22+$0x5110] =	vst v7;
	v7 =	vld [tilespmem:s22+$0x150]  }
0x61: {  	v9 =	vadd.f32 v12, v21;
	[tilespmem:s22+$0x120] =	vst v6;
	v6 =	vld [tilespmem:s22+$0x5150]  }
0x62: {  	[tilespmem:s22+$0x5120] =	vst v8;
	v8 =	vld [tilespmem:s22+$0x160];
	v10 =	vadd.f32 v13, v61  }
0x63: {  	v12 =	vadd.f32 v14, v62;
	[tilespmem:s22+$0x130] =	vst v9;
	v9 =	vld [tilespmem:s22+$0x5160]  }
0x64: {  	s23 =	simm.s32 $0x200;
	v11 =	vadd.f32 v15, v63;
	[tilespmem:s22+$0x5130] =	vst v10;
	v10 =	vld [tilespmem:s22+$0x170]  }
.LBB2_3:
0x65: {  	s24 =	sshra.s32 s23, $0x2;
	p5 =	sne.s32 s23, $0x9E00;
	[tilespmem:s22+$0x140] =	vst v12;
	v5 =	vadd.f32 v5, v7;
	v7 =	vld [tilespmem:s22+$0x5170]  }
0x66: {  	v12 =	vld [tilespmem:s24+$0x2900];
	[tilespmem:s22+$0x5140] =	vst v11;
	v4 =	vadd.f32 v4, v6  }
0x67: {  	v6 =	vld [tilespmem:s24+$0x7900];
	[tilespmem:s22+$0x150] =	vst v5;
	v3 =	vadd.f32 v3, v8  }
0x68: {  	v8 =	vld [tilespmem:s24+$0x2910];
	[tilespmem:s22+$0x5150] =	vst v4;
	v2 =	vadd.f32 v2, v9  }
0x69: {  	v9 =	vld [tilespmem:s24+$0x7910];
	[tilespmem:s22+$0x160] =	vst v3;
	v1 =	vadd.f32 v1, v10  }
0x6a: {  	v10 =	vld [tilespmem:s24+$0x2920];
	[tilespmem:s22+$0x5160] =	vst v2;
	v0 =	vadd.f32 v0, v7  }
0x6b: {  	v7 =	vld [tilespmem:s24+$0x7920];
	[tilespmem:s22+$0x170] =	vst v1  }
0x6c: {  	v11 =	vld [tilespmem:s24+$0x2930];
	[tilespmem:s22+$0x5170] =	vst v0;
	s22 =	smov.u32 s24  }
0x6d: {  	v13 =	vld [tilespmem:s22+$0x7930]  }
0x6e: {  	v14 =	vld [tilespmem:s22+$0x2940]  }
0x6f: {  	v15 =	vld [tilespmem:s22+$0x7940]  }
0x70: {  	v5 =	vld [tilespmem:s22+$0x2950]  }
0x71: {  	v4 =	vld [tilespmem:s22+$0x7950]  }
0x72: {  	v3 =	vld [tilespmem:s22+$0x2960]  }
0x73: {  	v2 =	vld [tilespmem:s22+$0x7960]  }
0x74: {  	v1 =	vld [tilespmem:s22+$0x2970]  }
0x75: {  	v0 =	vld [tilespmem:s22+$0x7970]  }
0x76: {  	v16 =	vld [tilespmem:s22+$0x100]  }
0x77: {  	v17 =	vld [tilespmem:s22+$0x5100]  }
0x78: {  	v18 =	vld [tilespmem:s22+$0x110]  }
0x79: {  	v19 =	vld [tilespmem:s22+$0x5110]  }
0x7a: {  	v20 =	vld [tilespmem:s22+$0x120]  }
0x7b: {  	v12 =	vadd.f32 v12, v16;
	v16 =	vld [tilespmem:s22+$0x5120]  }
0x7c: {  	v6 =	vadd.f32 v6, v17;
	v17 =	vld [tilespmem:s22+$0x130]  }
0x7d: {  	[tilespmem:s22+$0x100] =	vst v12;
	v8 =	vadd.f32 v8, v18;
	v12 =	vld [tilespmem:s22+$0x5130]  }
0x7e: {  	[tilespmem:s22+$0x5100] =	vst v6;
	v6 =	vadd.f32 v9, v19;
	v9 =	vld [tilespmem:s22+$0x140]  }
0x7f: {  	[tilespmem:s22+$0x110] =	vst v8;
	v8 =	vadd.f32 v10, v20;
	v10 =	vld [tilespmem:s22+$0x5140]  }
.Ltmp0:
0x80: {  	[tilespmem:s22+$0x5110] =	vst v6;
	v16 =	vadd.f32 v7, v16;
	v7 =	vld [tilespmem:s22+$0x150];
	(pc) =	sbr.rel @p5 .LBB2_3-.Ltmp0, $4  }
0x81: {  	[tilespmem:s22+$0x120] =	vst v8;
	v11 =	vadd.f32 v11, v17;
	v6 =	vld [tilespmem:s22+$0x5150]  }
0x82: {  	[tilespmem:s22+$0x5120] =	vst v16;
	v13 =	vadd.f32 v13, v12;
	v8 =	vld [tilespmem:s22+$0x160]  }
0x83: {  	[tilespmem:s22+$0x130] =	vst v11;
	v12 =	vadd.f32 v14, v9;
	v9 =	vld [tilespmem:s22+$0x5160]  }
0x84: {  	s23 =	sadd.s32 $0x200, s23;
	[tilespmem:s22+$0x5130] =	vst v13;
	v11 =	vadd.f32 v15, v10;
	v10 =	vld [tilespmem:s22+$0x170]  }
0x85: {  	[tilespmem:s22+$0x140] =	vst v12;
	v5 =	vadd.f32 v5, v7;
	v63 =	vld [tilespmem:s22+$0x5170]  }
0x86: {  	[tilespmem:s22+$0x5140] =	vst v11;
	v4 =	vadd.f32 v4, v6  }
0x87: {  	[tilespmem:s22+$0x150] =	vst v5;
	v3 =	vadd.f32 v3, v8  }
0x88: {  	[tilespmem:s22+$0x5150] =	vst v4;
	v2 =	vadd.f32 v2, v9  }
0x89: {  	[tilespmem:s22+$0x160] =	vst v3;
	v1 =	vadd.f32 v1, v10  }
0x8a: {  	[tilespmem:s22+$0x5160] =	vst v2;
	v0 =	vadd.f32 v0, v63  }
0x8b: {  	[tilespmem:s22+$0x170] =	vst v1  }
0x8c: {  	[tilespmem:s22+$0x5170] =	vst v0  }
0x8d: {  	[spmem:s1] =	stream.indirect.scatter.add.f32 [tilespmem:s31], [sflag:$0x5], $0x80, s26, s28, $0xb8;
	[tilespmem:$0x1D980] =	vst v63  }
0x8e: {  	_ =	swait.ge [sflag:s25], $0x2800  }
0x8f: {  	s21 =	sshll.u32 s21, $0x4;
	[sflag:s25] =	ssyncset.done $0x0  }
0x90: {  	s24 =	sadd.s32 s11, s21;
	[sflag:s25] =	ssyncadd.s32 $0xFFFFD800  }
0x91: {  	[hbm4b:s24+s2] =	stream.linear.scatter [tilespmem:s29], [sflag:$0x5], $0x2800, $0x38;
	[tilespmem:$0x1D980] =	vst v63  }
0x92: {  	s20 =	sadd.s32 $0x1, s20;
	_ =	swait.ge [sflag:s25], $0x2800  }
0x93: {  	p5 =	sne.s32 s20, $0x7D;
	[sflag:s25] =	ssyncset.done $0x0  }
.Ltmp1:
0x94: {  	s21 =	sadd.s32 s10, s21;
	[sflag:s25] =	ssyncadd.s32 $0xFFFFD800;
	(pc) =	sbr.rel @p5 .LBB2_2-.Ltmp1, $4  }
0x95: {  	[hbm4b:s21+s2] =	stream.linear.scatter [tilespmem:s31], [sflag:$0x5], $0x2800, $0x38;
	[tilespmem:$0x1D980] =	vst v63  }
0x96: {  	_ =	swait.ge [sflag:s25], $0x2800  }
0x97: {  	[sflag:s25] =	ssyncset.done $0x0  }
0x98: {  	[sflag:s25] =	ssyncadd.s32 $0xFFFFD800  }
0x99: {  	[bflag:$0x0] =	sbarrier.arrive $0xFFFF  }
0x9a: {  	s20 =	sshrl.u32 @!p1 s12, $0x3;
	s21 =	simm.s32 @!p1 $0x1FC5;
	s22 =	rddreg [dreg:$0x8]  }
0x9b: {  	[hbm:s22], [sflag:s21] =	dma.local @!p1 [spmem:s20], $0x2080  }
0x9c: {  	s20 =	simm.s32 @!p1 $0x5  }
0x9d: {  	_ =	swait.ge @!p1 [sflag:s20], $0x2080  }
0x9e: {  	s21 =	sshll.u32 @!p2 s6, $0x6;
	[sflag:s20] =	ssyncset.done @!p1 $0x0;
	s22 =	rddreg [dreg:$0x7]  }
0x9f: {  	[sflag:s20] =	ssyncadd.s32 @!p1 $0xFFFFDF80;
	s20 =	sor.u32 @!p2 $0x1C05, s21;
	s21 =	sshrl.u32 @!p2 s16, $0x3  }
0xa0: {  	[hbm:s22], [sflag:s20] =	dma.local @!p2 [spmem:s21], $0x2780  }
0xa1: {  	s20 =	simm.s32 @!p2 $0x5  }
0xa2: {  	_ =	swait.ge @!p2 [sflag:s20], $0x2780  }
0xa3: {  	s21 =	simm.s32 @!p3 $0x1FC5;
	[sflag:s20] =	ssyncset.done @!p2 $0x0  }
0xa4: {  	s22 =	rddreg [dreg:$0x6];
	[sflag:s20] =	ssyncadd.s32 @!p2 $0xFFFFD880;
	s20 =	sshrl.u32 @!p3 s12, $0x3  }
0xa5: {  	[hbm:s22], [sflag:s21] =	dma.local @!p3 [spmem:s20], $0x2080  }
0xa6: {  	s20 =	simm.s32 @!p3 $0x5  }
0xa7: {  	_ =	swait.ge @!p3 [sflag:s20], $0x2080  }
0xa8: {  	s21 =	sshll.u32 @!p4 s6, $0x6;
	[sflag:s20] =	ssyncset.done @!p3 $0x0;
	s22 =	rddreg [dreg:$0x5]  }
0xa9: {  	[sflag:s20] =	ssyncadd.s32 @!p3 $0xFFFFDF80;
	s20 =	sor.u32 @!p4 $0x1C05, s21;
	s21 =	sshrl.u32 @!p4 s16, $0x3  }
0xaa: {  	[hbm:s22], [sflag:s20] =	dma.local @!p4 [spmem:s21], $0x2780  }
0xab: {  	s20 =	simm.s32 @!p4 $0x5  }
0xac: {  	_ =	swait.ge @!p4 [sflag:s20], $0x2780  }
0xad: {  	s19 =	sadd.s32 $0x1, s19;
	s24 =	rddreg [dreg:$0x9]  }
0xae: {  	p5 =	sne.s32 s19, s24  }
.Ltmp2:
0xaf: {  	_ = 	snop;
	(pc) =	sbr.rel @p5 .LBB2_1-.Ltmp2, $3  }
0xb0: {  	_ =	sdelay $0x1  }
0xb1: {  	[sflag:s20] =	ssyncset.done @!p4 $0x0  }
0xb2: {  	[sflag:s20] =	ssyncadd.s32 @!p4 $0xFFFFD880  }
0xb3: {  	_ =	sfence.sel $0x180000  }
0xb4: {  	[bflag:$0x0] =	sbarrier.arrive $0xFFFF  }
0xb5: {  	_ =	strace $0x90000047  }
0xb6: {  	[bflag:$0x2] =	sbarrier.arrive $0xFFFF  }
0xb7: {  	p0 =	sne.s32 s6, $0x0;
	s0 =	rddreg [dreg:$0x2]  }
0xb8: {  	s0 =	sadd.s32 @!p0 $0x100000, s0  }
0xb9: {  	[sflag:s0] =	ssyncadd.tile.s32 @!p0 $0x1;
	_ =	shalt  }
.Lfunc_end2:
_tile_overlayer_lowered:
.L_overlay_start_2:
0xba: {  	(tag) =	ssettag $0x2  }
0xbb: {  	s0 =	rddreg [dreg:$0x0];
	s2 =	stileid.u32  }
0xbc: {  	s1 =	rddreg [dreg:$0x1];
	p0 =	sne.s32 s2, $0x0  }
0xbd: {  	s3 =	rddreg [dreg:$0x2];
	[bflag:$0x3] =	sbarrier.arrive $0xFFFF;
	s2 =	simm.s32 @!p0 $0x1C05  }
0xbe: {  	[timem:s3], [sflag:s2] =	dma.local @!p0 [hbm:s0], s1  }
0xbf: {  	s0 =	simm.s32 @!p0 $0x5  }
0xc0: {  	_ =	swait.ge @!p0 [sflag:s0], s1  }
0xc1: {  	s1 =	ssub.s32 @!p0 $0x0, s1;
	[sflag:s0] =	ssyncset.done @!p0 $0x0  }
0xc2: {  	[sflag:s0] =	ssyncadd.s32 @!p0 s1  }
0xc3: {  	[bflag:$0x3] =	sbarrier.arrive $0xFFFF  }
0xc4: {  	_ =	shalt  }

// kernel: kernel.16.cloned.1.call-start
scs
__scs_entry_jumppad:
0x0: {  	(pc) =	sbr.rel $0x88, $3  }
0x1: {  	(tag) =	ssettag $0x0;
	lr =	simm.s32 $0x1  }
0x2: {  	[smem:$0x3F91] =	sst lr;
	_ =	strace $0xD0000000  }
0x3: {  	_ = 	snop  }
0x4: {  	_ = 	snop  }
0x5: {  	_ = 	snop  }
0x6: {  	_ = 	snop  }
0x7: {  	_ = 	snop  }
__scs_overlays_trampoline_lowered:
0x8: {  	[smem:$0x3FA0] =	sst s0  }
0x9: {  	[smem:$0x3FA1] =	sst s1  }
0xa: {  	[smem:$0x3FA2] =	sst s2  }
0xb: {  	[smem:$0x3FA3] =	sst s3  }
0xc: {  	[smem:$0x3FA4] =	sst s4  }
0xd: {  	[smem:$0x3FA5] =	sst s5  }
0xe: {  	[smem:$0x3FA6] =	sst s6  }
0xf: {  	[smem:$0x3FA7] =	sst s7  }
0x10: {  	[smem:$0x3FA8] =	sst s8  }
0x11: {  	[smem:$0x3FA9] =	sst s9;
	s0 =	simm.s32 @!p0 $0x0  }
0x12: {  	s1 =	sld [smem:$0x3F8F];
	s0 =	simm.s32 @p0 $0x1  }
0x13: {  	[smem:$0x3FAA] =	sst s0;
	s0 =	simm.s32 @!p1 $0x0  }
0x14: {  	s2 =	sld [smem:$0x3F8E];
	s0 =	simm.s32 @p1 $0x1  }
0x15: {  	[smem:$0x3FAB] =	sst s0;
	s0 =	simm.s32 @!p2 $0x0  }
0x16: {  	s3 =	sld [smem:$0x3FDB];
	s0 =	simm.s32 @p2 $0x1  }
0x17: {  	s4 =	simm.s32 $0x1BF5;
	[smem:$0x3FAD] =	sst s0  }
0x18: {  	s0 =	sld [smem:$0x3F90];
	_ =	swait.ge [sflag:s4], $0x0  }
0x19: {  	s7 =	sld [smem:$0x3F91]  }
0x1a: {  	s8 =	sadd.s32 $0xFFFFE003, lr  }
0x1b: {  	s9 =	sadd.s32 $0xFFFFFEF7, lr;
	s5 =	simm.s32 $0xFFFFFFFF;
	p2 =	slt.u32 s8, $0xFFFFF086  }
0x1c: {  	p1 =	slt.u32 s9, $0xF7A;
	s5 =	simm.s32 @!p2 $0x0  }
0x1d: {  	s5 =	simm.s32 @p1 $0x1;
	p0 =	seq.s32 s7, s2  }
0x1e: {  	s7 =	smul.u32 @!p0 $0xF7A, s2;
	p2 =	seq.s32 @!p0 s5, $0x0  }
0x1f: {  	s9 =	smul.u32 $0xF7A, s1;
	s8 =	simm.s32 @!p0 $0x1BF5;
	p2 =	por !p2, p0  }
0x20: {  	[sflag:s8] =	ssyncset.s32 @!p0 $0xFFFFF086;
	s6 =	sadd.s32 @!p0 s3, s7;
	s7 =	simm.s32 @!p0 $0x108  }
0x21: {  	s3 =	sadd.s32 s3, s9;
	s6 =	sadd.s32 @!p0 $0x88, s6;
	s7 =	simm.s32 @p2 $0x1082  }
0x22: {  	[simem:s7], [sflag:s8] =	dma.local @!p0 [hbm:s6], $0xF7A  }
0x23: {  	s9 =	sor.u32 $0xD0000000, s2;
	s6 =	simm.s32 $0x108;
	_ =	swait.ge @!p0 [sflag:s8], $0x0  }
0x24: {  	s3 =	sadd.s32 $0x88, s3;
	s6 =	simm.s32 @!p1 $0x1082;
	[sflag:s4] =	ssyncset.s32 $0xFFFFF086  }
0x25: {  	[simem:s6], [sflag:s4] =	dma.local [hbm:s3], $0xF7A  }
0x26: {  	[smem:$0x3F91] =	sst s1;
	(tag) =	ssettag s2;
	_ =	strace s9  }
0x27: {  	s1 =	sld [smem:$0x3FA1]  }
0x28: {  	s2 =	sld [smem:$0x3FA2]  }
0x29: {  	s4 =	sld [smem:$0x3FA4]  }
0x2a: {  	p0 =	seq.s32 s5, $0x0;
	s5 =	sld [smem:$0x3FA5]  }
0x2b: {  	s6 =	sld [smem:$0x3FA6]  }
0x2c: {  	s7 =	sld [smem:$0x3FA7]  }
0x2d: {  	s3 =	simm.s32 $0x108;
	s8 =	sld [smem:$0x3FA8]  }
0x2e: {  	s3 =	simm.s32 @!p0 $0x1082;
	s9 =	sld [smem:$0x3FA9]  }
0x2f: {  	lr =	sadd.s32 s0, s3;
	s0 =	sld [smem:$0x3FA0]  }
0x30: {  	s3 =	sld [smem:$0x3FA3]  }
0x31: {  	[smem:$0x3FAC] =	sst s10  }
0x32: {  	s10 =	sld [smem:$0x3FAA];
	_ =	sdelay $0x3  }
0x33: {  	p0 =	seq.s32 s10, $0x1;
	s10 =	sld [smem:$0x3FAC];
	_ =	sdelay $0x3  }
0x34: {  	[smem:$0x3FAC] =	sst s10  }
0x35: {  	s10 =	sld [smem:$0x3FAB];
	_ =	sdelay $0x3  }
0x36: {  	p1 =	seq.s32 s10, $0x1;
	s10 =	sld [smem:$0x3FAC];
	_ =	sdelay $0x3  }
0x37: {  	[smem:$0x3FAC] =	sst s10  }
0x38: {  	s10 =	sld [smem:$0x3FAD]  }
0x39: {  	_ = 	snop;
	(pc) =	sbr.ind lr, $3  }
0x3a: {  	_ = 	snop  }
0x3b: {  	_ = 	snop  }
0x3c: {  	p2 =	seq.s32 s10, $0x1;
	s10 =	sld [smem:$0x3FAC]  }
0x3d: {  	_ =	shalt  }
0x3e: {  	_ =	shalt  }
0x3f: {  	_ =	shalt  }
0x40: {  	_ =	shalt  }
0x41: {  	_ =	shalt  }
0x42: {  	_ =	shalt  }
0x43: {  	_ =	shalt  }
0x44: {  	_ =	shalt  }
0x45: {  	_ =	shalt  }
0x46: {  	_ =	shalt  }
0x47: {  	_ =	shalt  }
0x48: {  	_ =	shalt  }
0x49: {  	_ =	shalt  }
0x4a: {  	_ =	shalt  }
0x4b: {  	_ =	shalt  }
0x4c: {  	_ =	shalt  }
0x4d: {  	_ =	shalt  }
0x4e: {  	_ =	shalt  }
0x4f: {  	_ =	shalt  }
0x50: {  	_ =	shalt  }
0x51: {  	_ =	shalt  }
0x52: {  	_ =	shalt  }
0x53: {  	_ =	shalt  }
0x54: {  	_ =	shalt  }
0x55: {  	_ =	shalt  }
0x56: {  	_ =	shalt  }
0x57: {  	_ =	shalt  }
0x58: {  	_ =	shalt  }
0x59: {  	_ =	shalt  }
0x5a: {  	_ =	shalt  }
0x5b: {  	_ =	shalt  }
0x5c: {  	_ =	shalt  }
0x5d: {  	_ =	shalt  }
0x5e: {  	_ =	shalt  }
0x5f: {  	_ =	shalt  }
0x60: {  	_ =	shalt  }
0x61: {  	_ =	shalt  }
0x62: {  	_ =	shalt  }
0x63: {  	_ =	shalt  }
0x64: {  	_ =	shalt  }
0x65: {  	_ =	shalt  }
0x66: {  	_ =	shalt  }
0x67: {  	_ =	shalt  }
0x68: {  	_ =	shalt  }
0x69: {  	_ =	shalt  }
0x6a: {  	_ =	shalt  }
0x6b: {  	_ =	shalt  }
0x6c: {  	_ =	shalt  }
0x6d: {  	_ =	shalt  }
0x6e: {  	_ =	shalt  }
0x6f: {  	_ =	shalt  }
0x70: {  	_ =	shalt  }
0x71: {  	_ =	shalt  }
0x72: {  	_ =	shalt  }
0x73: {  	_ =	shalt  }
0x74: {  	_ =	shalt  }
0x75: {  	_ =	shalt  }
0x76: {  	_ =	shalt  }
0x77: {  	_ =	shalt  }
0x78: {  	_ =	shalt  }
0x79: {  	_ =	shalt  }
0x7a: {  	_ =	shalt  }
0x7b: {  	_ =	shalt  }
0x7c: {  	_ =	shalt  }
0x7d: {  	_ =	shalt  }
0x7e: {  	_ =	shalt  }
0x7f: {  	_ =	shalt  }
0x80: {  	_ =	shalt  }
0x81: {  	_ =	shalt  }
0x82: {  	_ =	shalt  }
0x83: {  	_ =	shalt  }
0x84: {  	_ =	shalt  }
0x85: {  	_ =	shalt  }
0x86: {  	_ =	shalt  }
0x87: {  	_ =	shalt  }
.Lfunc_end0:
.L_simem_size_0:
called_computation.1_lowered:
.L_overlay_start_0:
0x88: {  	s2 =	sld [smem:$0x3FD9]  }
0x89: {  	s3 =	sld [smem:$0x3FFE];
	_ =	sdelay $0x1  }
0x8a: {  	s1 =	srdreg.scid  }
0x8b: {  	s0 =	sand.u32 $0x1, s1  }
0x8c: {  	s16 =	sshll.u32 s0, $0xA;
	s2 =	sadd.s32 s3, s2  }
0x8d: {  	s2 =	sadd.s32 s2, s16  }
0x8e: {  	[smem:$0x3FB8] =	sst s2  }
0x8f: {  	_ = 	snop  }
0x90: {  	(tm) =	ssettm $0x1  }
0x91: {  	s17 =	sld [smem:$0x3FFB];
	_ =	sdelay $0x3  }
0x92: {  	_ =	strace s17  }
0x93: {  	s2 =	sld [smem:$0x3FFC];
	_ =	sdelay $0x3  }
0x94: {  	_ =	strace s2  }
0x95: {  	s2 =	sld [smem:$0x3FFD];
	_ =	sdelay $0x3  }
0x96: {  	_ =	strace s2  }
0x97: {  	_ =	strace $0x8FFFFFFF  }
0x98: {  	s18 =	sld [smem:$0x3FDB];
	_ =	sdelay $0x1  }
0x99: {  	s19 =	simm.s32 $_scs_section_size  }
0x9a: {  	s4 =	simm.s32 $_size__tile_overlayer_lowered;
	s5 =	simm.s32 $_tile_overlayer_lowered  }
0x9b: {  	s22 =	simm.s32 $0x1BFF;
	s21 =	sshll.u32 s5, $0x1;
	s2 =	sadd.s32 s19, s18  }
0x9c: {  	s6 =	simm.s32 $0x0;
	s20 =	sshll.u32 s4, $0x1;
	s4 =	sadd.s32 s21, s2  }
0x9d: {  	[timem:s6], [sflag:s22] =	dma.local [hbm:s4], s20  }
0x9e: {  	_ =	swait.ge [sflag:s22], s20  }
0x9f: {  	s3 =	ssub.s32 $0x0, s20;
	[sflag:s22] =	ssyncset.done $0x0  }
0xa0: {  	[sflag:s22] =	ssyncadd.s32 s3;
	_ =	sdelay $0x1  }
0xa1: {  	s23 =	simm.s32 $0x1B8B  }
0xa2: {  	_ =	swait.ge [sflag:s23], $0x1  }
0xa3: {  	[sflag:s23] =	ssyncset.done $0x0  }
0xa4: {  	s25 =	simm.s32 $0x1B8E;
	s24 =	sld [smem:$0x3FFE];
	[sflag:s23] =	ssyncadd.s32 $0xFFFFFFFF  }
0xa5: {  	s26 =	simm.s32 $execute0_lowered;
	[smem:$0x3FD2] =	sst s25  }
0xa6: {  	s4 =	sshll.u32 s26, $0x1;
	_ =	strace $0x80000049;
	[dreg:$0x1] =	wrdreg $0xFFFFFFFF  }
0xa7: {  	s28 =	simm.s32 $_size_execute0_lowered;
	s2 =	sadd.s32 s2, s4;
	[dreg:$0x0] =	wrdreg $0x0  }
0xa8: {  	s4 =	sshll.u32 s28, $0x1;
	[dreg:$0x2] =	wrdreg s2  }
0xa9: {  	[dreg:$0x3] =	wrdreg s4  }
0xaa: {  	[dreg:$0x4] =	wrdreg $0xC0  }
0xab: {  	_ =	task [dreg:s6], $0x5FFFF  }
0xac: {  	[dreg:$0x1] =	wrdreg $0xFFFFFFFF  }
0xad: {  	[dreg:$0x0] =	wrdreg $0x60  }
0xae: {  	[dreg:$0x2] =	wrdreg s24  }
0xaf: {  	[dreg:$0x3] =	wrdreg $0x79000  }
0xb0: {  	[dreg:$0x4] =	wrdreg $0x9  }
0xb1: {  	_ =	task.clear_ibuf [dreg:s6], $0x5FFFF;
	_ =	strace $0x90000049  }
0xb2: {  	s29 =	simm.s32 $0x9;
	_ =	strace $0x8000004B  }
0xb3: {  	_ =	swait.ge [sflag:s29], $0x1  }
0xb4: {  	[sflag:s29] =	ssyncadd.s32 $0xFFFFFFFF  }
0xb5: {  	_ =	strace $0x9000004B  }
0xb6: {  	_ =	sfence  }
0xb7: {  	s30 =	sld [smem:$0x0];
	_ =	sdelay $0x2  }
0xb8: {  	s31 =	sshll.u32 s1, $0xD;
	s1 =	sshrl.u32 s1, $0x2  }
0xb9: {  	s3 =	sand.u32 $0x4000, s31;
	s1 =	sadd.s32 s1, s30  }
0xba: {  	s0 =	sor.u32 s3, s0;
	s1 =	sshll.u32 s1, $0x11  }
0xbb: {  	s0 =	sor.u32 s1, s0  }
0xbc: {  	s0 =	sadd.s32 $0x8F2B, s0  }
0xbd: {  	[sflag:s0] =	ssyncadd.remote.s32 $0x1  }
0xbe: {  	_ =	sfence.sel $0xFFFF  }
0xbf: {  	[dreg:$0x0] =	wrdreg $0xFFFFFFFF;
	(pc) =	sbr.abs _section_cstart, $3  }
0xc0: {  	[dreg:$0x1] =	wrdreg $0xFFFFFFFF  }
0xc1: {  	_ =	task.clear_ibuf [dreg:s6], $0x2FFFF;
	_ =	strace $0x9FFFFFFF  }
0xc2: {  	(tm) =	ssettm $0x7FFFFFFF  }
0xc3: {  	_ =	shalt  }
tec
execute0_lowered:
.L_overlay_start_1:
0x0: {  	(tag) =	ssettag $0x1  }
0x1: {  	s0 =	rddreg [dreg:$0x0]  }
0x2: {  	s1 =	rddreg [dreg:$0x1];
	s2 =	simm.s32 $0x0;
	s8 =	srdreg.scid  }
0x3: {  	s4 =	stileid.u32;
	s28 =	simm.s32 $0x2900;
	s29 =	simm.s32 $0x5100  }
0x4: {  	s30 =	simm.s32 $0x1;
	s31 =	simm.s32 $0x2;
	[smem:$0x7FF] =	sst s2  }
0x5: {  	s3 =	sadd.s32 $0xFFE000, s0;
	s5 =	sadd.s32 $0x1E000, s0;
	s6 =	sadd.s32 $0x45200, s0  }
0x6: {  	s7 =	sadd.s32 $0x12A00, s0;
	s10 =	sand.u32 $0x1, s8;
	s11 =	smul.u32 $0x2780, s4  }
0x7: {  	s8 =	sadd.s32 $0x8C00, s0;
	s9 =	sadd.s32 $0xB1C000, s0;
	s14 =	smul.u32 $0x4F000, s4  }
0x8: {  	s24 =	sadd.s32 $0x106A80, s0;
	s26 =	sadd.s32 $0xB8680, s0;
	p0 =	seq.s32 s4, $0xF  }
0x9: {  	s18 =	sadd.s32 $0xDF880, s0;
	_ =	strace $0x8000004A;
	s12 =	ssub.s32 $0x2, s10  }
0xa: {  	s21 =	sshll.u32 s10, $0x4;
	[dreg:$0x4] =	wrdreg s24;
	p4 =	seq.s32 s10, $0x1  }
0xb: {  	[dreg:$0x6] =	wrdreg s26;
	s24 =	simm.s32 $0x80;
	s26 =	simm.s32 $0x100  }
0xc: {  	s13 =	sshrl.u32 s12, $0x1;
	s15 =	sadd.s32 s11, s0;
	s16 =	sor.u32 s4, s21  }
0xd: {  	s22 =	sshrl.u32 s14, $0x2;
	s0 =	sshll.u32 @!p0 s4, $0x6;
	p2 =	seq.s32 @p4 s4, $0xF  }
0xe: {  	p5 =	seq.s32 @!p4 s4, $0xF;
	s13 =	ssub.s32 s12, s13;
	s23 =	sadd.s32 $0xE1A00, s15  }
0xf: {  	s11 =	sadd.s32 s22, s1;
	s12 =	sadd.s32 $0x128400, s1;
	s14 =	smul.u32 $0x2710, s16  }
0x10: {  	s25 =	sadd.s32 $0x93600, s15;
	s17 =	sadd.s32 $0xBA800, s15;
	s21 =	sor.u32 @!p0 $0x1C03, s0  }
0x11: {  	p1 =	por !p2, !p4;
	p2 =	por p2, !p4;
	p3 =	por !p5, p4  }
0x12: {  	p4 =	por p5, p4;
	s0 =	simm.s32 $0x0;
	[dreg:$0x3] =	wrdreg s23  }
0x13: {  	[dreg:$0x5] =	wrdreg s25;
	s19 =	smax.u32 s13, $0x1;
	s20 =	sshrl.u32 @p0 s12, $0x3  }
0x14: {  	s22 =	sshrl.u32 @!p0 s11, $0x3;
	s23 =	simm.s32 $0x3;
	s25 =	simm.s32 $0x50  }
.LBB2_1:
0x15: {  	s10 =	simm.s32 @p0 $0x1FC3;
	s4 =	rddreg [dreg:$0x4]  }
0x16: {  	[spmem:s20], [sflag:s10] =	dma.local @p0 [hbm:s4], $0x2080  }
0x17: {  	s10 =	simm.s32 @p0 $0x3  }
0x18: {  	_ =	swait.ge @p0 [sflag:s10], $0x2080  }
0x19: {  	[sflag:s10] =	ssyncset.done @p0 $0x0  }
0x1a: {  	s4 =	rddreg [dreg:$0x3];
	[sflag:s10] =	ssyncadd.s32 @p0 $0xFFFFDF80;
	s10 =	simm.s32 @!p0 $0x3  }
0x1b: {  	[spmem:s22], [sflag:s21] =	dma.local @!p0 [hbm:s4], $0x2780  }
0x1c: {  	_ =	swait.ge @!p0 [sflag:s10], $0x2780  }
0x1d: {  	[sflag:s10] =	ssyncset.done @!p0 $0x0  }
0x1e: {  	[sflag:s10] =	ssyncadd.s32 @!p0 $0xFFFFD880  }
0x1f: {  	s10 =	simm.s32 $0x0;
	[bflag:$0x0] =	sbarrier.arrive $0xFFFF  }
.LBB2_2:
0x20: {  	s13 =	smul.u32 $0x50, s10;
	_ =	sdelay $0x1  }
0x21: {  	s13 =	sadd.s32 s14, s13  }
0x22: {  	s15 =	sshrl.u32 s13, $0x3  }
0x23: {  	s4 =	simm.s32 $0x0;
	s16 =	sadd.s32 s7, s15  }
0x24: {  	[tilespmem:s4], [sflag:$0x3] =	stream.linear.gather [hbm4b:s16+s4], $0x50, $0x38;
	[tilespmem:$0x1B180] =	vst v63  }
0x25: {  	_ =	swait.ge [sflag:s23], $0x50  }
0x26: {  	[sflag:s23] =	ssyncset.done $0x0  }
0x27: {  	s15 =	sadd.s32 s8, s15;
	[sflag:s23] =	ssyncadd.s32 $0xFFFFFFB0  }
0x28: {  	[tilespmem:s24], [sflag:$0x3] =	stream.linear.gather [hbm4b:s15+s4], $0x50, $0x38;
	[tilespmem:$0x1B180] =	vst v63  }
0x29: {  	_ =	swait.ge [sflag:s23], $0x50  }
0x2a: {  	[sflag:s23] =	ssyncset.done $0x0  }
0x2b: {  	[sflag:s23] =	ssyncadd.s32 $0xFFFFFFB0  }
0x2c: {  	[tilespmem:s26], [sflag:$0x1] =	stream.indirect.gather [hbm4b:s5+s25], $0x80, s4, s25, $0xb8;
	[tilespmem:$0x1B180] =	vst v63  }
0x2d: {  	s13 =	sshll.u32 s13, $0x4  }
0x2e: {  	[tilespmem:s28], [sflag:$0x2] =	stream.indirect.gather [hbm4b:s6+s25], $0x80, s24, s25, $0xb8;
	[tilespmem:$0x1B180] =	vst v63  }
0x2f: {  	s16 =	sadd.s32 s3, s13  }
0x30: {  	[tilespmem:s29], [sflag:$0x3] =	stream.linear.gather [hbm4b:s16+s4], $0x2800, $0x38;
	[tilespmem:$0x1B180] =	vst v63  }
0x31: {  	_ =	swait.ge [sflag:s23], $0x2800  }
0x32: {  	[sflag:s23] =	ssyncset.done $0x0  }
0x33: {  	[sflag:s23] =	ssyncadd.s32 $0xFFFFD800  }
0x34: {  	_ =	swait.ge [sflag:s30], $0x2800  }
0x35: {  	[sflag:s30] =	ssyncset.done $0x0  }
0x36: {  	[sflag:s30] =	ssyncadd.s32 $0xFFFFD800  }
0x37: {  	_ =	swait.ge [sflag:s31], $0x2800  }
0x38: {  	[sflag:s31] =	ssyncset.done $0x0  }
0x39: {  	s15 =	simm.s32 $0x0;
	[sflag:s31] =	ssyncadd.s32 $0xFFFFD800  }
0x3a: {  	v7 =	vld [tilespmem:s15+$0x2900]  }
0x3b: {  	v11 =	vld [tilespmem:s15+$0x2910]  }
0x3c: {  	v5 =	vld [tilespmem:s15+$0x2920]  }
0x3d: {  	v4 =	vld [tilespmem:s15+$0x2930]  }
0x3e: {  	v3 =	vld [tilespmem:s15+$0x2940]  }
0x3f: {  	v2 =	vld [tilespmem:s15+$0x2950]  }
0x40: {  	v1 =	vld [tilespmem:s15+$0x2960]  }
0x41: {  	v0 =	vld [tilespmem:s15+$0x2970]  }
0x42: {  	v12 =	vld [tilespmem:s15+$0x100]  }
0x43: {  	v13 =	vld [tilespmem:s15+$0x110]  }
0x44: {  	v10 =	vld [tilespmem:s15+$0x120]  }
0x45: {  	v9 =	vld [tilespmem:s15+$0x130]  }
0x46: {  	v8 =	vld [tilespmem:s15+$0x140]  }
0x47: {  	v6 =	vld [tilespmem:s15+$0x150];
	v12 =	vadd.f32 v7, v12  }
0x48: {  	s16 =	simm.s32 $0x200;
	v11 =	vadd.f32 v11, v13;
	v7 =	vld [tilespmem:s15+$0x160]  }
.LBB2_3:
0x49: {  	s4 =	sshra.s32 s16, $0x2;
	p5 =	sne.s32 s16, $0x9E00;
	[tilespmem:s15+$0x100] =	vst v12;
	v5 =	vadd.f32 v5, v10;
	v10 =	vld [tilespmem:s15+$0x170]  }
0x4a: {  	v12 =	vld [tilespmem:s4+$0x2900];
	[tilespmem:s15+$0x110] =	vst v11;
	v4 =	vadd.f32 v4, v9  }
0x4b: {  	v11 =	vld [tilespmem:s4+$0x2910];
	[tilespmem:s15+$0x120] =	vst v5;
	v3 =	vadd.f32 v3, v8  }
0x4c: {  	v5 =	vld [tilespmem:s4+$0x2920];
	[tilespmem:s15+$0x130] =	vst v4;
	v2 =	vadd.f32 v2, v6  }
0x4d: {  	v4 =	vld [tilespmem:s4+$0x2930];
	[tilespmem:s15+$0x140] =	vst v3;
	v1 =	vadd.f32 v1, v7  }
0x4e: {  	v3 =	vld [tilespmem:s4+$0x2940];
	[tilespmem:s15+$0x150] =	vst v2;
	v0 =	vadd.f32 v0, v10  }
0x4f: {  	v2 =	vld [tilespmem:s4+$0x2950];
	[tilespmem:s15+$0x160] =	vst v1  }
0x50: {  	v1 =	vld [tilespmem:s4+$0x2960];
	[tilespmem:s15+$0x170] =	vst v0;
	s15 =	smov.u32 s4  }
0x51: {  	v0 =	vld [tilespmem:s15+$0x2970]  }
0x52: {  	v6 =	vld [tilespmem:s15+$0x100]  }
0x53: {  	v7 =	vld [tilespmem:s15+$0x110]  }
.Ltmp0:
0x54: {  	v10 =	vld [tilespmem:s15+$0x120];
	(pc) =	sbr.rel @p5 .LBB2_3-.Ltmp0, $4  }
0x55: {  	v9 =	vld [tilespmem:s15+$0x130]  }
0x56: {  	v8 =	vld [tilespmem:s15+$0x140]  }
0x57: {  	v12 =	vadd.f32 v12, v6;
	v6 =	vld [tilespmem:s15+$0x150]  }
0x58: {  	s16 =	sadd.s32 $0x200, s16;
	v11 =	vadd.f32 v11, v7;
	v7 =	vld [tilespmem:s15+$0x160]  }
0x59: {  	[tilespmem:s15+$0x100] =	vst v12;
	v5 =	vadd.f32 v5, v10;
	v63 =	vld [tilespmem:s15+$0x170]  }
0x5a: {  	[tilespmem:s15+$0x110] =	vst v11;
	v4 =	vadd.f32 v4, v9  }
0x5b: {  	[tilespmem:s15+$0x120] =	vst v5;
	v3 =	vadd.f32 v3, v8  }
0x5c: {  	[tilespmem:s15+$0x130] =	vst v4;
	v2 =	vadd.f32 v2, v6  }
0x5d: {  	[tilespmem:s15+$0x140] =	vst v3;
	v1 =	vadd.f32 v1, v7  }
0x5e: {  	[tilespmem:s15+$0x150] =	vst v2;
	v0 =	vadd.f32 v0, v63  }
0x5f: {  	[tilespmem:s15+$0x160] =	vst v1  }
0x60: {  	[tilespmem:s15+$0x170] =	vst v0  }
0x61: {  	[spmem:s1] =	stream.indirect.scatter.add.f32 [tilespmem:s29], [sflag:$0x3], $0x80, s24, s25, $0xb8;
	[tilespmem:$0x1B180] =	vst v63  }
0x62: {  	s10 =	sadd.s32 $0x1, s10;
	_ =	swait.ge [sflag:s23], $0x2800  }
0x63: {  	p5 =	sne.s32 s10, $0x7D;
	[sflag:s23] =	ssyncset.done $0x0  }
.Ltmp1:
0x64: {  	s4 =	sadd.s32 s9, s13;
	[sflag:s23] =	ssyncadd.s32 $0xFFFFD800;
	(pc) =	sbr.rel @p5 .LBB2_2-.Ltmp1, $4  }
0x65: {  	[hbm4b:s4+s2] =	stream.linear.scatter [tilespmem:s26], [sflag:$0x3], $0x2800, $0x38;
	[tilespmem:$0x1B180] =	vst v63  }
0x66: {  	_ =	swait.ge [sflag:s23], $0x2800  }
0x67: {  	[sflag:s23] =	ssyncset.done $0x0  }
0x68: {  	[sflag:s23] =	ssyncadd.s32 $0xFFFFD800  }
0x69: {  	[bflag:$0x0] =	sbarrier.arrive $0xFFFF;
	s4 =	sshrl.u32 @!p1 s12, $0x3;
	s10 =	simm.s32 @!p1 $0x1FC3  }
0x6a: {  	[hbm:s18], [sflag:s10] =	dma.local @!p1 [spmem:s4], $0x2080  }
0x6b: {  	s4 =	simm.s32 @!p1 $0x3  }
0x6c: {  	s15 =	stileid.u32;
	_ =	swait.ge @!p1 [sflag:s4], $0x2080  }
0x6d: {  	s10 =	sshll.u32 @!p2 s15, $0x6;
	[sflag:s4] =	ssyncset.done @!p1 $0x0  }
0x6e: {  	[sflag:s4] =	ssyncadd.s32 @!p1 $0xFFFFDF80;
	s4 =	sor.u32 @!p2 $0x1C03, s10;
	s10 =	sshrl.u32 @!p2 s11, $0x3  }
0x6f: {  	[hbm:s17], [sflag:s4] =	dma.local @!p2 [spmem:s10], $0x2780  }
0x70: {  	s4 =	simm.s32 @!p2 $0x3  }
0x71: {  	_ =	swait.ge @!p2 [sflag:s4], $0x2780  }
0x72: {  	s10 =	simm.s32 @!p3 $0x1FC3;
	[sflag:s4] =	ssyncset.done @!p2 $0x0  }
0x73: {  	s13 =	rddreg [dreg:$0x6];
	[sflag:s4] =	ssyncadd.s32 @!p2 $0xFFFFD880;
	s4 =	sshrl.u32 @!p3 s12, $0x3  }
0x74: {  	[hbm:s13], [sflag:s10] =	dma.local @!p3 [spmem:s4], $0x2080  }
0x75: {  	s0 =	sadd.s32 $0x1, s0;
	s4 =	simm.s32 @!p3 $0x3  }
0x76: {  	p5 =	sne.s32 s0, s19;
	_ =	swait.ge @!p3 [sflag:s4], $0x2080  }
0x77: {  	s10 =	sshll.u32 @!p4 s15, $0x6;
	[sflag:s4] =	ssyncset.done @!p3 $0x0;
	s15 =	rddreg [dreg:$0x5]  }
0x78: {  	[sflag:s4] =	ssyncadd.s32 @!p3 $0xFFFFDF80;
	s4 =	sor.u32 @!p4 $0x1C03, s10;
	s10 =	sshrl.u32 @!p4 s11, $0x3  }
0x79: {  	[hbm:s15], [sflag:s4] =	dma.local @!p4 [spmem:s10], $0x2780  }
.Ltmp2:
0x7a: {  	_ = 	snop;
	(pc) =	sbr.rel @p5 .LBB2_1-.Ltmp2, $4  }
0x7b: {  	s4 =	simm.s32 @!p4 $0x3  }
0x7c: {  	_ =	swait.ge @!p4 [sflag:s4], $0x2780  }
0x7d: {  	[sflag:s4] =	ssyncset.done @!p4 $0x0  }
0x7e: {  	s13 =	stileid.u32;
	[sflag:s4] =	ssyncadd.s32 @!p4 $0xFFFFD880  }
0x7f: {  	_ =	sfence.sel $0x180000  }
0x80: {  	[bflag:$0x0] =	sbarrier.arrive $0xFFFF  }
0x81: {  	_ =	strace $0x9000004A  }
0x82: {  	[bflag:$0x2] =	sbarrier.arrive $0xFFFF  }
0x83: {  	p0 =	sne.s32 s13, $0x0;
	s0 =	rddreg [dreg:$0x2]  }
0x84: {  	s0 =	sadd.s32 @!p0 $0x100000, s0  }
0x85: {  	[sflag:s0] =	ssyncadd.tile.s32 @!p0 $0x1;
	_ =	shalt  }
.Lfunc_end2:
_tile_overlayer_lowered:
.L_overlay_start_2:
0x86: {  	(tag) =	ssettag $0x2  }
0x87: {  	s0 =	rddreg [dreg:$0x0];
	s2 =	stileid.u32  }
0x88: {  	s1 =	rddreg [dreg:$0x1];
	p0 =	sne.s32 s2, $0x0  }
0x89: {  	s3 =	rddreg [dreg:$0x2];
	[bflag:$0x3] =	sbarrier.arrive $0xFFFF;
	s2 =	simm.s32 @!p0 $0x1C03  }
0x8a: {  	[timem:s3], [sflag:s2] =	dma.local @!p0 [hbm:s0], s1  }
0x8b: {  	s0 =	simm.s32 @!p0 $0x3  }
0x8c: {  	_ =	swait.ge @!p0 [sflag:s0], s1  }
0x8d: {  	s1 =	ssub.s32 @!p0 $0x0, s1;
	[sflag:s0] =	ssyncset.done @!p0 $0x0  }
0x8e: {  	[sflag:s0] =	ssyncadd.s32 @!p0 s1  }
0x8f: {  	[bflag:$0x3] =	sbarrier.arrive $0xFFFF  }
0x90: {  	_ =	shalt  }

// kernel: kernel.19.cloned.1.call-start
scs
__scs_entry_jumppad:
0x0: {  	(pc) =	sbr.rel $0x88, $3  }
0x1: {  	(tag) =	ssettag $0x0;
	lr =	simm.s32 $0x1  }
0x2: {  	[smem:$0x3F91] =	sst lr;
	_ =	strace $0xD0000000  }
0x3: {  	_ = 	snop  }
0x4: {  	_ = 	snop  }
0x5: {  	_ = 	snop  }
0x6: {  	_ = 	snop  }
0x7: {  	_ = 	snop  }
__scs_overlays_trampoline_lowered:
0x8: {  	[smem:$0x3FA0] =	sst s0  }
0x9: {  	[smem:$0x3FA1] =	sst s1  }
0xa: {  	[smem:$0x3FA2] =	sst s2  }
0xb: {  	[smem:$0x3FA3] =	sst s3  }
0xc: {  	[smem:$0x3FA4] =	sst s4  }
0xd: {  	[smem:$0x3FA5] =	sst s5  }
0xe: {  	[smem:$0x3FA6] =	sst s6  }
0xf: {  	[smem:$0x3FA7] =	sst s7  }
0x10: {  	[smem:$0x3FA8] =	sst s8  }
0x11: {  	[smem:$0x3FA9] =	sst s9;
	s0 =	simm.s32 @!p0 $0x0  }
0x12: {  	s1 =	sld [smem:$0x3F8F];
	s0 =	simm.s32 @p0 $0x1  }
0x13: {  	[smem:$0x3FAA] =	sst s0;
	s0 =	simm.s32 @!p1 $0x0  }
0x14: {  	s2 =	sld [smem:$0x3F8E];
	s0 =	simm.s32 @p1 $0x1  }
0x15: {  	[smem:$0x3FAB] =	sst s0;
	s0 =	simm.s32 @!p2 $0x0  }
0x16: {  	s3 =	sld [smem:$0x3FDB];
	s0 =	simm.s32 @p2 $0x1  }
0x17: {  	s4 =	simm.s32 $0x1BF5;
	[smem:$0x3FAD] =	sst s0  }
0x18: {  	s0 =	sld [smem:$0x3F90];
	_ =	swait.ge [sflag:s4], $0x0  }
0x19: {  	s7 =	sld [smem:$0x3F91]  }
0x1a: {  	s8 =	sadd.s32 $0xFFFFE003, lr  }
0x1b: {  	s9 =	sadd.s32 $0xFFFFFEF7, lr;
	s5 =	simm.s32 $0xFFFFFFFF;
	p2 =	slt.u32 s8, $0xFFFFF086  }
0x1c: {  	p1 =	slt.u32 s9, $0xF7A;
	s5 =	simm.s32 @!p2 $0x0  }
0x1d: {  	s5 =	simm.s32 @p1 $0x1;
	p0 =	seq.s32 s7, s2  }
0x1e: {  	s7 =	smul.u32 @!p0 $0xF7A, s2;
	p2 =	seq.s32 @!p0 s5, $0x0  }
0x1f: {  	s9 =	smul.u32 $0xF7A, s1;
	s8 =	simm.s32 @!p0 $0x1BF5;
	p2 =	por !p2, p0  }
0x20: {  	[sflag:s8] =	ssyncset.s32 @!p0 $0xFFFFF086;
	s6 =	sadd.s32 @!p0 s3, s7;
	s7 =	simm.s32 @!p0 $0x108  }
0x21: {  	s3 =	sadd.s32 s3, s9;
	s6 =	sadd.s32 @!p0 $0x88, s6;
	s7 =	simm.s32 @p2 $0x1082  }
0x22: {  	[simem:s7], [sflag:s8] =	dma.local @!p0 [hbm:s6], $0xF7A  }
0x23: {  	s9 =	sor.u32 $0xD0000000, s2;
	s6 =	simm.s32 $0x108;
	_ =	swait.ge @!p0 [sflag:s8], $0x0  }
0x24: {  	s3 =	sadd.s32 $0x88, s3;
	s6 =	simm.s32 @!p1 $0x1082;
	[sflag:s4] =	ssyncset.s32 $0xFFFFF086  }
0x25: {  	[simem:s6], [sflag:s4] =	dma.local [hbm:s3], $0xF7A  }
0x26: {  	[smem:$0x3F91] =	sst s1;
	(tag) =	ssettag s2;
	_ =	strace s9  }
0x27: {  	s1 =	sld [smem:$0x3FA1]  }
0x28: {  	s2 =	sld [smem:$0x3FA2]  }
0x29: {  	s4 =	sld [smem:$0x3FA4]  }
0x2a: {  	p0 =	seq.s32 s5, $0x0;
	s5 =	sld [smem:$0x3FA5]  }
0x2b: {  	s6 =	sld [smem:$0x3FA6]  }
0x2c: {  	s7 =	sld [smem:$0x3FA7]  }
0x2d: {  	s3 =	simm.s32 $0x108;
	s8 =	sld [smem:$0x3FA8]  }
0x2e: {  	s3 =	simm.s32 @!p0 $0x1082;
	s9 =	sld [smem:$0x3FA9]  }
0x2f: {  	lr =	sadd.s32 s0, s3;
	s0 =	sld [smem:$0x3FA0]  }
0x30: {  	s3 =	sld [smem:$0x3FA3]  }
0x31: {  	[smem:$0x3FAC] =	sst s10  }
0x32: {  	s10 =	sld [smem:$0x3FAA];
	_ =	sdelay $0x3  }
0x33: {  	p0 =	seq.s32 s10, $0x1;
	s10 =	sld [smem:$0x3FAC];
	_ =	sdelay $0x3  }
0x34: {  	[smem:$0x3FAC] =	sst s10  }
0x35: {  	s10 =	sld [smem:$0x3FAB];
	_ =	sdelay $0x3  }
0x36: {  	p1 =	seq.s32 s10, $0x1;
	s10 =	sld [smem:$0x3FAC];
	_ =	sdelay $0x3  }
0x37: {  	[smem:$0x3FAC] =	sst s10  }
0x38: {  	s10 =	sld [smem:$0x3FAD]  }
0x39: {  	_ = 	snop;
	(pc) =	sbr.ind lr, $3  }
0x3a: {  	_ = 	snop  }
0x3b: {  	_ = 	snop  }
0x3c: {  	p2 =	seq.s32 s10, $0x1;
	s10 =	sld [smem:$0x3FAC]  }
0x3d: {  	_ =	shalt  }
0x3e: {  	_ =	shalt  }
0x3f: {  	_ =	shalt  }
0x40: {  	_ =	shalt  }
0x41: {  	_ =	shalt  }
0x42: {  	_ =	shalt  }
0x43: {  	_ =	shalt  }
0x44: {  	_ =	shalt  }
0x45: {  	_ =	shalt  }
0x46: {  	_ =	shalt  }
0x47: {  	_ =	shalt  }
0x48: {  	_ =	shalt  }
0x49: {  	_ =	shalt  }
0x4a: {  	_ =	shalt  }
0x4b: {  	_ =	shalt  }
0x4c: {  	_ =	shalt  }
0x4d: {  	_ =	shalt  }
0x4e: {  	_ =	shalt  }
0x4f: {  	_ =	shalt  }
0x50: {  	_ =	shalt  }
0x51: {  	_ =	shalt  }
0x52: {  	_ =	shalt  }
0x53: {  	_ =	shalt  }
0x54: {  	_ =	shalt  }
0x55: {  	_ =	shalt  }
0x56: {  	_ =	shalt  }
0x57: {  	_ =	shalt  }
0x58: {  	_ =	shalt  }
0x59: {  	_ =	shalt  }
0x5a: {  	_ =	shalt  }
0x5b: {  	_ =	shalt  }
0x5c: {  	_ =	shalt  }
0x5d: {  	_ =	shalt  }
0x5e: {  	_ =	shalt  }
0x5f: {  	_ =	shalt  }
0x60: {  	_ =	shalt  }
0x61: {  	_ =	shalt  }
0x62: {  	_ =	shalt  }
0x63: {  	_ =	shalt  }
0x64: {  	_ =	shalt  }
0x65: {  	_ =	shalt  }
0x66: {  	_ =	shalt  }
0x67: {  	_ =	shalt  }
0x68: {  	_ =	shalt  }
0x69: {  	_ =	shalt  }
0x6a: {  	_ =	shalt  }
0x6b: {  	_ =	shalt  }
0x6c: {  	_ =	shalt  }
0x6d: {  	_ =	shalt  }
0x6e: {  	_ =	shalt  }
0x6f: {  	_ =	shalt  }
0x70: {  	_ =	shalt  }
0x71: {  	_ =	shalt  }
0x72: {  	_ =	shalt  }
0x73: {  	_ =	shalt  }
0x74: {  	_ =	shalt  }
0x75: {  	_ =	shalt  }
0x76: {  	_ =	shalt  }
0x77: {  	_ =	shalt  }
0x78: {  	_ =	shalt  }
0x79: {  	_ =	shalt  }
0x7a: {  	_ =	shalt  }
0x7b: {  	_ =	shalt  }
0x7c: {  	_ =	shalt  }
0x7d: {  	_ =	shalt  }
0x7e: {  	_ =	shalt  }
0x7f: {  	_ =	shalt  }
0x80: {  	_ =	shalt  }
0x81: {  	_ =	shalt  }
0x82: {  	_ =	shalt  }
0x83: {  	_ =	shalt  }
0x84: {  	_ =	shalt  }
0x85: {  	_ =	shalt  }
0x86: {  	_ =	shalt  }
0x87: {  	_ =	shalt  }
.Lfunc_end0:
.L_simem_size_0:
called_computation.2_lowered:
.L_overlay_start_0:
0x88: {  	s2 =	sld [smem:$0x3FD9]  }
0x89: {  	s3 =	sld [smem:$0x3FFE];
	_ =	sdelay $0x1  }
0x8a: {  	s1 =	srdreg.scid  }
0x8b: {  	s0 =	sand.u32 $0x1, s1  }
0x8c: {  	s16 =	sshll.u32 s0, $0xA;
	s2 =	sadd.s32 s3, s2  }
0x8d: {  	s2 =	sadd.s32 s2, s16  }
0x8e: {  	[smem:$0x3FB8] =	sst s2  }
0x8f: {  	_ = 	snop  }
0x90: {  	(tm) =	ssettm $0x1  }
0x91: {  	s17 =	sld [smem:$0x3FFB];
	_ =	sdelay $0x3  }
0x92: {  	_ =	strace s17  }
0x93: {  	s2 =	sld [smem:$0x3FFC];
	_ =	sdelay $0x3  }
0x94: {  	_ =	strace s2  }
0x95: {  	s2 =	sld [smem:$0x3FFD];
	_ =	sdelay $0x3  }
0x96: {  	_ =	strace s2  }
0x97: {  	_ =	strace $0x8FFFFFFF  }
0x98: {  	s18 =	sld [smem:$0x3FDB];
	_ =	sdelay $0x1  }
0x99: {  	s19 =	simm.s32 $_scs_section_size  }
0x9a: {  	s4 =	simm.s32 $_size__tile_overlayer_lowered;
	s5 =	simm.s32 $_tile_overlayer_lowered  }
0x9b: {  	s22 =	simm.s32 $0x1BFF;
	s21 =	sshll.u32 s5, $0x1;
	s2 =	sadd.s32 s19, s18  }
0x9c: {  	s6 =	simm.s32 $0x0;
	s20 =	sshll.u32 s4, $0x1;
	s4 =	sadd.s32 s21, s2  }
0x9d: {  	[timem:s6], [sflag:s22] =	dma.local [hbm:s4], s20  }
0x9e: {  	_ =	swait.ge [sflag:s22], s20  }
0x9f: {  	s3 =	ssub.s32 $0x0, s20;
	[sflag:s22] =	ssyncset.done $0x0  }
0xa0: {  	[sflag:s22] =	ssyncadd.s32 s3;
	_ =	sdelay $0x1  }
0xa1: {  	s23 =	simm.s32 $0x1B8B  }
0xa2: {  	_ =	swait.ge [sflag:s23], $0x1  }
0xa3: {  	[sflag:s23] =	ssyncset.done $0x0  }
0xa4: {  	s25 =	simm.s32 $0x1B8E;
	s24 =	sld [smem:$0x3FFE];
	[sflag:s23] =	ssyncadd.s32 $0xFFFFFFFF  }
0xa5: {  	s26 =	simm.s32 $execute0_lowered;
	[smem:$0x3FD2] =	sst s25  }
0xa6: {  	s4 =	sshll.u32 s26, $0x1;
	_ =	strace $0x8000004C;
	[dreg:$0x1] =	wrdreg $0xFFFFFFFF  }
0xa7: {  	s28 =	simm.s32 $_size_execute0_lowered;
	s2 =	sadd.s32 s2, s4;
	[dreg:$0x0] =	wrdreg $0x0  }
0xa8: {  	s4 =	sshll.u32 s28, $0x1;
	[dreg:$0x2] =	wrdreg s2  }
0xa9: {  	[dreg:$0x3] =	wrdreg s4  }
0xaa: {  	[dreg:$0x4] =	wrdreg $0xC0  }
0xab: {  	_ =	task [dreg:s6], $0x5FFFF  }
0xac: {  	[dreg:$0x1] =	wrdreg $0xFFFFFFFF  }
0xad: {  	[dreg:$0x0] =	wrdreg $0x60  }
0xae: {  	[dreg:$0x2] =	wrdreg s24  }
0xaf: {  	[dreg:$0x3] =	wrdreg $0x79000  }
0xb0: {  	[dreg:$0x4] =	wrdreg $0x9  }
0xb1: {  	_ =	task.clear_ibuf [dreg:s6], $0x5FFFF;
	_ =	strace $0x9000004C  }
0xb2: {  	s29 =	simm.s32 $0x9;
	_ =	strace $0x8000004E  }
0xb3: {  	_ =	swait.ge [sflag:s29], $0x1  }
0xb4: {  	[sflag:s29] =	ssyncadd.s32 $0xFFFFFFFF  }
0xb5: {  	_ =	strace $0x9000004E  }
0xb6: {  	_ =	sfence  }
0xb7: {  	s30 =	sld [smem:$0x0];
	_ =	sdelay $0x2  }
0xb8: {  	s31 =	sshll.u32 s1, $0xD;
	s1 =	sshrl.u32 s1, $0x2  }
0xb9: {  	s3 =	sand.u32 $0x4000, s31;
	s1 =	sadd.s32 s1, s30  }
0xba: {  	s0 =	sor.u32 s3, s0;
	s1 =	sshll.u32 s1, $0x11  }
0xbb: {  	s0 =	sor.u32 s1, s0  }
0xbc: {  	s0 =	sadd.s32 $0x8F2B, s0  }
0xbd: {  	[sflag:s0] =	ssyncadd.remote.s32 $0x1  }
0xbe: {  	_ =	sfence.sel $0xFFFF  }
0xbf: {  	[dreg:$0x0] =	wrdreg $0xFFFFFFFF;
	(pc) =	sbr.abs _section_cstart, $3  }
0xc0: {  	[dreg:$0x1] =	wrdreg $0xFFFFFFFF  }
0xc1: {  	_ =	task.clear_ibuf [dreg:s6], $0x2FFFF;
	_ =	strace $0x9FFFFFFF  }
0xc2: {  	(tm) =	ssettm $0x7FFFFFFF  }
0xc3: {  	_ =	shalt  }
tec
execute0_lowered:
.L_overlay_start_1:
0x0: {  	(tag) =	ssettag $0x1  }
0x1: {  	s0 =	rddreg [dreg:$0x0]  }
0x2: {  	s1 =	rddreg [dreg:$0x1];
	s2 =	simm.s32 $0x0;
	s8 =	srdreg.scid  }
0x3: {  	s4 =	stileid.u32;
	s28 =	simm.s32 $0x2900;
	s29 =	simm.s32 $0x5100  }
0x4: {  	s30 =	simm.s32 $0x1;
	[smem:$0x7FF] =	sst s2;
	s3 =	sadd.s32 $0x5EAC00, s0  }
0x5: {  	s31 =	simm.s32 $0x2;
	s5 =	sadd.s32 $0xACCC00, s0;
	s6 =	sadd.s32 $0xAF3E00, s0  }
0x6: {  	s7 =	sadd.s32 $0x12A00, s0;
	s10 =	sand.u32 $0x1, s8;
	s11 =	smul.u32 $0x2780, s4  }
0x7: {  	s8 =	sadd.s32 $0x8C00, s0;
	s9 =	sadd.s32 $0x108C00, s0;
	s14 =	smul.u32 $0x4F000, s4  }
0x8: {  	s24 =	sadd.s32 $0x106A80, s0;
	s26 =	sadd.s32 $0x6A280, s0;
	p0 =	seq.s32 s4, $0xF  }
0x9: {  	s18 =	sadd.s32 $0x91480, s0;
	_ =	strace $0x8000004D;
	s12 =	ssub.s32 $0x2, s10  }
0xa: {  	s21 =	sshll.u32 s10, $0x4;
	[dreg:$0x4] =	wrdreg s24;
	p4 =	seq.s32 s10, $0x1  }
0xb: {  	[dreg:$0x6] =	wrdreg s26;
	s24 =	simm.s32 $0x80;
	s26 =	simm.s32 $0x100  }
0xc: {  	s13 =	sshrl.u32 s12, $0x1;
	s15 =	sadd.s32 s11, s0;
	s16 =	sor.u32 s4, s21  }
0xd: {  	s22 =	sshrl.u32 s14, $0x2;
	s0 =	sshll.u32 @!p0 s4, $0x6;
	p2 =	seq.s32 @p4 s4, $0xF  }
0xe: {  	p5 =	seq.s32 @!p4 s4, $0xF;
	s13 =	ssub.s32 s12, s13;
	s23 =	sadd.s32 $0xE1A00, s15  }
0xf: {  	s11 =	sadd.s32 s22, s1;
	s12 =	sadd.s32 $0x128400, s1;
	s14 =	smul.u32 $0x2710, s16  }
0x10: {  	s25 =	sadd.s32 $0x45200, s15;
	s17 =	sadd.s32 $0x6C400, s15;
	s21 =	sor.u32 @!p0 $0x1C03, s0  }
0x11: {  	p1 =	por !p2, !p4;
	p2 =	por p2, !p4;
	p3 =	por !p5, p4  }
0x12: {  	p4 =	por p5, p4;
	s0 =	simm.s32 $0x0;
	[dreg:$0x3] =	wrdreg s23  }
0x13: {  	[dreg:$0x5] =	wrdreg s25;
	s19 =	smax.u32 s13, $0x1;
	s20 =	sshrl.u32 @p0 s12, $0x3  }
0x14: {  	s22 =	sshrl.u32 @!p0 s11, $0x3;
	s23 =	simm.s32 $0x3;
	s25 =	simm.s32 $0x50  }
.LBB2_1:
0x15: {  	s10 =	simm.s32 @p0 $0x1FC3;
	s4 =	rddreg [dreg:$0x4]  }
0x16: {  	[spmem:s20], [sflag:s10] =	dma.local @p0 [hbm:s4], $0x2080  }
0x17: {  	s10 =	simm.s32 @p0 $0x3  }
0x18: {  	_ =	swait.ge @p0 [sflag:s10], $0x2080  }
0x19: {  	[sflag:s10] =	ssyncset.done @p0 $0x0  }
0x1a: {  	s4 =	rddreg [dreg:$0x3];
	[sflag:s10] =	ssyncadd.s32 @p0 $0xFFFFDF80;
	s10 =	simm.s32 @!p0 $0x3  }
0x1b: {  	[spmem:s22], [sflag:s21] =	dma.local @!p0 [hbm:s4], $0x2780  }
0x1c: {  	_ =	swait.ge @!p0 [sflag:s10], $0x2780  }
0x1d: {  	[sflag:s10] =	ssyncset.done @!p0 $0x0  }
0x1e: {  	[sflag:s10] =	ssyncadd.s32 @!p0 $0xFFFFD880  }
0x1f: {  	s10 =	simm.s32 $0x0;
	[bflag:$0x0] =	sbarrier.arrive $0xFFFF  }
.LBB2_2:
0x20: {  	s13 =	smul.u32 $0x50, s10;
	_ =	sdelay $0x1  }
0x21: {  	s13 =	sadd.s32 s14, s13  }
0x22: {  	s15 =	sshrl.u32 s13, $0x3  }
0x23: {  	s4 =	simm.s32 $0x0;
	s16 =	sadd.s32 s7, s15  }
0x24: {  	[tilespmem:s4], [sflag:$0x3] =	stream.linear.gather [hbm4b:s16+s4], $0x50, $0x38;
	[tilespmem:$0x1B180] =	vst v63  }
0x25: {  	_ =	swait.ge [sflag:s23], $0x50  }
0x26: {  	[sflag:s23] =	ssyncset.done $0x0  }
0x27: {  	s15 =	sadd.s32 s8, s15;
	[sflag:s23] =	ssyncadd.s32 $0xFFFFFFB0  }
0x28: {  	[tilespmem:s24], [sflag:$0x3] =	stream.linear.gather [hbm4b:s15+s4], $0x50, $0x38;
	[tilespmem:$0x1B180] =	vst v63  }
0x29: {  	_ =	swait.ge [sflag:s23], $0x50  }
0x2a: {  	[sflag:s23] =	ssyncset.done $0x0  }
0x2b: {  	[sflag:s23] =	ssyncadd.s32 $0xFFFFFFB0  }
0x2c: {  	[tilespmem:s26], [sflag:$0x1] =	stream.indirect.gather [hbm4b:s5+s25], $0x80, s4, s25, $0xb8;
	[tilespmem:$0x1B180] =	vst v63  }
0x2d: {  	s13 =	sshll.u32 s13, $0x4  }
0x2e: {  	[tilespmem:s28], [sflag:$0x2] =	stream.indirect.gather [hbm4b:s6+s25], $0x80, s24, s25, $0xb8;
	[tilespmem:$0x1B180] =	vst v63  }
0x2f: {  	s16 =	sadd.s32 s3, s13  }
0x30: {  	[tilespmem:s29], [sflag:$0x3] =	stream.linear.gather [hbm4b:s16+s4], $0x2800, $0x38;
	[tilespmem:$0x1B180] =	vst v63  }
0x31: {  	_ =	swait.ge [sflag:s23], $0x2800  }
0x32: {  	[sflag:s23] =	ssyncset.done $0x0  }
0x33: {  	[sflag:s23] =	ssyncadd.s32 $0xFFFFD800  }
0x34: {  	_ =	swait.ge [sflag:s30], $0x2800  }
0x35: {  	[sflag:s30] =	ssyncset.done $0x0  }
0x36: {  	[sflag:s30] =	ssyncadd.s32 $0xFFFFD800  }
0x37: {  	_ =	swait.ge [sflag:s31], $0x2800  }
0x38: {  	[sflag:s31] =	ssyncset.done $0x0  }
0x39: {  	s15 =	simm.s32 $0x0;
	[sflag:s31] =	ssyncadd.s32 $0xFFFFD800  }
0x3a: {  	v7 =	vld [tilespmem:s15+$0x2900]  }
0x3b: {  	v11 =	vld [tilespmem:s15+$0x2910]  }
0x3c: {  	v5 =	vld [tilespmem:s15+$0x2920]  }
0x3d: {  	v4 =	vld [tilespmem:s15+$0x2930]  }
0x3e: {  	v3 =	vld [tilespmem:s15+$0x2940]  }
0x3f: {  	v2 =	vld [tilespmem:s15+$0x2950]  }
0x40: {  	v1 =	vld [tilespmem:s15+$0x2960]  }
0x41: {  	v0 =	vld [tilespmem:s15+$0x2970]  }
0x42: {  	v12 =	vld [tilespmem:s15+$0x100]  }
0x43: {  	v13 =	vld [tilespmem:s15+$0x110]  }
0x44: {  	v10 =	vld [tilespmem:s15+$0x120]  }
0x45: {  	v9 =	vld [tilespmem:s15+$0x130]  }
0x46: {  	v8 =	vld [tilespmem:s15+$0x140]  }
0x47: {  	v6 =	vld [tilespmem:s15+$0x150];
	v12 =	vadd.f32 v7, v12  }
0x48: {  	s16 =	simm.s32 $0x200;
	v11 =	vadd.f32 v11, v13;
	v7 =	vld [tilespmem:s15+$0x160]  }
.LBB2_3:
0x49: {  	s4 =	sshra.s32 s16, $0x2;
	p5 =	sne.s32 s16, $0x9E00;
	[tilespmem:s15+$0x100] =	vst v12;
	v5 =	vadd.f32 v5, v10;
	v10 =	vld [tilespmem:s15+$0x170]  }
0x4a: {  	v12 =	vld [tilespmem:s4+$0x2900];
	[tilespmem:s15+$0x110] =	vst v11;
	v4 =	vadd.f32 v4, v9  }
0x4b: {  	v11 =	vld [tilespmem:s4+$0x2910];
	[tilespmem:s15+$0x120] =	vst v5;
	v3 =	vadd.f32 v3, v8  }
0x4c: {  	v5 =	vld [tilespmem:s4+$0x2920];
	[tilespmem:s15+$0x130] =	vst v4;
	v2 =	vadd.f32 v2, v6  }
0x4d: {  	v4 =	vld [tilespmem:s4+$0x2930];
	[tilespmem:s15+$0x140] =	vst v3;
	v1 =	vadd.f32 v1, v7  }
0x4e: {  	v3 =	vld [tilespmem:s4+$0x2940];
	[tilespmem:s15+$0x150] =	vst v2;
	v0 =	vadd.f32 v0, v10  }
0x4f: {  	v2 =	vld [tilespmem:s4+$0x2950];
	[tilespmem:s15+$0x160] =	vst v1  }
0x50: {  	v1 =	vld [tilespmem:s4+$0x2960];
	[tilespmem:s15+$0x170] =	vst v0;
	s15 =	smov.u32 s4  }
0x51: {  	v0 =	vld [tilespmem:s15+$0x2970]  }
0x52: {  	v6 =	vld [tilespmem:s15+$0x100]  }
0x53: {  	v7 =	vld [tilespmem:s15+$0x110]  }
.Ltmp0:
0x54: {  	v10 =	vld [tilespmem:s15+$0x120];
	(pc) =	sbr.rel @p5 .LBB2_3-.Ltmp0, $4  }
0x55: {  	v9 =	vld [tilespmem:s15+$0x130]  }
0x56: {  	v8 =	vld [tilespmem:s15+$0x140]  }
0x57: {  	v12 =	vadd.f32 v12, v6;
	v6 =	vld [tilespmem:s15+$0x150]  }
0x58: {  	s16 =	sadd.s32 $0x200, s16;
	v11 =	vadd.f32 v11, v7;
	v7 =	vld [tilespmem:s15+$0x160]  }
0x59: {  	[tilespmem:s15+$0x100] =	vst v12;
	v5 =	vadd.f32 v5, v10;
	v63 =	vld [tilespmem:s15+$0x170]  }
0x5a: {  	[tilespmem:s15+$0x110] =	vst v11;
	v4 =	vadd.f32 v4, v9  }
0x5b: {  	[tilespmem:s15+$0x120] =	vst v5;
	v3 =	vadd.f32 v3, v8  }
0x5c: {  	[tilespmem:s15+$0x130] =	vst v4;
	v2 =	vadd.f32 v2, v6  }
0x5d: {  	[tilespmem:s15+$0x140] =	vst v3;
	v1 =	vadd.f32 v1, v7  }
0x5e: {  	[tilespmem:s15+$0x150] =	vst v2;
	v0 =	vadd.f32 v0, v63  }
0x5f: {  	[tilespmem:s15+$0x160] =	vst v1  }
0x60: {  	[tilespmem:s15+$0x170] =	vst v0  }
0x61: {  	[spmem:s1] =	stream.indirect.scatter.add.f32 [tilespmem:s29], [sflag:$0x3], $0x80, s24, s25, $0xb8;
	[tilespmem:$0x1B180] =	vst v63  }
0x62: {  	s10 =	sadd.s32 $0x1, s10;
	_ =	swait.ge [sflag:s23], $0x2800  }
0x63: {  	p5 =	sne.s32 s10, $0x7D;
	[sflag:s23] =	ssyncset.done $0x0  }
.Ltmp1:
0x64: {  	s4 =	sadd.s32 s9, s13;
	[sflag:s23] =	ssyncadd.s32 $0xFFFFD800;
	(pc) =	sbr.rel @p5 .LBB2_2-.Ltmp1, $4  }
0x65: {  	[hbm4b:s4+s2] =	stream.linear.scatter [tilespmem:s26], [sflag:$0x3], $0x2800, $0x38;
	[tilespmem:$0x1B180] =	vst v63  }
0x66: {  	_ =	swait.ge [sflag:s23], $0x2800  }
0x67: {  	[sflag:s23] =	ssyncset.done $0x0  }
0x68: {  	[sflag:s23] =	ssyncadd.s32 $0xFFFFD800  }
0x69: {  	[bflag:$0x0] =	sbarrier.arrive $0xFFFF;
	s4 =	sshrl.u32 @!p1 s12, $0x3;
	s10 =	simm.s32 @!p1 $0x1FC3  }
0x6a: {  	[hbm:s18], [sflag:s10] =	dma.local @!p1 [spmem:s4], $0x2080  }
0x6b: {  	s4 =	simm.s32 @!p1 $0x3  }
0x6c: {  	s15 =	stileid.u32;
	_ =	swait.ge @!p1 [sflag:s4], $0x2080  }
0x6d: {  	s10 =	sshll.u32 @!p2 s15, $0x6;
	[sflag:s4] =	ssyncset.done @!p1 $0x0  }
0x6e: {  	[sflag:s4] =	ssyncadd.s32 @!p1 $0xFFFFDF80;
	s4 =	sor.u32 @!p2 $0x1C03, s10;
	s10 =	sshrl.u32 @!p2 s11, $0x3  }
0x6f: {  	[hbm:s17], [sflag:s4] =	dma.local @!p2 [spmem:s10], $0x2780  }
0x70: {  	s4 =	simm.s32 @!p2 $0x3  }
0x71: {  	_ =	swait.ge @!p2 [sflag:s4], $0x2780  }
0x72: {  	s10 =	simm.s32 @!p3 $0x1FC3;
	[sflag:s4] =	ssyncset.done @!p2 $0x0  }
0x73: {  	s13 =	rddreg [dreg:$0x6];
	[sflag:s4] =	ssyncadd.s32 @!p2 $0xFFFFD880;
	s4 =	sshrl.u32 @!p3 s12, $0x3  }
0x74: {  	[hbm:s13], [sflag:s10] =	dma.local @!p3 [spmem:s4], $0x2080  }
0x75: {  	s0 =	sadd.s32 $0x1, s0;
	s4 =	simm.s32 @!p3 $0x3  }
0x76: {  	p5 =	sne.s32 s0, s19;
	_ =	swait.ge @!p3 [sflag:s4], $0x2080  }
0x77: {  	s10 =	sshll.u32 @!p4 s15, $0x6;
	[sflag:s4] =	ssyncset.done @!p3 $0x0;
	s15 =	rddreg [dreg:$0x5]  }
0x78: {  	[sflag:s4] =	ssyncadd.s32 @!p3 $0xFFFFDF80;
	s4 =	sor.u32 @!p4 $0x1C03, s10;
	s10 =	sshrl.u32 @!p4 s11, $0x3  }
0x79: {  	[hbm:s15], [sflag:s4] =	dma.local @!p4 [spmem:s10], $0x2780  }
.Ltmp2:
0x7a: {  	_ = 	snop;
	(pc) =	sbr.rel @p5 .LBB2_1-.Ltmp2, $4  }
0x7b: {  	s4 =	simm.s32 @!p4 $0x3  }
0x7c: {  	_ =	swait.ge @!p4 [sflag:s4], $0x2780  }
0x7d: {  	[sflag:s4] =	ssyncset.done @!p4 $0x0  }
0x7e: {  	s13 =	stileid.u32;
	[sflag:s4] =	ssyncadd.s32 @!p4 $0xFFFFD880  }
0x7f: {  	_ =	sfence.sel $0x180000  }
0x80: {  	[bflag:$0x0] =	sbarrier.arrive $0xFFFF  }
0x81: {  	_ =	strace $0x9000004D  }
0x82: {  	[bflag:$0x2] =	sbarrier.arrive $0xFFFF  }
0x83: {  	p0 =	sne.s32 s13, $0x0;
	s0 =	rddreg [dreg:$0x2]  }
0x84: {  	s0 =	sadd.s32 @!p0 $0x100000, s0  }
0x85: {  	[sflag:s0] =	ssyncadd.tile.s32 @!p0 $0x1;
	_ =	shalt  }
.Lfunc_end2:
_tile_overlayer_lowered:
.L_overlay_start_2:
0x86: {  	(tag) =	ssettag $0x2  }
0x87: {  	s0 =	rddreg [dreg:$0x0];
	s2 =	stileid.u32  }
0x88: {  	s1 =	rddreg [dreg:$0x1];
	p0 =	sne.s32 s2, $0x0  }
0x89: {  	s3 =	rddreg [dreg:$0x2];
	[bflag:$0x3] =	sbarrier.arrive $0xFFFF;
	s2 =	simm.s32 @!p0 $0x1C03  }
0x8a: {  	[timem:s3], [sflag:s2] =	dma.local @!p0 [hbm:s0], s1  }
0x8b: {  	s0 =	simm.s32 @!p0 $0x3  }
0x8c: {  	_ =	swait.ge @!p0 [sflag:s0], s1  }
0x8d: {  	s1 =	ssub.s32 @!p0 $0x0, s1;
	[sflag:s0] =	ssyncset.done @!p0 $0x0  }
0x8e: {  	[sflag:s0] =	ssyncadd.s32 @!p0 s1  }
0x8f: {  	[bflag:$0x3] =	sbarrier.arrive $0xFFFF  }
0x90: {  	_ =	shalt  }

// kernel: kernel.22.cloned.1.call-start
scs
__scs_entry_jumppad:
0x0: {  	(pc) =	sbr.rel $0x88, $3  }
0x1: {  	(tag) =	ssettag $0x0;
	lr =	simm.s32 $0x1  }
0x2: {  	[smem:$0x3F91] =	sst lr;
	_ =	strace $0xD0000000  }
0x3: {  	_ = 	snop  }
0x4: {  	_ = 	snop  }
0x5: {  	_ = 	snop  }
0x6: {  	_ = 	snop  }
0x7: {  	_ = 	snop  }
__scs_overlays_trampoline_lowered:
0x8: {  	[smem:$0x3FA0] =	sst s0  }
0x9: {  	[smem:$0x3FA1] =	sst s1  }
0xa: {  	[smem:$0x3FA2] =	sst s2  }
0xb: {  	[smem:$0x3FA3] =	sst s3  }
0xc: {  	[smem:$0x3FA4] =	sst s4  }
0xd: {  	[smem:$0x3FA5] =	sst s5  }
0xe: {  	[smem:$0x3FA6] =	sst s6  }
0xf: {  	[smem:$0x3FA7] =	sst s7  }
0x10: {  	[smem:$0x3FA8] =	sst s8  }
0x11: {  	[smem:$0x3FA9] =	sst s9;
	s0 =	simm.s32 @!p0 $0x0  }
0x12: {  	s1 =	sld [smem:$0x3F8F];
	s0 =	simm.s32 @p0 $0x1  }
0x13: {  	[smem:$0x3FAA] =	sst s0;
	s0 =	simm.s32 @!p1 $0x0  }
0x14: {  	s2 =	sld [smem:$0x3F8E];
	s0 =	simm.s32 @p1 $0x1  }
0x15: {  	[smem:$0x3FAB] =	sst s0;
	s0 =	simm.s32 @!p2 $0x0  }
0x16: {  	s3 =	sld [smem:$0x3FDB];
	s0 =	simm.s32 @p2 $0x1  }
0x17: {  	s4 =	simm.s32 $0x1BF5;
	[smem:$0x3FAD] =	sst s0  }
0x18: {  	s0 =	sld [smem:$0x3F90];
	_ =	swait.ge [sflag:s4], $0x0  }
0x19: {  	s7 =	sld [smem:$0x3F91]  }
0x1a: {  	s8 =	sadd.s32 $0xFFFFE003, lr  }
0x1b: {  	s9 =	sadd.s32 $0xFFFFFEF7, lr;
	s5 =	simm.s32 $0xFFFFFFFF;
	p2 =	slt.u32 s8, $0xFFFFF086  }
0x1c: {  	p1 =	slt.u32 s9, $0xF7A;
	s5 =	simm.s32 @!p2 $0x0  }
0x1d: {  	s5 =	simm.s32 @p1 $0x1;
	p0 =	seq.s32 s7, s2  }
0x1e: {  	s7 =	smul.u32 @!p0 $0xF7A, s2;
	p2 =	seq.s32 @!p0 s5, $0x0  }
0x1f: {  	s9 =	smul.u32 $0xF7A, s1;
	s8 =	simm.s32 @!p0 $0x1BF5;
	p2 =	por !p2, p0  }
0x20: {  	[sflag:s8] =	ssyncset.s32 @!p0 $0xFFFFF086;
	s6 =	sadd.s32 @!p0 s3, s7;
	s7 =	simm.s32 @!p0 $0x108  }
0x21: {  	s3 =	sadd.s32 s3, s9;
	s6 =	sadd.s32 @!p0 $0x88, s6;
	s7 =	simm.s32 @p2 $0x1082  }
0x22: {  	[simem:s7], [sflag:s8] =	dma.local @!p0 [hbm:s6], $0xF7A  }
0x23: {  	s9 =	sor.u32 $0xD0000000, s2;
	s6 =	simm.s32 $0x108;
	_ =	swait.ge @!p0 [sflag:s8], $0x0  }
0x24: {  	s3 =	sadd.s32 $0x88, s3;
	s6 =	simm.s32 @!p1 $0x1082;
	[sflag:s4] =	ssyncset.s32 $0xFFFFF086  }
0x25: {  	[simem:s6], [sflag:s4] =	dma.local [hbm:s3], $0xF7A  }
0x26: {  	[smem:$0x3F91] =	sst s1;
	(tag) =	ssettag s2;
	_ =	strace s9  }
0x27: {  	s1 =	sld [smem:$0x3FA1]  }
0x28: {  	s2 =	sld [smem:$0x3FA2]  }
0x29: {  	s4 =	sld [smem:$0x3FA4]  }
0x2a: {  	p0 =	seq.s32 s5, $0x0;
	s5 =	sld [smem:$0x3FA5]  }
0x2b: {  	s6 =	sld [smem:$0x3FA6]  }
0x2c: {  	s7 =	sld [smem:$0x3FA7]  }
0x2d: {  	s3 =	simm.s32 $0x108;
	s8 =	sld [smem:$0x3FA8]  }
0x2e: {  	s3 =	simm.s32 @!p0 $0x1082;
	s9 =	sld [smem:$0x3FA9]  }
0x2f: {  	lr =	sadd.s32 s0, s3;
	s0 =	sld [smem:$0x3FA0]  }
0x30: {  	s3 =	sld [smem:$0x3FA3]  }
0x31: {  	[smem:$0x3FAC] =	sst s10  }
0x32: {  	s10 =	sld [smem:$0x3FAA];
	_ =	sdelay $0x3  }
0x33: {  	p0 =	seq.s32 s10, $0x1;
	s10 =	sld [smem:$0x3FAC];
	_ =	sdelay $0x3  }
0x34: {  	[smem:$0x3FAC] =	sst s10  }
0x35: {  	s10 =	sld [smem:$0x3FAB];
	_ =	sdelay $0x3  }
0x36: {  	p1 =	seq.s32 s10, $0x1;
	s10 =	sld [smem:$0x3FAC];
	_ =	sdelay $0x3  }
0x37: {  	[smem:$0x3FAC] =	sst s10  }
0x38: {  	s10 =	sld [smem:$0x3FAD]  }
0x39: {  	_ = 	snop;
	(pc) =	sbr.ind lr, $3  }
0x3a: {  	_ = 	snop  }
0x3b: {  	_ = 	snop  }
0x3c: {  	p2 =	seq.s32 s10, $0x1;
	s10 =	sld [smem:$0x3FAC]  }
0x3d: {  	_ =	shalt  }
0x3e: {  	_ =	shalt  }
0x3f: {  	_ =	shalt  }
0x40: {  	_ =	shalt  }
0x41: {  	_ =	shalt  }
0x42: {  	_ =	shalt  }
0x43: {  	_ =	shalt  }
0x44: {  	_ =	shalt  }
0x45: {  	_ =	shalt  }
0x46: {  	_ =	shalt  }
0x47: {  	_ =	shalt  }
0x48: {  	_ =	shalt  }
0x49: {  	_ =	shalt  }
0x4a: {  	_ =	shalt  }
0x4b: {  	_ =	shalt  }
0x4c: {  	_ =	shalt  }
0x4d: {  	_ =	shalt  }
0x4e: {  	_ =	shalt  }
0x4f: {  	_ =	shalt  }
0x50: {  	_ =	shalt  }
0x51: {  	_ =	shalt  }
0x52: {  	_ =	shalt  }
0x53: {  	_ =	shalt  }
0x54: {  	_ =	shalt  }
0x55: {  	_ =	shalt  }
0x56: {  	_ =	shalt  }
0x57: {  	_ =	shalt  }
0x58: {  	_ =	shalt  }
0x59: {  	_ =	shalt  }
0x5a: {  	_ =	shalt  }
0x5b: {  	_ =	shalt  }
0x5c: {  	_ =	shalt  }
0x5d: {  	_ =	shalt  }
0x5e: {  	_ =	shalt  }
0x5f: {  	_ =	shalt  }
0x60: {  	_ =	shalt  }
0x61: {  	_ =	shalt  }
0x62: {  	_ =	shalt  }
0x63: {  	_ =	shalt  }
0x64: {  	_ =	shalt  }
0x65: {  	_ =	shalt  }
0x66: {  	_ =	shalt  }
0x67: {  	_ =	shalt  }
0x68: {  	_ =	shalt  }
0x69: {  	_ =	shalt  }
0x6a: {  	_ =	shalt  }
0x6b: {  	_ =	shalt  }
0x6c: {  	_ =	shalt  }
0x6d: {  	_ =	shalt  }
0x6e: {  	_ =	shalt  }
0x6f: {  	_ =	shalt  }
0x70: {  	_ =	shalt  }
0x71: {  	_ =	shalt  }
0x72: {  	_ =	shalt  }
0x73: {  	_ =	shalt  }
0x74: {  	_ =	shalt  }
0x75: {  	_ =	shalt  }
0x76: {  	_ =	shalt  }
0x77: {  	_ =	shalt  }
0x78: {  	_ =	shalt  }
0x79: {  	_ =	shalt  }
0x7a: {  	_ =	shalt  }
0x7b: {  	_ =	shalt  }
0x7c: {  	_ =	shalt  }
0x7d: {  	_ =	shalt  }
0x7e: {  	_ =	shalt  }
0x7f: {  	_ =	shalt  }
0x80: {  	_ =	shalt  }
0x81: {  	_ =	shalt  }
0x82: {  	_ =	shalt  }
0x83: {  	_ =	shalt  }
0x84: {  	_ =	shalt  }
0x85: {  	_ =	shalt  }
0x86: {  	_ =	shalt  }
0x87: {  	_ =	shalt  }
.Lfunc_end0:
.L_simem_size_0:
called_computation.3_lowered:
.L_overlay_start_0:
0x88: {  	s2 =	sld [smem:$0x3FD9]  }
0x89: {  	s3 =	sld [smem:$0x3FFE];
	_ =	sdelay $0x1  }
0x8a: {  	s1 =	srdreg.scid  }
0x8b: {  	s0 =	sand.u32 $0x1, s1  }
0x8c: {  	s17 =	sshll.u32 s0, $0xA;
	s2 =	sadd.s32 s3, s2  }
0x8d: {  	s2 =	sadd.s32 s2, s17  }
0x8e: {  	[smem:$0x3FB8] =	sst s2  }
0x8f: {  	_ = 	snop  }
0x90: {  	s2 =	sld [smem:$0x3FD0];
	(tm) =	ssettm $0x1  }
0x91: {  	s18 =	sld [smem:$0x3FFB];
	_ =	sdelay $0x3  }
0x92: {  	_ =	strace s18  }
0x93: {  	s3 =	sld [smem:$0x3FFC];
	_ =	sdelay $0x3  }
0x94: {  	_ =	strace s3  }
0x95: {  	s3 =	sld [smem:$0x3FFD];
	_ =	sdelay $0x3  }
0x96: {  	_ =	strace s3  }
0x97: {  	_ =	strace $0x8FFFFFFF  }
0x98: {  	s19 =	sld [smem:$0x3FDB];
	_ =	sdelay $0x1  }
0x99: {  	s4 =	simm.s32 $_scs_section_size  }
0x9a: {  	s5 =	simm.s32 $_size__tile_overlayer_lowered;
	s6 =	simm.s32 $_tile_overlayer_lowered  }
0x9b: {  	s22 =	simm.s32 $0x1BFF;
	s21 =	sshll.u32 s6, $0x1;
	s3 =	sadd.s32 s4, s19  }
0x9c: {  	s7 =	simm.s32 $0x0;
	s20 =	sshll.u32 s5, $0x1;
	s5 =	sadd.s32 s21, s3  }
0x9d: {  	[timem:s7], [sflag:s22] =	dma.local [hbm:s5], s20  }
0x9e: {  	_ =	swait.ge [sflag:s22], s20  }
0x9f: {  	s4 =	ssub.s32 $0x0, s20;
	[sflag:s22] =	ssyncset.done $0x0  }
0xa0: {  	[sflag:s22] =	ssyncadd.s32 s4;
	_ =	sdelay $0x1  }
0xa1: {  	s23 =	simm.s32 $0x1B8B  }
0xa2: {  	_ =	swait.ge [sflag:s23], $0x1  }
0xa3: {  	[sflag:s23] =	ssyncset.done $0x0  }
0xa4: {  	s25 =	simm.s32 $0x1B8E;
	s24 =	sld [smem:$0x3FFE];
	[sflag:s23] =	ssyncadd.s32 $0xFFFFFFFF  }
0xa5: {  	s26 =	simm.s32 $execute0_lowered;
	[smem:$0x3FD2] =	sst s25  }
0xa6: {  	s5 =	sshll.u32 s26, $0x1;
	_ =	strace $0x8000004F;
	[dreg:$0x1] =	wrdreg $0xFFFFFFFF  }
0xa7: {  	s28 =	simm.s32 $_size_execute0_lowered;
	s3 =	sadd.s32 s3, s5;
	[dreg:$0x0] =	wrdreg $0x0  }
0xa8: {  	s5 =	sshll.u32 s28, $0x1;
	[dreg:$0x2] =	wrdreg s3  }
0xa9: {  	[dreg:$0x3] =	wrdreg s5  }
0xaa: {  	[dreg:$0x4] =	wrdreg $0xC0  }
0xab: {  	_ =	task [dreg:s7], $0x5FFFF  }
0xac: {  	[dreg:$0x1] =	wrdreg $0xFFFFFFFF  }
0xad: {  	[dreg:$0x0] =	wrdreg $0x60  }
0xae: {  	[dreg:$0x2] =	wrdreg s24  }
0xaf: {  	[dreg:$0x3] =	wrdreg s2  }
0xb0: {  	[dreg:$0x4] =	wrdreg $0x9  }
0xb1: {  	_ =	task.clear_ibuf [dreg:s7], $0x5FFFF;
	_ =	strace $0x9000004F  }
0xb2: {  	s29 =	simm.s32 $0x9;
	_ =	strace $0x80000051  }
0xb3: {  	_ =	swait.ge [sflag:s29], $0x1  }
0xb4: {  	[sflag:s29] =	ssyncadd.s32 $0xFFFFFFFF  }
0xb5: {  	_ =	strace $0x90000051  }
0xb6: {  	_ =	sfence  }
0xb7: {  	s30 =	sld [smem:$0x0];
	_ =	sdelay $0x2  }
0xb8: {  	s31 =	sshll.u32 s1, $0xD;
	s1 =	sshrl.u32 s1, $0x2  }
0xb9: {  	s3 =	sand.u32 $0x4000, s31;
	s1 =	sadd.s32 s1, s30  }
0xba: {  	s0 =	sor.u32 s3, s0;
	s1 =	sshll.u32 s1, $0x11  }
0xbb: {  	s0 =	sor.u32 s1, s0  }
0xbc: {  	s0 =	sadd.s32 $0x8F2B, s0  }
0xbd: {  	[sflag:s0] =	ssyncadd.remote.s32 $0x1  }
0xbe: {  	_ =	sfence.sel $0xFFFF  }
0xbf: {  	[dreg:$0x0] =	wrdreg $0xFFFFFFFF;
	(pc) =	sbr.abs _section_cstart, $3  }
0xc0: {  	[dreg:$0x1] =	wrdreg $0xFFFFFFFF  }
0xc1: {  	_ =	task.clear_ibuf [dreg:s7], $0x2FFFF;
	_ =	strace $0x9FFFFFFF  }
0xc2: {  	(tm) =	ssettm $0x7FFFFFFF  }
0xc3: {  	_ =	shalt  }
tec
execute0_lowered:
.L_overlay_start_1:
0x0: {  	(tag) =	ssettag $0x1  }
0x1: {  	s5 =	rddreg [dreg:$0x0]  }
0x2: {  	s0 =	srdreg.scid;
	s8 =	rddreg [dreg:$0x1]  }
0x3: {  	s1 =	stileid.u32;
	s2 =	simm.s32 $0x0;
	s12 =	simm.s32 $0x4F00  }
0x4: {  	s13 =	simm.s32 $0x7680;
	s14 =	simm.s32 $0x9E00;
	s3 =	sand.u32 $0x1, s0  }
0x5: {  	s15 =	simm.s32 $0xC580;
	s0 =	rddreg [dreg:$0x2];
	s4 =	sshll.u32 s3, $0x4  }
0x6: {  	s16 =	simm.s32 $0x0;
	[smem:$0x7FF] =	sst s2;
	s4 =	sor.u32 s1, s4  }
0x7: {  	s6 =	ssub.s32 $0x2, s3;
	_ =	strace $0x80000050;
	s9 =	smul.u32 $0x4E2, s4  }
0x8: {  	s3 =	sadd.s32 $0xE2000, s5;
	s7 =	sshrl.u32 s6, $0x1;
	s4 =	sadd.s32 $0xE1A00, s5  }
0x9: {  	s11 =	ssub.s32 s6, s7;
	s10 =	sadd.s32 s9, s5;
	s8 =	sadd.s32 s8, s9  }
0xa: {  	s9 =	smax.u32 s11, $0x1;
	s11 =	simm.s32 $0x2780;
	s5 =	sadd.s32 $0x12A00, s10  }
0xb: {  	s6 =	sadd.s32 $0x8C00, s10;
	s7 =	sadd.s32 $0x1C800, s10;
	s10 =	simm.s32 $0x1  }
.LBB2_1:
0xc: {  	[tilespmem:s2], [sflag:$0x1] =	stream.linear.gather [hbm4b:s3+s2], $0x2780, $0x38;
	[tilespmem:$0xED00] =	vst v63  }
0xd: {  	_ =	swait.ge [sflag:s10], $0x2780  }
0xe: {  	[sflag:s10] =	ssyncset.done $0x0  }
0xf: {  	[sflag:s10] =	ssyncadd.s32 $0xFFFFD880  }
0x10: {  	[tilespmem:s11], [sflag:$0x1] =	stream.linear.gather [hbm4b:s4+s2], $0x2780, $0x38;
	[tilespmem:$0xED00] =	vst v63  }
0x11: {  	_ =	swait.ge [sflag:s10], $0x2780  }
0x12: {  	[sflag:s10] =	ssyncset.done $0x0  }
0x13: {  	[sflag:s10] =	ssyncadd.s32 $0xFFFFD880  }
0x14: {  	[tilespmem:s12], [sflag:$0x1] =	stream.linear.gather [hbm4b:s5+s2], $0x2710, $0x38;
	[tilespmem:$0xED00] =	vst v63  }
0x15: {  	_ =	swait.ge [sflag:s10], $0x2710  }
0x16: {  	[sflag:s10] =	ssyncset.done $0x0  }
0x17: {  	[sflag:s10] =	ssyncadd.s32 $0xFFFFD8F0  }
0x18: {  	[tilespmem:s13], [sflag:$0x1] =	stream.linear.gather [hbm4b:s6+s2], $0x2710, $0x38;
	[tilespmem:$0xED00] =	vst v63  }
0x19: {  	_ =	swait.ge [sflag:s10], $0x2710  }
0x1a: {  	[sflag:s10] =	ssyncset.done $0x0  }
0x1b: {  	[sflag:s10] =	ssyncadd.s32 $0xFFFFD8F0  }
0x1c: {  	[tilespmem:s14], [sflag:$0x1] =	stream.linear.gather [hbm4b:s7+s2], $0x2710, $0x38;
	[tilespmem:$0xED00] =	vst v63  }
0x1d: {  	_ =	swait.ge [sflag:s10], $0x2710  }
0x1e: {  	[sflag:s10] =	ssyncset.done $0x0  }
0x1f: {  	s17 =	simm.s32 $0x0;
	[sflag:s10] =	ssyncadd.s32 $0xFFFFD8F0  }
0x20: {  	v0 =	vld [tilespmem:s17+$0x7680]  }
0x21: {  	v1 =	vld [tilespmem:s17+$0x4F00];
	_ =	sdelay $0x6  }
0x22: {  	v0 =	vld.idx.msk [tilespmem:v0+s11+$0x0], $0xffff  }
0x23: {  	v2 =	vld.idx.msk [tilespmem:v1+s2+$0x0], $0xffff  }
0x24: {  	s18 =	simm.s32 $0x10;
	v3 =	vld [tilespmem:s17+$0x9E00]  }
0x25: {  	s19 =	simm.s32 $0x80;
	v1 =	vld [tilespmem:s18+$0x7680]  }
.LBB2_2:
0x26: {  	p0 =	sne.s32 s19, $0x9C00;
	v4 =	vld [tilespmem:s18+$0x4F00];
	_ =	sdelay $0x1  }
0x27: {  	v0 =	vadd.f32 v0, v2;
	_ =	sdelay $0x1  }
0x28: {  	v0 =	vadd.f32 v3, v0;
	_ =	sdelay $0x1  }
0x29: {  	[tilespmem:s17+$0xC580] =	vst v0;
	s17 =	smov.u32 s18  }
.Ltmp0:
0x2a: {  	v0 =	vld.idx.msk [tilespmem:v1+s11+$0x0], $0xffff;
	(pc) =	sbr.rel @p0 .LBB2_2-.Ltmp0, $3  }
0x2b: {  	v2 =	vld.idx.msk [tilespmem:v4+s2+$0x0], $0xffff;
	_ =	sdelay $0x1  }
0x2c: {  	s18 =	sshra.s32 s19, $0x2;
	v3 =	vld [tilespmem:s17+$0x9E00]  }
0x2d: {  	s19 =	sadd.s32 $0x40, s19;
	v1 =	vld [tilespmem:s18+$0x7680]  }
0x2e: {  	_ = 	snop  }
0x2f: {  	v4 =	vld [tilespmem:s18+$0x4F00];
	_ =	sdelay $0x1  }
0x30: {  	v0 =	vadd.f32 v0, v2;
	_ =	sdelay $0x1  }
0x31: {  	v0 =	vadd.f32 v3, v0;
	_ =	sdelay $0x1  }
0x32: {  	[tilespmem:s17+$0xC580] =	vst v0  }
0x33: {  	v0 =	vld.idx.msk [tilespmem:v1+s11+$0x0], $0xffff  }
0x34: {  	v62 =	vld.idx.msk [tilespmem:v4+s2+$0x0], $0xffff;
	_ =	sdelay $0x1  }
0x35: {  	v63 =	vld [tilespmem:s18+$0x9E00];
	_ =	sdelay $0x2  }
0x36: {  	v0 =	vadd.f32 v0, v62;
	_ =	sdelay $0x1  }
0x37: {  	s16 =	sadd.s32 $0x1, s16;
	v0 =	vadd.f32 v63, v0  }
0x38: {  	p0 =	sne.s32 s16, s9  }
.Ltmp1:
0x39: {  	[tilespmem:s18+$0xC580] =	vst v0;
	(pc) =	sbr.rel @p0 .LBB2_1-.Ltmp1, $4  }
0x3a: {  	[hbm4b:s8+s2] =	stream.linear.scatter [tilespmem:s15], [sflag:$0x1], $0x2710, $0x38;
	[tilespmem:$0xED00] =	vst v63  }
0x3b: {  	_ =	swait.ge [sflag:s10], $0x2710  }
0x3c: {  	[sflag:s10] =	ssyncset.done $0x0  }
0x3d: {  	[sflag:s10] =	ssyncadd.s32 $0xFFFFD8F0  }
0x3e: {  	_ =	sfence.sel $0x180000  }
0x3f: {  	[bflag:$0x0] =	sbarrier.arrive $0xFFFF  }
0x40: {  	p0 =	sne.s32 s1, $0x0;
	_ =	strace $0x90000050  }
0x41: {  	s0 =	sadd.s32 @!p0 $0x100000, s0;
	[bflag:$0x2] =	sbarrier.arrive $0xFFFF  }
0x42: {  	[sflag:s0] =	ssyncadd.tile.s32 @!p0 $0x1;
	_ =	shalt  }
.Lfunc_end2:
_tile_overlayer_lowered:
.L_overlay_start_2:
0x43: {  	(tag) =	ssettag $0x2  }
0x44: {  	s0 =	rddreg [dreg:$0x0];
	s2 =	stileid.u32  }
0x45: {  	s1 =	rddreg [dreg:$0x1];
	p0 =	sne.s32 s2, $0x0  }
0x46: {  	s3 =	rddreg [dreg:$0x2];
	[bflag:$0x3] =	sbarrier.arrive $0xFFFF;
	s2 =	simm.s32 @!p0 $0x1C01  }
0x47: {  	[timem:s3], [sflag:s2] =	dma.local @!p0 [hbm:s0], s1  }
0x48: {  	s0 =	simm.s32 @!p0 $0x1  }
0x49: {  	_ =	swait.ge @!p0 [sflag:s0], s1  }
0x4a: {  	s1 =	ssub.s32 @!p0 $0x0, s1;
	[sflag:s0] =	ssyncset.done @!p0 $0x0  }
0x4b: {  	[sflag:s0] =	ssyncadd.s32 @!p0 s1  }
0x4c: {  	[bflag:$0x3] =	sbarrier.arrive $0xFFFF  }
0x4d: {  	_ =	shalt  }

</sc_bundles>
